<compile_context>
chip_gen: v7x
topology: tpu7x:2x2x1
jax: 0.10.2.dev20260603
libtpu: 0.0.44.dev20260713+nightly
codegen_flags: <defaults>
</compile_context>

<pallas_src>
import functools

import jax
import jax.numpy as jnp
from jax import lax
from jax.experimental import pallas as pl
from jax.experimental.pallas import tpu as pltpu
from jax.experimental.pallas import tpu_sc as plsc

N = 50000
E = 800000
D_A = 75
D_P = 14

CP = 64
XCOL = 128

NC = 2
NS = 16
NW = NC * NS

K = 128
EPT = 25088
EPAD = NW * EPT
NCHUNK = EPT // K

RNG = 12544
PA_ROWS = 4 * RNG
ACC_ROWS = 12800
OPT = RNG // NS


def _relu(x):
    return jnp.maximum(x, 0.0)



def _tc1_body(af_ref, wx_ref, out_ref):
    out_ref[...] = jnp.dot(af_ref[...], wx_ref[...],
                           preferred_element_type=jnp.float32)


def _tc2_body(pf_ref, wpa_ref, bpa_ref, out_ref):
    out_ref[...] = _relu(
        jnp.dot(pf_ref[...], wpa_ref[...],
                preferred_element_type=jnp.float32) + bpa_ref[...])


def _tc3_body(af_ref, pa_ref, waa_ref, baa_ref, wtop_ref, wbot_ref,
              bao_ref, out_ref):
    aa = _relu(jnp.dot(af_ref[...], waa_ref[...],
                       preferred_element_type=jnp.float32) + baa_ref[...])
    acc = jnp.dot(aa, wtop_ref[...], preferred_element_type=jnp.float32)
    acc = acc + jnp.dot(pa_ref[...], wbot_ref[...],
                        preferred_element_type=jnp.float32)
    out_ref[...] = _relu(acc + bao_ref[...])


def _tc4_body(s_ref, pf_ref, wtop_ref, wpp_ref, bpp_ref, wbot_ref,
              bpo_ref, out_ref):
    pp = _relu(jnp.dot(pf_ref[...], wpp_ref[...],
                       preferred_element_type=jnp.float32) + bpp_ref[...])
    acc = jnp.dot(s_ref[...], wtop_ref[...],
                  preferred_element_type=jnp.float32)
    acc = acc + jnp.dot(pp, wbot_ref[...], preferred_element_type=jnp.float32)
    out_ref[...] = _relu(acc + bpo_ref[...])



def _sc_seg_body(pae_hbm, split_hbm, pa_out, data_v, idx_v, acc_sh):
    cid = lax.axis_index("c")
    sid = lax.axis_index("s")
    wid = sid * NC + cid

    zeros16 = jnp.zeros((16,), jnp.float32)

    def _zrow(r, _):
        for cb in range(CP // 16):
            data_v[r, pl.ds(cb * 16, 16)] = zeros16
        return 0
    lax.fori_loop(0, K, _zrow, 0)

    rpt = ACC_ROWS // NS

    def _zero_acc():
        for z in range(rpt // K):
            pltpu.sync_copy(data_v, acc_sh.at[pl.ds(sid * rpt + z * K, K)])
        zrem = rpt % K
        pltpu.sync_copy(data_v.at[pl.ds(0, zrem)],
                        acc_sh.at[pl.ds(sid * rpt + (rpt // K) * K, zrem)])

    _zero_acc()
    plsc.subcore_barrier()

    for p in range(2):
        seg_base = (cid + 2 * p) * RNG

        def _seg_loop(g, _, seg_base=seg_base):
            start = wid * EPT + g * K
            pltpu.sync_copy(split_hbm.at[pl.ds(start, K)], idx_v)
            pltpu.sync_copy(pae_hbm.at[pl.ds(start, K)], data_v)

            def _fix(q, _):
                v = idx_v[pl.ds(q * 16, 16)]
                local = v - seg_base
                valid = (local >= 0) & (local < RNG)
                idx_v[pl.ds(q * 16, 16)] = jnp.where(valid, local, RNG)
                return 0
            lax.fori_loop(0, K // 16, _fix, 0)

            pltpu.sync_copy(data_v, acc_sh.at[idx_v], add=True)
            return 0

        lax.fori_loop(0, NCHUNK, _seg_loop, 0)
        plsc.subcore_barrier()

        for z in range(OPT // K):
            off = sid * OPT + z * K
            pltpu.sync_copy(acc_sh.at[pl.ds(off, K)], data_v)
            pltpu.sync_copy(data_v, pa_out.at[pl.ds(seg_base + off, K)])
        orem = OPT % K
        off = sid * OPT + (OPT // K) * K
        pltpu.sync_copy(acc_sh.at[pl.ds(off, orem)], data_v.at[pl.ds(0, orem)])
        pltpu.sync_copy(data_v.at[pl.ds(0, orem)],
                        pa_out.at[pl.ds(seg_base + off, orem)])

        if p == 0:
            plsc.subcore_barrier()
            lax.fori_loop(0, K, _zrow, 0)
            _zero_acc()
            plsc.subcore_barrier()


def _sc_gat_body(x12_hbm, bap_hbm, ii_hbm, jj_hbm, s_out,
                 ii_a, jj_a, gi_a, gj_a, sem_a,
                 ii_b, jj_b, gi_b, gj_b, sem_b,
                 s_v, bap_v):
    cid = lax.axis_index("c")
    sid = lax.axis_index("s")
    wid = sid * NC + cid
    base = wid * EPT

    pltpu.sync_copy(bap_hbm, bap_v)

    def _fire(g, ii_v, jj_v, gi_v, gj_v, sem):
        start = base + g * K
        pltpu.sync_copy(ii_hbm.at[pl.ds(start, K)], ii_v)
        pltpu.sync_copy(jj_hbm.at[pl.ds(start, K)], jj_v)
        pltpu.async_copy(x12_hbm.at[ii_v], gi_v, sem)
        pltpu.async_copy(x12_hbm.at[jj_v], gj_v, sem)

    def _step(g, ii_v, jj_v, gi_v, gj_v, sem,
              nii, njj, ngi, ngj, nsem):
        @pl.when(g + 1 < NCHUNK)
        def _():
            _fire(g + 1, nii, njj, ngi, ngj, nsem)

        pltpu.make_async_copy(x12_hbm.at[ii_v], gi_v, sem).wait()
        pltpu.make_async_copy(x12_hbm.at[jj_v], gj_v, sem).wait()

        def _row(r, _):
            for cb in range(CP // 16):
                o = cb * 16
                bb = bap_v[pl.ds(o, 16)]
                u = gi_v[r, pl.ds(o, 16)] + gj_v[r, pl.ds(64 + o, 16)] + bb
                v = gj_v[r, pl.ds(o, 16)] + gi_v[r, pl.ds(64 + o, 16)] + bb
                s_v[r, pl.ds(o, 16)] = (jnp.maximum(u, 0.0) +
                                        jnp.maximum(v, 0.0))
            return 0
        lax.fori_loop(0, K, _row, 0)

        pltpu.sync_copy(s_v, s_out.at[pl.ds(base + g * K, K)])

    _fire(0, ii_a, jj_a, gi_a, gj_a, sem_a)

    def _gat_loop(g, _):
        @pl.when(g % 2 == 0)
        def _():
            _step(g, ii_a, jj_a, gi_a, gj_a, sem_a,
                  ii_b, jj_b, gi_b, gj_b, sem_b)

        @pl.when(g % 2 == 1)
        def _():
            _step(g, ii_b, jj_b, gi_b, gj_b, sem_b,
                  ii_a, jj_a, gi_a, gj_a, sem_a)
        return 0

    lax.fori_loop(0, NCHUNK, _gat_loop, 0)


def _sc_calls(pae, split_pad, x12, bap_pad, ii_pad, jj_pad):
    mesh = plsc.VectorSubcoreMesh(core_axis_name="c", subcore_axis_name="s")
    seg = functools.partial(
        pl.kernel,
        out_type=jax.ShapeDtypeStruct((PA_ROWS, CP), jnp.float32),
        mesh=mesh,
        scratch_types=[
            pltpu.VMEM((K, CP), jnp.float32),
            pltpu.VMEM((K,), jnp.int32),
            pltpu.VMEM_SHARED((ACC_ROWS, CP), jnp.float32),
        ],
    )(_sc_seg_body)
    pa = seg(pae, split_pad)

    gat = functools.partial(
        pl.kernel,
        out_type=jax.ShapeDtypeStruct((EPAD, CP), jnp.float32),
        mesh=mesh,
        scratch_types=[
            pltpu.VMEM((K,), jnp.int32),
            pltpu.VMEM((K,), jnp.int32),
            pltpu.VMEM((K, XCOL), jnp.float32),
            pltpu.VMEM((K, XCOL), jnp.float32),
            pltpu.SemaphoreType.DMA,
            pltpu.VMEM((K,), jnp.int32),
            pltpu.VMEM((K,), jnp.int32),
            pltpu.VMEM((K, XCOL), jnp.float32),
            pltpu.VMEM((K, XCOL), jnp.float32),
            pltpu.SemaphoreType.DMA,
            pltpu.VMEM((K, CP), jnp.float32),
            pltpu.VMEM((CP,), jnp.float32),
        ],
    )(_sc_gat_body)
    s = gat(x12, bap_pad, ii_pad, jj_pad)
    return pa, s



@jax.jit
def _run(atom_features, pair_features, pair_split, atom_to_pair,
         W_aa, b_aa, W_pa, b_pa, W_ao, b_ao, W_ap, b_ap, W_pp, b_pp,
         W_po, b_po):
    f32 = jnp.float32

    W_x = jnp.zeros((D_A, XCOL), f32)
    W_x = W_x.at[:, 0:50].set(W_ap[:D_A])
    W_x = W_x.at[:, 64:114].set(W_ap[D_A:])

    W_pa_pad = jnp.zeros((D_P, CP), f32).at[:, :50].set(W_pa)
    b_pa_pad = jnp.zeros((1, CP), f32).at[0, :50].set(b_pa)
    b_ap_pad = jnp.zeros((CP,), f32).at[:50].set(b_ap)

    W_ao_top = W_ao[:100]
    W_ao_bot = jnp.zeros((CP, 50), f32).at[:50].set(W_ao[100:])
    W_po_top = jnp.zeros((CP, 50), f32).at[:50].set(W_po[:50])
    W_po_bot = W_po[50:]

    b_aa2 = b_aa.reshape(1, 100)
    b_ao2 = b_ao.reshape(1, 50)
    b_pp2 = b_pp.reshape(1, 50)
    b_po2 = b_po.reshape(1, 50)

    split_pad = jnp.concatenate(
        [pair_split.astype(jnp.int32), jnp.full((EPAD - E,), N, jnp.int32)])
    a2p = atom_to_pair.astype(jnp.int32)
    zpad = jnp.zeros((EPAD - E,), jnp.int32)
    ii_pad = jnp.concatenate([a2p[:, 0], zpad])
    jj_pad = jnp.concatenate([a2p[:, 1], zpad])

    BN = 2000
    x12 = pl.pallas_call(
        _tc1_body,
        grid=(N // BN,),
        in_specs=[
            pl.BlockSpec((BN, D_A), lambda i: (i, 0)),
            pl.BlockSpec((D_A, XCOL), lambda i: (0, 0)),
        ],
        out_specs=pl.BlockSpec((BN, XCOL), lambda i: (i, 0)),
        out_shape=jax.ShapeDtypeStruct((N, XCOL), f32),
    )(atom_features, W_x)

    BE = 4096
    GE = EPAD // BE
    pae = pl.pallas_call(
        _tc2_body,
        grid=(GE,),
        in_specs=[
            pl.BlockSpec((BE, D_P), lambda i: (i, 0)),
            pl.BlockSpec((D_P, CP), lambda i: (0, 0)),
            pl.BlockSpec((1, CP), lambda i: (0, 0)),
        ],
        out_specs=pl.BlockSpec((BE, CP), lambda i: (i, 0)),
        out_shape=jax.ShapeDtypeStruct((EPAD, CP), f32),
    )(pair_features, W_pa_pad, b_pa_pad)

    pa, s = _sc_calls(pae, split_pad, x12, b_ap_pad, ii_pad, jj_pad)

    A = pl.pallas_call(
        _tc3_body,
        grid=(N // BN,),
        in_specs=[
            pl.BlockSpec((BN, D_A), lambda i: (i, 0)),
            pl.BlockSpec((BN, CP), lambda i: (i, 0)),
            pl.BlockSpec((D_A, 100), lambda i: (0, 0)),
            pl.BlockSpec((1, 100), lambda i: (0, 0)),
            pl.BlockSpec((100, 50), lambda i: (0, 0)),
            pl.BlockSpec((CP, 50), lambda i: (0, 0)),
            pl.BlockSpec((1, 50), lambda i: (0, 0)),
        ],
        out_specs=pl.BlockSpec((BN, 50), lambda i: (i, 0)),
        out_shape=jax.ShapeDtypeStruct((N, 50), f32),
    )(atom_features, pa, W_aa, b_aa2, W_ao_top, W_ao_bot, b_ao2)

    P = pl.pallas_call(
        _tc4_body,
        grid=(GE,),
        in_specs=[
            pl.BlockSpec((BE, CP), lambda i: (i, 0)),
            pl.BlockSpec((BE, D_P), lambda i: (i, 0)),
            pl.BlockSpec((CP, 50), lambda i: (0, 0)),
            pl.BlockSpec((D_P, 50), lambda i: (0, 0)),
            pl.BlockSpec((1, 50), lambda i: (0, 0)),
            pl.BlockSpec((50, 50), lambda i: (0, 0)),
            pl.BlockSpec((1, 50), lambda i: (0, 0)),
        ],
        out_specs=pl.BlockSpec((BE, 50), lambda i: (i, 0)),
        out_shape=jax.ShapeDtypeStruct((E, 50), f32),
    )(s, pair_features, W_po_top, W_pp, b_pp2, W_po_bot, b_po2)

    return (A, P)


def kernel(atom_features, pair_features, pair_split, atom_to_pair,
           W_aa, b_aa, W_pa, b_pa, W_ao, b_ao, W_ap, b_ap, W_pp, b_pp,
           W_po, b_po):
    return _run(atom_features, pair_features, pair_split, atom_to_pair,
                W_aa, b_aa, W_pa, b_pa, W_ao, b_ao, W_ap, b_ap,
                W_pp, b_pp, W_po, b_po)

# --- scband reference (transcript-rebuilt; emitter-appended) ---
"""Pipeline reference for scband-weave-layer-14705968022036 (READ-ONLY COPY).

The authoritative reference and input builder live on the scoring server;
editing this copy changes nothing except your own understanding.
"""

import jax, jax.numpy as jnp
import numpy as np

N = 50000
E = 800000
D_A = 75
D_P = 14

def _glorot(key, shape):
    fan_in, fan_out = shape
    lim = np.sqrt(6.0 / (fan_in + fan_out))
    return jax.random.uniform(key, shape, jnp.float32, -lim, lim)

def setup_inputs(seed: int = 0):
    key = jax.random.key(seed)
    ks = jax.random.split(key, 12)
    inp = {}
    inp['atom_features'] = jax.random.normal(ks[0], (N, D_A), jnp.float32)
    inp['pair_features'] = jax.random.normal(ks[1], (E, D_P), jnp.float32)
    inp['pair_split'] = jnp.sort(jax.random.randint(ks[2], (E,), 0, N))
    inp['atom_to_pair'] = jax.random.randint(ks[3], (E, 2), 0, N)
    inp['W_aa'] = _glorot(ks[4], (D_A, 100)); inp['b_aa'] = jnp.zeros((100,), jnp.float32)
    inp['W_pa'] = _glorot(ks[5], (D_P, 50)); inp['b_pa'] = jnp.zeros((50,), jnp.float32)
    inp['W_ao'] = _glorot(ks[6], (150, 50)); inp['b_ao'] = jnp.zeros((50,), jnp.float32)
    inp['W_ap'] = _glorot(ks[7], (150, 50)); inp['b_ap'] = jnp.zeros((50,), jnp.float32)
    inp['W_pp'] = _glorot(ks[8], (D_P, 50)); inp['b_pp'] = jnp.zeros((50,), jnp.float32)
    inp['W_po'] = _glorot(ks[9], (100, 50)); inp['b_po'] = jnp.zeros((50,), jnp.float32)
    return inp

def reference(atom_features, pair_features, pair_split, atom_to_pair, W_aa, b_aa, W_pa, b_pa, W_ao, b_ao, W_ap, b_ap, W_pp, b_pp, W_po, b_po):
    relu = lambda t: jnp.maximum(t, 0.0)
    AA = relu(atom_features @ W_aa + b_aa)
    PA = relu(pair_features @ W_pa + b_pa)
    PA = jax.ops.segment_sum(PA, pair_split, num_segments=atom_features.shape[0])
    atom_hidden = jnp.concatenate([AA, PA], axis=-1)
    A = relu(atom_hidden @ W_ao + b_ao)
    g_ij = jnp.take(atom_features, atom_to_pair, axis=0).reshape(-1, 2 * D_A)
    g_ji = jnp.take(atom_features, atom_to_pair[:, ::-1], axis=0).reshape(-1, 2 * D_A)
    AP_ij = relu(g_ij @ W_ap + b_ap)
    AP_ji = relu(g_ji @ W_ap + b_ap)
    PP = relu(pair_features @ W_pp + b_pp)
    P = relu(jnp.concatenate([AP_ij + AP_ji, PP], axis=-1) @ W_po + b_po)
    return (A, P)

if __name__ == "__main__":
    import jax
    _d = setup_inputs()
    print(jax.jit(kernel)(*tuple(_d.values())))

</pallas_src>

<mosaic_0001>
#map = affine_map<(d0, d1) -> (0, 0)>
#map1 = affine_map<(d0, d1) -> (0)>
module attributes {stable_mosaic.version = 14 : i64} {
  func.func @_sc_seg_body(%arg0: i32, %arg1: i32, %arg2: memref<802816x64xf32, #tpu.memory_space<hbm>>, %arg3: memref<802816xi32, #tpu.memory_space<hbm>>, %arg4: memref<50176x64xf32, #tpu.memory_space<hbm>>, %arg5: memref<128x64xf32, #tpu.memory_space<vmem>>, %arg6: memref<128xi32, #tpu.memory_space<vmem>>, %arg7: memref<12800x64xf32, #tpu.memory_space<vmem_shared>>) attributes {dimension_semantics = [#tpu.dimension_semantics<core_parallel>, #tpu.dimension_semantics<subcore_parallel>], iteration_bounds = array<i64: 2, 16>, scalar_prefetch = 0 : i64, scratch_operands = 3 : i64, tpu.core_type = #tpu.core_type<sc_vector_subcore>, window_params = [{transform_indices = #map}, {transform_indices = #map1}, {transform_indices = #map}]} {
    %mul3A = arith.constant 2 : i32
    %mul3A_0 = arith.muli %arg1, %mul3A : i32
    %add3A = arith.addi %mul3A_0, %arg0 : i32
    %broadcast_in_dim3A = arith.constant 0.000000e+00 : f32
    %broadcast_in_dim3A_1 = vector.broadcast %broadcast_in_dim3A : f32 to vector<16xf32>
    %scan3A = arith.constant 0 : i32
    %scan3A_2 = arith.constant 0 : i32
    %scan3A_3 = arith.constant 128 : i32
    %scan3A_4 = arith.addi %scan3A_2, %scan3A_3 : i32
    %scan3A_5 = arith.constant 1 : i32
    %scan3A_6 = scf.for %scan3A_167 = %scan3A_2 to %scan3A_4 step %scan3A_5 iter_args(%scan3A_168 = %scan3A) -> (i32)  : i32 {
      %swap3A = arith.index_cast %scan3A_167 : i32 to index
      %swap3A_169 = arith.constant 0 : index
      %swap3A_170 = tpu.vector_load %arg5[%swap3A, %swap3A_169] {strides = array<i32>} : memref<128x64xf32, #tpu.memory_space<vmem>>, vector<1x16xf32>,
      %swap3A_171 = vector.shape_cast %swap3A_170 : vector<1x16xf32> to vector<16xf32>
      %swap3A_172 = vector.shape_cast %broadcast_in_dim3A_1 : vector<16xf32> to vector<1x16xf32>
      tpu.vector_store %arg5[%swap3A, %swap3A_169], %swap3A_172 {strides = array<i32>} : memref<128x64xf32, #tpu.memory_space<vmem>>, vector<1x16xf32>,
      %swap3A_173 = arith.index_cast %scan3A_167 : i32 to index
      %swap3A_174 = arith.constant 16 : index
      %swap3A_175 = tpu.vector_load %arg5[%swap3A_173, %swap3A_174] {strides = array<i32>} : memref<128x64xf32, #tpu.memory_space<vmem>>, vector<1x16xf32>,
      %swap3A_176 = vector.shape_cast %swap3A_175 : vector<1x16xf32> to vector<16xf32>
      %swap3A_177 = vector.shape_cast %broadcast_in_dim3A_1 : vector<16xf32> to vector<1x16xf32>
      tpu.vector_store %arg5[%swap3A_173, %swap3A_174], %swap3A_177 {strides = array<i32>} : memref<128x64xf32, #tpu.memory_space<vmem>>, vector<1x16xf32>,
      %swap3A_178 = arith.index_cast %scan3A_167 : i32 to index
      %swap3A_179 = arith.constant 32 : index
      %swap3A_180 = tpu.vector_load %arg5[%swap3A_178, %swap3A_179] {strides = array<i32>} : memref<128x64xf32, #tpu.memory_space<vmem>>, vector<1x16xf32>,
      %swap3A_181 = vector.shape_cast %swap3A_180 : vector<1x16xf32> to vector<16xf32>
      %swap3A_182 = vector.shape_cast %broadcast_in_dim3A_1 : vector<16xf32> to vector<1x16xf32>
      tpu.vector_store %arg5[%swap3A_178, %swap3A_179], %swap3A_182 {strides = array<i32>} : memref<128x64xf32, #tpu.memory_space<vmem>>, vector<1x16xf32>,
      %swap3A_183 = arith.index_cast %scan3A_167 : i32 to index
      %swap3A_184 = arith.constant 48 : index
      %swap3A_185 = tpu.vector_load %arg5[%swap3A_183, %swap3A_184] {strides = array<i32>} : memref<128x64xf32, #tpu.memory_space<vmem>>, vector<1x16xf32>,
      %swap3A_186 = vector.shape_cast %swap3A_185 : vector<1x16xf32> to vector<16xf32>
      %swap3A_187 = vector.shape_cast %broadcast_in_dim3A_1 : vector<16xf32> to vector<1x16xf32>
      tpu.vector_store %arg5[%swap3A_183, %swap3A_184], %swap3A_187 {strides = array<i32>} : memref<128x64xf32, #tpu.memory_space<vmem>>, vector<1x16xf32>,
      %scan3A_188 = arith.constant 0 : i32
      scf.yield %scan3A_188 : i32
    }
    %scan3A_7 = arith.constant 128 : i32
    %mul3A_8 = arith.constant 800 : i32
    %mul3A_9 = arith.muli %arg1, %mul3A_8 : i32
    %add3A_10 = arith.constant 0 : i32
    %add3A_11 = arith.addi %mul3A_9, %add3A_10 : i32
    "tpu.region"() ({
      %run_scoped3A = tpu.sem_alloc : memref<!tpu.dma_semaphore, #tpu.memory_space<semaphore_mem>>
      %dma_start3A = arith.constant 0 : i32
      %dma_start3A_167 = tpu.memref_slice %arg7[%add3A_11, %dma_start3A] : memref<12800x64xf32, #tpu.memory_space<vmem_shared>> -> memref<128x64xf32, #tpu.memory_space<vmem_shared>>
      %dma_start3A_168 = arith.constant 0 : i32
      %dma_start3A_169 = tpu.memref_slice %arg7[%add3A_11, %dma_start3A_168] : memref<12800x64xf32, #tpu.memory_space<vmem_shared>> -> memref<128x64xf32, #tpu.memory_space<vmem_shared>>
      tpu.enqueue_dma source(%arg5 : memref<128x64xf32, #tpu.memory_space<vmem>>) target(%dma_start3A_169 : memref<128x64xf32, #tpu.memory_space<vmem_shared>>) target_semaphore(%run_scoped3A : memref<!tpu.dma_semaphore, #tpu.memory_space<semaphore_mem>>)
      %dma_wait3A = arith.constant 0 : i32
      %dma_wait3A_170 = tpu.memref_slice %arg7[%add3A_11, %dma_wait3A] : memref<12800x64xf32, #tpu.memory_space<vmem_shared>> -> memref<128x64xf32, #tpu.memory_space<vmem_shared>>
      %dma_wait3A_171 = arith.constant 0 : i32
      %dma_wait3A_172 = tpu.memref_slice %arg7[%add3A_11, %dma_wait3A_171] : memref<12800x64xf32, #tpu.memory_space<vmem_shared>> -> memref<128x64xf32, #tpu.memory_space<vmem_shared>>
      tpu.wait_dma2 semaphore(%run_scoped3A : memref<!tpu.dma_semaphore, #tpu.memory_space<semaphore_mem>>) src(%arg5 : memref<128x64xf32, #tpu.memory_space<vmem>>) dst(%dma_wait3A_172 : memref<128x64xf32, #tpu.memory_space<vmem_shared>>)
      tpu.yield
    }) : () -> ()
    %mul3A_12 = arith.constant 800 : i32
    %mul3A_13 = arith.muli %arg1, %mul3A_12 : i32
    %add3A_14 = arith.constant 128 : i32
    %add3A_15 = arith.addi %mul3A_13, %add3A_14 : i32
    "tpu.region"() ({
      %run_scoped3A = tpu.sem_alloc : memref<!tpu.dma_semaphore, #tpu.memory_space<semaphore_mem>>
      %dma_start3A = arith.constant 0 : i32
      %dma_start3A_167 = tpu.memref_slice %arg7[%add3A_15, %dma_start3A] : memref<12800x64xf32, #tpu.memory_space<vmem_shared>> -> memref<128x64xf32, #tpu.memory_space<vmem_shared>>
      %dma_start3A_168 = arith.constant 0 : i32
      %dma_start3A_169 = tpu.memref_slice %arg7[%add3A_15, %dma_start3A_168] : memref<12800x64xf32, #tpu.memory_space<vmem_shared>> -> memref<128x64xf32, #tpu.memory_space<vmem_shared>>
      tpu.enqueue_dma source(%arg5 : memref<128x64xf32, #tpu.memory_space<vmem>>) target(%dma_start3A_169 : memref<128x64xf32, #tpu.memory_space<vmem_shared>>) target_semaphore(%run_scoped3A : memref<!tpu.dma_semaphore, #tpu.memory_space<semaphore_mem>>)
      %dma_wait3A = arith.constant 0 : i32
      %dma_wait3A_170 = tpu.memref_slice %arg7[%add3A_15, %dma_wait3A] : memref<12800x64xf32, #tpu.memory_space<vmem_shared>> -> memref<128x64xf32, #tpu.memory_space<vmem_shared>>
      %dma_wait3A_171 = arith.constant 0 : i32
      %dma_wait3A_172 = tpu.memref_slice %arg7[%add3A_15, %dma_wait3A_171] : memref<12800x64xf32, #tpu.memory_space<vmem_shared>> -> memref<128x64xf32, #tpu.memory_space<vmem_shared>>
      tpu.wait_dma2 semaphore(%run_scoped3A : memref<!tpu.dma_semaphore, #tpu.memory_space<semaphore_mem>>) src(%arg5 : memref<128x64xf32, #tpu.memory_space<vmem>>) dst(%dma_wait3A_172 : memref<128x64xf32, #tpu.memory_space<vmem_shared>>)
      tpu.yield
    }) : () -> ()
    %mul3A_16 = arith.constant 800 : i32
    %mul3A_17 = arith.muli %arg1, %mul3A_16 : i32
    %add3A_18 = arith.constant 256 : i32
    %add3A_19 = arith.addi %mul3A_17, %add3A_18 : i32
    "tpu.region"() ({
      %run_scoped3A = tpu.sem_alloc : memref<!tpu.dma_semaphore, #tpu.memory_space<semaphore_mem>>
      %dma_start3A = arith.constant 0 : i32
      %dma_start3A_167 = tpu.memref_slice %arg7[%add3A_19, %dma_start3A] : memref<12800x64xf32, #tpu.memory_space<vmem_shared>> -> memref<128x64xf32, #tpu.memory_space<vmem_shared>>
      %dma_start3A_168 = arith.constant 0 : i32
      %dma_start3A_169 = tpu.memref_slice %arg7[%add3A_19, %dma_start3A_168] : memref<12800x64xf32, #tpu.memory_space<vmem_shared>> -> memref<128x64xf32, #tpu.memory_space<vmem_shared>>
      tpu.enqueue_dma source(%arg5 : memref<128x64xf32, #tpu.memory_space<vmem>>) target(%dma_start3A_169 : memref<128x64xf32, #tpu.memory_space<vmem_shared>>) target_semaphore(%run_scoped3A : memref<!tpu.dma_semaphore, #tpu.memory_space<semaphore_mem>>)
      %dma_wait3A = arith.constant 0 : i32
      %dma_wait3A_170 = tpu.memref_slice %arg7[%add3A_19, %dma_wait3A] : memref<12800x64xf32, #tpu.memory_space<vmem_shared>> -> memref<128x64xf32, #tpu.memory_space<vmem_shared>>
      %dma_wait3A_171 = arith.constant 0 : i32
      %dma_wait3A_172 = tpu.memref_slice %arg7[%add3A_19, %dma_wait3A_171] : memref<12800x64xf32, #tpu.memory_space<vmem_shared>> -> memref<128x64xf32, #tpu.memory_space<vmem_shared>>
      tpu.wait_dma2 semaphore(%run_scoped3A : memref<!tpu.dma_semaphore, #tpu.memory_space<semaphore_mem>>) src(%arg5 : memref<128x64xf32, #tpu.memory_space<vmem>>) dst(%dma_wait3A_172 : memref<128x64xf32, #tpu.memory_space<vmem_shared>>)
      tpu.yield
    }) : () -> ()
    %mul3A_20 = arith.constant 800 : i32
    %mul3A_21 = arith.muli %arg1, %mul3A_20 : i32
    %add3A_22 = arith.constant 384 : i32
    %add3A_23 = arith.addi %mul3A_21, %add3A_22 : i32
    "tpu.region"() ({
      %run_scoped3A = tpu.sem_alloc : memref<!tpu.dma_semaphore, #tpu.memory_space<semaphore_mem>>
      %dma_start3A = arith.constant 0 : i32
      %dma_start3A_167 = tpu.memref_slice %arg7[%add3A_23, %dma_start3A] : memref<12800x64xf32, #tpu.memory_space<vmem_shared>> -> memref<128x64xf32, #tpu.memory_space<vmem_shared>>
      %dma_start3A_168 = arith.constant 0 : i32
      %dma_start3A_169 = tpu.memref_slice %arg7[%add3A_23, %dma_start3A_168] : memref<12800x64xf32, #tpu.memory_space<vmem_shared>> -> memref<128x64xf32, #tpu.memory_space<vmem_shared>>
      tpu.enqueue_dma source(%arg5 : memref<128x64xf32, #tpu.memory_space<vmem>>) target(%dma_start3A_169 : memref<128x64xf32, #tpu.memory_space<vmem_shared>>) target_semaphore(%run_scoped3A : memref<!tpu.dma_semaphore, #tpu.memory_space<semaphore_mem>>)
      %dma_wait3A = arith.constant 0 : i32
      %dma_wait3A_170 = tpu.memref_slice %arg7[%add3A_23, %dma_wait3A] : memref<12800x64xf32, #tpu.memory_space<vmem_shared>> -> memref<128x64xf32, #tpu.memory_space<vmem_shared>>
      %dma_wait3A_171 = arith.constant 0 : i32
      %dma_wait3A_172 = tpu.memref_slice %arg7[%add3A_23, %dma_wait3A_171] : memref<12800x64xf32, #tpu.memory_space<vmem_shared>> -> memref<128x64xf32, #tpu.memory_space<vmem_shared>>
      tpu.wait_dma2 semaphore(%run_scoped3A : memref<!tpu.dma_semaphore, #tpu.memory_space<semaphore_mem>>) src(%arg5 : memref<128x64xf32, #tpu.memory_space<vmem>>) dst(%dma_wait3A_172 : memref<128x64xf32, #tpu.memory_space<vmem_shared>>)
      tpu.yield
    }) : () -> ()
    %mul3A_24 = arith.constant 800 : i32
    %mul3A_25 = arith.muli %arg1, %mul3A_24 : i32
    %add3A_26 = arith.constant 512 : i32
    %add3A_27 = arith.addi %mul3A_25, %add3A_26 : i32
    "tpu.region"() ({
      %run_scoped3A = tpu.sem_alloc : memref<!tpu.dma_semaphore, #tpu.memory_space<semaphore_mem>>
      %dma_start3A = arith.constant 0 : i32
      %dma_start3A_167 = tpu.memref_slice %arg7[%add3A_27, %dma_start3A] : memref<12800x64xf32, #tpu.memory_space<vmem_shared>> -> memref<128x64xf32, #tpu.memory_space<vmem_shared>>
      %dma_start3A_168 = arith.constant 0 : i32
      %dma_start3A_169 = tpu.memref_slice %arg7[%add3A_27, %dma_start3A_168] : memref<12800x64xf32, #tpu.memory_space<vmem_shared>> -> memref<128x64xf32, #tpu.memory_space<vmem_shared>>
      tpu.enqueue_dma source(%arg5 : memref<128x64xf32, #tpu.memory_space<vmem>>) target(%dma_start3A_169 : memref<128x64xf32, #tpu.memory_space<vmem_shared>>) target_semaphore(%run_scoped3A : memref<!tpu.dma_semaphore, #tpu.memory_space<semaphore_mem>>)
      %dma_wait3A = arith.constant 0 : i32
      %dma_wait3A_170 = tpu.memref_slice %arg7[%add3A_27, %dma_wait3A] : memref<12800x64xf32, #tpu.memory_space<vmem_shared>> -> memref<128x64xf32, #tpu.memory_space<vmem_shared>>
      %dma_wait3A_171 = arith.constant 0 : i32
      %dma_wait3A_172 = tpu.memref_slice %arg7[%add3A_27, %dma_wait3A_171] : memref<12800x64xf32, #tpu.memory_space<vmem_shared>> -> memref<128x64xf32, #tpu.memory_space<vmem_shared>>
      tpu.wait_dma2 semaphore(%run_scoped3A : memref<!tpu.dma_semaphore, #tpu.memory_space<semaphore_mem>>) src(%arg5 : memref<128x64xf32, #tpu.memory_space<vmem>>) dst(%dma_wait3A_172 : memref<128x64xf32, #tpu.memory_space<vmem_shared>>)
      tpu.yield
    }) : () -> ()
    %mul3A_28 = arith.constant 800 : i32
    %mul3A_29 = arith.muli %arg1, %mul3A_28 : i32
    %add3A_30 = arith.constant 640 : i32
    %add3A_31 = arith.addi %mul3A_29, %add3A_30 : i32
    "tpu.region"() ({
      %run_scoped3A = tpu.sem_alloc : memref<!tpu.dma_semaphore, #tpu.memory_space<semaphore_mem>>
      %dma_start3A = arith.constant 0 : i32
      %dma_start3A_167 = tpu.memref_slice %arg7[%add3A_31, %dma_start3A] : memref<12800x64xf32, #tpu.memory_space<vmem_shared>> -> memref<128x64xf32, #tpu.memory_space<vmem_shared>>
      %dma_start3A_168 = arith.constant 0 : i32
      %dma_start3A_169 = tpu.memref_slice %arg7[%add3A_31, %dma_start3A_168] : memref<12800x64xf32, #tpu.memory_space<vmem_shared>> -> memref<128x64xf32, #tpu.memory_space<vmem_shared>>
      tpu.enqueue_dma source(%arg5 : memref<128x64xf32, #tpu.memory_space<vmem>>) target(%dma_start3A_169 : memref<128x64xf32, #tpu.memory_space<vmem_shared>>) target_semaphore(%run_scoped3A : memref<!tpu.dma_semaphore, #tpu.memory_space<semaphore_mem>>)
      %dma_wait3A = arith.constant 0 : i32
      %dma_wait3A_170 = tpu.memref_slice %arg7[%add3A_31, %dma_wait3A] : memref<12800x64xf32, #tpu.memory_space<vmem_shared>> -> memref<128x64xf32, #tpu.memory_space<vmem_shared>>
      %dma_wait3A_171 = arith.constant 0 : i32
      %dma_wait3A_172 = tpu.memref_slice %arg7[%add3A_31, %dma_wait3A_171] : memref<12800x64xf32, #tpu.memory_space<vmem_shared>> -> memref<128x64xf32, #tpu.memory_space<vmem_shared>>
      tpu.wait_dma2 semaphore(%run_scoped3A : memref<!tpu.dma_semaphore, #tpu.memory_space<semaphore_mem>>) src(%arg5 : memref<128x64xf32, #tpu.memory_space<vmem>>) dst(%dma_wait3A_172 : memref<128x64xf32, #tpu.memory_space<vmem_shared>>)
      tpu.yield
    }) : () -> ()
    %mul3A_32 = arith.constant 800 : i32
    %mul3A_33 = arith.muli %arg1, %mul3A_32 : i32
    %add3A_34 = arith.constant 768 : i32
    %add3A_35 = arith.addi %mul3A_33, %add3A_34 : i32
    "tpu.region"() ({
      %run_scoped3A = tpu.sem_alloc : memref<!tpu.dma_semaphore, #tpu.memory_space<semaphore_mem>>
      %dma_start3A = arith.constant 0 : i32
      %dma_start3A_167 = arith.constant 0 : i32
      %dma_start3A_168 = tpu.memref_slice %arg5[%dma_start3A, %dma_start3A_167] : memref<128x64xf32, #tpu.memory_space<vmem>> -> memref<32x64xf32, #tpu.memory_space<vmem>>
      %dma_start3A_169 = arith.constant 0 : i32
      %dma_start3A_170 = tpu.memref_slice %arg7[%add3A_35, %dma_start3A_169] : memref<12800x64xf32, #tpu.memory_space<vmem_shared>> -> memref<32x64xf32, #tpu.memory_space<vmem_shared>>
      %dma_start3A_171 = arith.constant 0 : i32
      %dma_start3A_172 = tpu.memref_slice %arg7[%add3A_35, %dma_start3A_171] : memref<12800x64xf32, #tpu.memory_space<vmem_shared>> -> memref<32x64xf32, #tpu.memory_space<vmem_shared>>
      %dma_start3A_173 = arith.constant 0 : i32
      %dma_start3A_174 = arith.constant 0 : i32
      %dma_start3A_175 = tpu.memref_slice %arg5[%dma_start3A_173, %dma_start3A_174] : memref<128x64xf32, #tpu.memory_space<vmem>> -> memref<32x64xf32, #tpu.memory_space<vmem>>
      tpu.enqueue_dma source(%dma_start3A_175 : memref<32x64xf32, #tpu.memory_space<vmem>>) target(%dma_start3A_172 : memref<32x64xf32, #tpu.memory_space<vmem_shared>>) target_semaphore(%run_scoped3A : memref<!tpu.dma_semaphore, #tpu.memory_space<semaphore_mem>>)
      %dma_wait3A = arith.constant 0 : i32
      %dma_wait3A_176 = arith.constant 0 : i32
      %dma_wait3A_177 = tpu.memref_slice %arg5[%dma_wait3A, %dma_wait3A_176] : memref<128x64xf32, #tpu.memory_space<vmem>> -> memref<32x64xf32, #tpu.memory_space<vmem>>
      %dma_wait3A_178 = arith.constant 0 : i32
      %dma_wait3A_179 = tpu.memref_slice %arg7[%add3A_35, %dma_wait3A_178] : memref<12800x64xf32, #tpu.memory_space<vmem_shared>> -> memref<32x64xf32, #tpu.memory_space<vmem_shared>>
      %dma_wait3A_180 = arith.constant 0 : i32
      %dma_wait3A_181 = tpu.memref_slice %arg7[%add3A_35, %dma_wait3A_180] : memref<12800x64xf32, #tpu.memory_space<vmem_shared>> -> memref<32x64xf32, #tpu.memory_space<vmem_shared>>
      %dma_wait3A_182 = arith.constant 0 : i32
      %dma_wait3A_183 = arith.constant 0 : i32
      %dma_wait3A_184 = tpu.memref_slice %arg5[%dma_wait3A_182, %dma_wait3A_183] : memref<128x64xf32, #tpu.memory_space<vmem>> -> memref<32x64xf32, #tpu.memory_space<vmem>>
      tpu.wait_dma2 semaphore(%run_scoped3A : memref<!tpu.dma_semaphore, #tpu.memory_space<semaphore_mem>>) src(%dma_wait3A_184 : memref<32x64xf32, #tpu.memory_space<vmem>>) dst(%dma_wait3A_181 : memref<32x64xf32, #tpu.memory_space<vmem_shared>>)
      tpu.yield
    }) : () -> ()
    %barrier3A = arith.constant 0 : index
    tpu.barrier barrier_id(%barrier3A)
    %add3A_36 = arith.constant 0 : i32
    %add3A_37 = arith.addi %arg0, %add3A_36 : i32
    %mul3A_38 = arith.constant 12544 : i32
    %mul3A_39 = arith.muli %add3A_37, %mul3A_38 : i32
    %scan3A_40 = arith.constant 0 : i32
    %scan3A_41 = arith.constant 0 : i32
    %scan3A_42 = arith.constant 196 : i32
    %scan3A_43 = arith.addi %scan3A_41, %scan3A_42 : i32
    %scan3A_44 = arith.constant 1 : i32
    %scan3A_45 = scf.for %scan3A_167 = %scan3A_41 to %scan3A_43 step %scan3A_44 iter_args(%scan3A_168 = %scan3A_40) -> (i32)  : i32 {
      %mul3A_169 = arith.constant 25088 : i32
      %mul3A_170 = arith.muli %add3A, %mul3A_169 : i32
      %mul3A_171 = arith.constant 128 : i32
      %mul3A_172 = arith.muli %scan3A_167, %mul3A_171 : i32
      %add3A_173 = arith.addi %mul3A_170, %mul3A_172 : i32
      "tpu.region"() ({
        %run_scoped3A = tpu.sem_alloc : memref<!tpu.dma_semaphore, #tpu.memory_space<semaphore_mem>>
        %dma_start3A = tpu.memref_slice %arg3[%add3A_173] : memref<802816xi32, #tpu.memory_space<hbm>> -> memref<128xi32, #tpu.memory_space<hbm>>
        %dma_start3A_182 = tpu.memref_slice %arg3[%add3A_173] : memref<802816xi32, #tpu.memory_space<hbm>> -> memref<128xi32, #tpu.memory_space<hbm>>
        tpu.enqueue_dma source(%dma_start3A_182 : memref<128xi32, #tpu.memory_space<hbm>>) target(%arg6 : memref<128xi32, #tpu.memory_space<vmem>>) target_semaphore(%run_scoped3A : memref<!tpu.dma_semaphore, #tpu.memory_space<semaphore_mem>>)
        %dma_wait3A = tpu.memref_slice %arg3[%add3A_173] : memref<802816xi32, #tpu.memory_space<hbm>> -> memref<128xi32, #tpu.memory_space<hbm>>
        %dma_wait3A_183 = tpu.memref_slice %arg3[%add3A_173] : memref<802816xi32, #tpu.memory_space<hbm>> -> memref<128xi32, #tpu.memory_space<hbm>>
        tpu.wait_dma2 semaphore(%run_scoped3A : memref<!tpu.dma_semaphore, #tpu.memory_space<semaphore_mem>>) src(%dma_wait3A_183 : memref<128xi32, #tpu.memory_space<hbm>>) dst(%arg6 : memref<128xi32, #tpu.memory_space<vmem>>)
        tpu.yield
      }) : () -> ()
      "tpu.region"() ({
        %run_scoped3A = tpu.sem_alloc : memref<!tpu.dma_semaphore, #tpu.memory_space<semaphore_mem>>
        %dma_start3A = arith.constant 0 : i32
        %dma_start3A_182 = tpu.memref_slice %arg2[%add3A_173, %dma_start3A] : memref<802816x64xf32, #tpu.memory_space<hbm>> -> memref<128x64xf32, #tpu.memory_space<hbm>>
        %dma_start3A_183 = arith.constant 0 : i32
        %dma_start3A_184 = tpu.memref_slice %arg2[%add3A_173, %dma_start3A_183] : memref<802816x64xf32, #tpu.memory_space<hbm>> -> memref<128x64xf32, #tpu.memory_space<hbm>>
        tpu.enqueue_dma source(%dma_start3A_184 : memref<128x64xf32, #tpu.memory_space<hbm>>) target(%arg5 : memref<128x64xf32, #tpu.memory_space<vmem>>) target_semaphore(%run_scoped3A : memref<!tpu.dma_semaphore, #tpu.memory_space<semaphore_mem>>)
        %dma_wait3A = arith.constant 0 : i32
        %dma_wait3A_185 = tpu.memref_slice %arg2[%add3A_173, %dma_wait3A] : memref<802816x64xf32, #tpu.memory_space<hbm>> -> memref<128x64xf32, #tpu.memory_space<hbm>>
        %dma_wait3A_186 = arith.constant 0 : i32
        %dma_wait3A_187 = tpu.memref_slice %arg2[%add3A_173, %dma_wait3A_186] : memref<802816x64xf32, #tpu.memory_space<hbm>> -> memref<128x64xf32, #tpu.memory_space<hbm>>
        tpu.wait_dma2 semaphore(%run_scoped3A : memref<!tpu.dma_semaphore, #tpu.memory_space<semaphore_mem>>) src(%dma_wait3A_187 : memref<128x64xf32, #tpu.memory_space<hbm>>) dst(%arg5 : memref<128x64xf32, #tpu.memory_space<vmem>>)
        tpu.yield
      }) : () -> ()
      %scan3A_174 = arith.constant 0 : i32
      %scan3A_175 = arith.constant 0 : i32
      %scan3A_176 = arith.constant 8 : i32
      %scan3A_177 = arith.addi %scan3A_175, %scan3A_176 : i32
      %scan3A_178 = arith.constant 1 : i32
      %scan3A_179 = scf.for %scan3A_182 = %scan3A_175 to %scan3A_177 step %scan3A_178 iter_args(%scan3A_183 = %scan3A_174) -> (i32)  : i32 {
        %mul3A_184 = arith.constant 16 : i32
        %mul3A_185 = arith.muli %scan3A_182, %mul3A_184 : i32
        %get3A = arith.index_cast %mul3A_185 : i32 to index
        %get3A_186 = tpu.vector_load %arg6[%get3A] {strides = array<i32>} : memref<128xi32, #tpu.memory_space<vmem>>, vector<16xi32>,
        %get3A_187 = vector.shape_cast %get3A_186 : vector<16xi32> to vector<16xi32>
        %sub3A = vector.broadcast %mul3A_39 : i32 to vector<16xi32>
        %sub3A_188 = arith.subi %get3A_187, %sub3A : vector<16xi32>
        %ge3A = arith.constant 0 : i32
        %ge3A_189 = vector.broadcast %ge3A : i32 to vector<16xi32>
        %ge3A_190 = arith.cmpi sge, %sub3A_188, %ge3A_189 : vector<16xi32>
        %lt3A = arith.constant 12544 : i32
        %lt3A_191 = vector.broadcast %lt3A : i32 to vector<16xi32>
        %lt3A_192 = arith.cmpi slt, %sub3A_188, %lt3A_191 : vector<16xi32>
        %and3A = arith.andi %ge3A_190, %lt3A_192 : vector<16xi1>
        %jit3A = arith.constant 12544 : i32
        %broadcast_in_dim3A_193 = vector.broadcast %jit3A : i32 to vector<16xi32>
        %select_n3A = arith.select %and3A, %sub3A_188, %broadcast_in_dim3A_193 : vector<16xi1>, vector<16xi32>
        %mul3A_194 = arith.constant 16 : i32
        %mul3A_195 = arith.muli %scan3A_182, %mul3A_194 : i32
        %swap3A = arith.index_cast %mul3A_195 : i32 to index
        %swap3A_196 = tpu.vector_load %arg6[%swap3A] {strides = array<i32>} : memref<128xi32, #tpu.memory_space<vmem>>, vector<16xi32>,
        %swap3A_197 = vector.shape_cast %swap3A_196 : vector<16xi32> to vector<16xi32>
        %swap3A_198 = vector.shape_cast %select_n3A : vector<16xi32> to vector<16xi32>
        tpu.vector_store %arg6[%swap3A], %swap3A_198 {strides = array<i32>} : memref<128xi32, #tpu.memory_space<vmem>>, vector<16xi32>,
        %scan3A_199 = arith.constant 0 : i32
        scf.yield %scan3A_199 : i32
      }
      %scan3A_180 = arith.constant 8 : i32
      "tpu.region"() ({
        %run_scoped3A = tpu.sem_alloc : memref<!tpu.dma_semaphore, #tpu.memory_space<semaphore_mem>>
        %dma_start3A = arith.constant 0 : i32
        %dma_start3A_182 = arith.constant 0 : i32
        %dma_start3A_183 = tpu.memref_slice %arg7[%dma_start3A, %dma_start3A_182] : memref<12800x64xf32, #tpu.memory_space<vmem_shared>> -> memref<12800x64xf32, #tpu.memory_space<vmem_shared>>
        tpu.enqueue_indirect_dma source(%arg5 : memref<128x64xf32, #tpu.memory_space<vmem>>) target(%dma_start3A_183 : memref<12800x64xf32, #tpu.memory_space<vmem_shared>>) offsets(%arg6 : memref<128xi32, #tpu.memory_space<vmem>>) semaphore(%run_scoped3A : memref<!tpu.dma_semaphore, #tpu.memory_space<semaphore_mem>>) {add = true}
        %dma_wait3A = arith.constant 0 : i32
        %dma_wait3A_184 = arith.constant 0 : i32
        %dma_wait3A_185 = tpu.memref_slice %arg7[%dma_wait3A, %dma_wait3A_184] : memref<12800x64xf32, #tpu.memory_space<vmem_shared>> -> memref<12800x64xf32, #tpu.memory_space<vmem_shared>>
        tpu.wait_indirect_dma semaphore(%run_scoped3A : memref<!tpu.dma_semaphore, #tpu.memory_space<semaphore_mem>>) src(%arg5 : memref<128x64xf32, #tpu.memory_space<vmem>>) dst(%dma_wait3A_185 : memref<12800x64xf32, #tpu.memory_space<vmem_shared>>)
        tpu.yield
      }) : () -> ()
      %scan3A_181 = arith.constant 0 : i32
      scf.yield %scan3A_181 : i32
    }
    %scan3A_46 = arith.constant 196 : i32
    %barrier3A_47 = arith.constant 0 : index
    tpu.barrier barrier_id(%barrier3A_47)
    %mul3A_48 = arith.constant 784 : i32
    %mul3A_49 = arith.muli %arg1, %mul3A_48 : i32
    %add3A_50 = arith.constant 0 : i32
    %add3A_51 = arith.addi %mul3A_49, %add3A_50 : i32
    "tpu.region"() ({
      %run_scoped3A = tpu.sem_alloc : memref<!tpu.dma_semaphore, #tpu.memory_space<semaphore_mem>>
      %dma_start3A = arith.constant 0 : i32
      %dma_start3A_167 = tpu.memref_slice %arg7[%add3A_51, %dma_start3A] : memref<12800x64xf32, #tpu.memory_space<vmem_shared>> -> memref<128x64xf32, #tpu.memory_space<vmem_shared>>
      %dma_start3A_168 = arith.constant 0 : i32
      %dma_start3A_169 = tpu.memref_slice %arg7[%add3A_51, %dma_start3A_168] : memref<12800x64xf32, #tpu.memory_space<vmem_shared>> -> memref<128x64xf32, #tpu.memory_space<vmem_shared>>
      tpu.enqueue_dma source(%dma_start3A_169 : memref<128x64xf32, #tpu.memory_space<vmem_shared>>) target(%arg5 : memref<128x64xf32, #tpu.memory_space<vmem>>) target_semaphore(%run_scoped3A : memref<!tpu.dma_semaphore, #tpu.memory_space<semaphore_mem>>)
      %dma_wait3A = arith.constant 0 : i32
      %dma_wait3A_170 = tpu.memref_slice %arg7[%add3A_51, %dma_wait3A] : memref<12800x64xf32, #tpu.memory_space<vmem_shared>> -> memref<128x64xf32, #tpu.memory_space<vmem_shared>>
      %dma_wait3A_171 = arith.constant 0 : i32
      %dma_wait3A_172 = tpu.memref_slice %arg7[%add3A_51, %dma_wait3A_171] : memref<12800x64xf32, #tpu.memory_space<vmem_shared>> -> memref<128x64xf32, #tpu.memory_space<vmem_shared>>
      tpu.wait_dma2 semaphore(%run_scoped3A : memref<!tpu.dma_semaphore, #tpu.memory_space<semaphore_mem>>) src(%dma_wait3A_172 : memref<128x64xf32, #tpu.memory_space<vmem_shared>>) dst(%arg5 : memref<128x64xf32, #tpu.memory_space<vmem>>)
      tpu.yield
    }) : () -> ()
    %add3A_52 = arith.addi %mul3A_39, %add3A_51 : i32
    "tpu.region"() ({
      %run_scoped3A = tpu.sem_alloc : memref<!tpu.dma_semaphore, #tpu.memory_space<semaphore_mem>>
      %dma_start3A = arith.constant 0 : i32
      %dma_start3A_167 = tpu.memref_slice %arg4[%add3A_52, %dma_start3A] : memref<50176x64xf32, #tpu.memory_space<hbm>> -> memref<128x64xf32, #tpu.memory_space<hbm>>
      %dma_start3A_168 = arith.constant 0 : i32
      %dma_start3A_169 = tpu.memref_slice %arg4[%add3A_52, %dma_start3A_168] : memref<50176x64xf32, #tpu.memory_space<hbm>> -> memref<128x64xf32, #tpu.memory_space<hbm>>
      tpu.enqueue_dma source(%arg5 : memref<128x64xf32, #tpu.memory_space<vmem>>) target(%dma_start3A_169 : memref<128x64xf32, #tpu.memory_space<hbm>>) target_semaphore(%run_scoped3A : memref<!tpu.dma_semaphore, #tpu.memory_space<semaphore_mem>>)
      %dma_wait3A = arith.constant 0 : i32
      %dma_wait3A_170 = tpu.memref_slice %arg4[%add3A_52, %dma_wait3A] : memref<50176x64xf32, #tpu.memory_space<hbm>> -> memref<128x64xf32, #tpu.memory_space<hbm>>
      %dma_wait3A_171 = arith.constant 0 : i32
      %dma_wait3A_172 = tpu.memref_slice %arg4[%add3A_52, %dma_wait3A_171] : memref<50176x64xf32, #tpu.memory_space<hbm>> -> memref<128x64xf32, #tpu.memory_space<hbm>>
      tpu.wait_dma2 semaphore(%run_scoped3A : memref<!tpu.dma_semaphore, #tpu.memory_space<semaphore_mem>>) src(%arg5 : memref<128x64xf32, #tpu.memory_space<vmem>>) dst(%dma_wait3A_172 : memref<128x64xf32, #tpu.memory_space<hbm>>)
      tpu.yield
    }) : () -> ()
    %mul3A_53 = arith.constant 784 : i32
    %mul3A_54 = arith.muli %arg1, %mul3A_53 : i32
    %add3A_55 = arith.constant 128 : i32
    %add3A_56 = arith.addi %mul3A_54, %add3A_55 : i32
    "tpu.region"() ({
      %run_scoped3A = tpu.sem_alloc : memref<!tpu.dma_semaphore, #tpu.memory_space<semaphore_mem>>
      %dma_start3A = arith.constant 0 : i32
      %dma_start3A_167 = tpu.memref_slice %arg7[%add3A_56, %dma_start3A] : memref<12800x64xf32, #tpu.memory_space<vmem_shared>> -> memref<128x64xf32, #tpu.memory_space<vmem_shared>>
      %dma_start3A_168 = arith.constant 0 : i32
      %dma_start3A_169 = tpu.memref_slice %arg7[%add3A_56, %dma_start3A_168] : memref<12800x64xf32, #tpu.memory_space<vmem_shared>> -> memref<128x64xf32, #tpu.memory_space<vmem_shared>>
      tpu.enqueue_dma source(%dma_start3A_169 : memref<128x64xf32, #tpu.memory_space<vmem_shared>>) target(%arg5 : memref<128x64xf32, #tpu.memory_space<vmem>>) target_semaphore(%run_scoped3A : memref<!tpu.dma_semaphore, #tpu.memory_space<semaphore_mem>>)
      %dma_wait3A = arith.constant 0 : i32
      %dma_wait3A_170 = tpu.memref_slice %arg7[%add3A_56, %dma_wait3A] : memref<12800x64xf32, #tpu.memory_space<vmem_shared>> -> memref<128x64xf32, #tpu.memory_space<vmem_shared>>
      %dma_wait3A_171 = arith.constant 0 : i32
      %dma_wait3A_172 = tpu.memref_slice %arg7[%add3A_56, %dma_wait3A_171] : memref<12800x64xf32, #tpu.memory_space<vmem_shared>> -> memref<128x64xf32, #tpu.memory_space<vmem_shared>>
      tpu.wait_dma2 semaphore(%run_scoped3A : memref<!tpu.dma_semaphore, #tpu.memory_space<semaphore_mem>>) src(%dma_wait3A_172 : memref<128x64xf32, #tpu.memory_space<vmem_shared>>) dst(%arg5 : memref<128x64xf32, #tpu.memory_space<vmem>>)
      tpu.yield
    }) : () -> ()
    %add3A_57 = arith.addi %mul3A_39, %add3A_56 : i32
    "tpu.region"() ({
      %run_scoped3A = tpu.sem_alloc : memref<!tpu.dma_semaphore, #tpu.memory_space<semaphore_mem>>
      %dma_start3A = arith.constant 0 : i32
      %dma_start3A_167 = tpu.memref_slice %arg4[%add3A_57, %dma_start3A] : memref<50176x64xf32, #tpu.memory_space<hbm>> -> memref<128x64xf32, #tpu.memory_space<hbm>>
      %dma_start3A_168 = arith.constant 0 : i32
      %dma_start3A_169 = tpu.memref_slice %arg4[%add3A_57, %dma_start3A_168] : memref<50176x64xf32, #tpu.memory_space<hbm>> -> memref<128x64xf32, #tpu.memory_space<hbm>>
      tpu.enqueue_dma source(%arg5 : memref<128x64xf32, #tpu.memory_space<vmem>>) target(%dma_start3A_169 : memref<128x64xf32, #tpu.memory_space<hbm>>) target_semaphore(%run_scoped3A : memref<!tpu.dma_semaphore, #tpu.memory_space<semaphore_mem>>)
      %dma_wait3A = arith.constant 0 : i32
      %dma_wait3A_170 = tpu.memref_slice %arg4[%add3A_57, %dma_wait3A] : memref<50176x64xf32, #tpu.memory_space<hbm>> -> memref<128x64xf32, #tpu.memory_space<hbm>>
      %dma_wait3A_171 = arith.constant 0 : i32
      %dma_wait3A_172 = tpu.memref_slice %arg4[%add3A_57, %dma_wait3A_171] : memref<50176x64xf32, #tpu.memory_space<hbm>> -> memref<128x64xf32, #tpu.memory_space<hbm>>
      tpu.wait_dma2 semaphore(%run_scoped3A : memref<!tpu.dma_semaphore, #tpu.memory_space<semaphore_mem>>) src(%arg5 : memref<128x64xf32, #tpu.memory_space<vmem>>) dst(%dma_wait3A_172 : memref<128x64xf32, #tpu.memory_space<hbm>>)
      tpu.yield
    }) : () -> ()
    %mul3A_58 = arith.constant 784 : i32
    %mul3A_59 = arith.muli %arg1, %mul3A_58 : i32
    %add3A_60 = arith.constant 256 : i32
    %add3A_61 = arith.addi %mul3A_59, %add3A_60 : i32
    "tpu.region"() ({
      %run_scoped3A = tpu.sem_alloc : memref<!tpu.dma_semaphore, #tpu.memory_space<semaphore_mem>>
      %dma_start3A = arith.constant 0 : i32
      %dma_start3A_167 = tpu.memref_slice %arg7[%add3A_61, %dma_start3A] : memref<12800x64xf32, #tpu.memory_space<vmem_shared>> -> memref<128x64xf32, #tpu.memory_space<vmem_shared>>
      %dma_start3A_168 = arith.constant 0 : i32
      %dma_start3A_169 = tpu.memref_slice %arg7[%add3A_61, %dma_start3A_168] : memref<12800x64xf32, #tpu.memory_space<vmem_shared>> -> memref<128x64xf32, #tpu.memory_space<vmem_shared>>
      tpu.enqueue_dma source(%dma_start3A_169 : memref<128x64xf32, #tpu.memory_space<vmem_shared>>) target(%arg5 : memref<128x64xf32, #tpu.memory_space<vmem>>) target_semaphore(%run_scoped3A : memref<!tpu.dma_semaphore, #tpu.memory_space<semaphore_mem>>)
      %dma_wait3A = arith.constant 0 : i32
      %dma_wait3A_170 = tpu.memref_slice %arg7[%add3A_61, %dma_wait3A] : memref<12800x64xf32, #tpu.memory_space<vmem_shared>> -> memref<128x64xf32, #tpu.memory_space<vmem_shared>>
      %dma_wait3A_171 = arith.constant 0 : i32
      %dma_wait3A_172 = tpu.memref_slice %arg7[%add3A_61, %dma_wait3A_171] : memref<12800x64xf32, #tpu.memory_space<vmem_shared>> -> memref<128x64xf32, #tpu.memory_space<vmem_shared>>
      tpu.wait_dma2 semaphore(%run_scoped3A : memref<!tpu.dma_semaphore, #tpu.memory_space<semaphore_mem>>) src(%dma_wait3A_172 : memref<128x64xf32, #tpu.memory_space<vmem_shared>>) dst(%arg5 : memref<128x64xf32, #tpu.memory_space<vmem>>)
      tpu.yield
    }) : () -> ()
    %add3A_62 = arith.addi %mul3A_39, %add3A_61 : i32
    "tpu.region"() ({
      %run_scoped3A = tpu.sem_alloc : memref<!tpu.dma_semaphore, #tpu.memory_space<semaphore_mem>>
      %dma_start3A = arith.constant 0 : i32
      %dma_start3A_167 = tpu.memref_slice %arg4[%add3A_62, %dma_start3A] : memref<50176x64xf32, #tpu.memory_space<hbm>> -> memref<128x64xf32, #tpu.memory_space<hbm>>
      %dma_start3A_168 = arith.constant 0 : i32
      %dma_start3A_169 = tpu.memref_slice %arg4[%add3A_62, %dma_start3A_168] : memref<50176x64xf32, #tpu.memory_space<hbm>> -> memref<128x64xf32, #tpu.memory_space<hbm>>
      tpu.enqueue_dma source(%arg5 : memref<128x64xf32, #tpu.memory_space<vmem>>) target(%dma_start3A_169 : memref<128x64xf32, #tpu.memory_space<hbm>>) target_semaphore(%run_scoped3A : memref<!tpu.dma_semaphore, #tpu.memory_space<semaphore_mem>>)
      %dma_wait3A = arith.constant 0 : i32
      %dma_wait3A_170 = tpu.memref_slice %arg4[%add3A_62, %dma_wait3A] : memref<50176x64xf32, #tpu.memory_space<hbm>> -> memref<128x64xf32, #tpu.memory_space<hbm>>
      %dma_wait3A_171 = arith.constant 0 : i32
      %dma_wait3A_172 = tpu.memref_slice %arg4[%add3A_62, %dma_wait3A_171] : memref<50176x64xf32, #tpu.memory_space<hbm>> -> memref<128x64xf32, #tpu.memory_space<hbm>>
      tpu.wait_dma2 semaphore(%run_scoped3A : memref<!tpu.dma_semaphore, #tpu.memory_space<semaphore_mem>>) src(%arg5 : memref<128x64xf32, #tpu.memory_space<vmem>>) dst(%dma_wait3A_172 : memref<128x64xf32, #tpu.memory_space<hbm>>)
      tpu.yield
    }) : () -> ()
    %mul3A_63 = arith.constant 784 : i32
    %mul3A_64 = arith.muli %arg1, %mul3A_63 : i32
    %add3A_65 = arith.constant 384 : i32
    %add3A_66 = arith.addi %mul3A_64, %add3A_65 : i32
    "tpu.region"() ({
      %run_scoped3A = tpu.sem_alloc : memref<!tpu.dma_semaphore, #tpu.memory_space<semaphore_mem>>
      %dma_start3A = arith.constant 0 : i32
      %dma_start3A_167 = tpu.memref_slice %arg7[%add3A_66, %dma_start3A] : memref<12800x64xf32, #tpu.memory_space<vmem_shared>> -> memref<128x64xf32, #tpu.memory_space<vmem_shared>>
      %dma_start3A_168 = arith.constant 0 : i32
      %dma_start3A_169 = tpu.memref_slice %arg7[%add3A_66, %dma_start3A_168] : memref<12800x64xf32, #tpu.memory_space<vmem_shared>> -> memref<128x64xf32, #tpu.memory_space<vmem_shared>>
      tpu.enqueue_dma source(%dma_start3A_169 : memref<128x64xf32, #tpu.memory_space<vmem_shared>>) target(%arg5 : memref<128x64xf32, #tpu.memory_space<vmem>>) target_semaphore(%run_scoped3A : memref<!tpu.dma_semaphore, #tpu.memory_space<semaphore_mem>>)
      %dma_wait3A = arith.constant 0 : i32
      %dma_wait3A_170 = tpu.memref_slice %arg7[%add3A_66, %dma_wait3A] : memref<12800x64xf32, #tpu.memory_space<vmem_shared>> -> memref<128x64xf32, #tpu.memory_space<vmem_shared>>
      %dma_wait3A_171 = arith.constant 0 : i32
      %dma_wait3A_172 = tpu.memref_slice %arg7[%add3A_66, %dma_wait3A_171] : memref<12800x64xf32, #tpu.memory_space<vmem_shared>> -> memref<128x64xf32, #tpu.memory_space<vmem_shared>>
      tpu.wait_dma2 semaphore(%run_scoped3A : memref<!tpu.dma_semaphore, #tpu.memory_space<semaphore_mem>>) src(%dma_wait3A_172 : memref<128x64xf32, #tpu.memory_space<vmem_shared>>) dst(%arg5 : memref<128x64xf32, #tpu.memory_space<vmem>>)
      tpu.yield
    }) : () -> ()
    %add3A_67 = arith.addi %mul3A_39, %add3A_66 : i32
    "tpu.region"() ({
      %run_scoped3A = tpu.sem_alloc : memref<!tpu.dma_semaphore, #tpu.memory_space<semaphore_mem>>
      %dma_start3A = arith.constant 0 : i32
      %dma_start3A_167 = tpu.memref_slice %arg4[%add3A_67, %dma_start3A] : memref<50176x64xf32, #tpu.memory_space<hbm>> -> memref<128x64xf32, #tpu.memory_space<hbm>>
      %dma_start3A_168 = arith.constant 0 : i32
      %dma_start3A_169 = tpu.memref_slice %arg4[%add3A_67, %dma_start3A_168] : memref<50176x64xf32, #tpu.memory_space<hbm>> -> memref<128x64xf32, #tpu.memory_space<hbm>>
      tpu.enqueue_dma source(%arg5 : memref<128x64xf32, #tpu.memory_space<vmem>>) target(%dma_start3A_169 : memref<128x64xf32, #tpu.memory_space<hbm>>) target_semaphore(%run_scoped3A : memref<!tpu.dma_semaphore, #tpu.memory_space<semaphore_mem>>)
      %dma_wait3A = arith.constant 0 : i32
      %dma_wait3A_170 = tpu.memref_slice %arg4[%add3A_67, %dma_wait3A] : memref<50176x64xf32, #tpu.memory_space<hbm>> -> memref<128x64xf32, #tpu.memory_space<hbm>>
      %dma_wait3A_171 = arith.constant 0 : i32
      %dma_wait3A_172 = tpu.memref_slice %arg4[%add3A_67, %dma_wait3A_171] : memref<50176x64xf32, #tpu.memory_space<hbm>> -> memref<128x64xf32, #tpu.memory_space<hbm>>
      tpu.wait_dma2 semaphore(%run_scoped3A : memref<!tpu.dma_semaphore, #tpu.memory_space<semaphore_mem>>) src(%arg5 : memref<128x64xf32, #tpu.memory_space<vmem>>) dst(%dma_wait3A_172 : memref<128x64xf32, #tpu.memory_space<hbm>>)
      tpu.yield
    }) : () -> ()
    %mul3A_68 = arith.constant 784 : i32
    %mul3A_69 = arith.muli %arg1, %mul3A_68 : i32
    %add3A_70 = arith.constant 512 : i32
    %add3A_71 = arith.addi %mul3A_69, %add3A_70 : i32
    "tpu.region"() ({
      %run_scoped3A = tpu.sem_alloc : memref<!tpu.dma_semaphore, #tpu.memory_space<semaphore_mem>>
      %dma_start3A = arith.constant 0 : i32
      %dma_start3A_167 = tpu.memref_slice %arg7[%add3A_71, %dma_start3A] : memref<12800x64xf32, #tpu.memory_space<vmem_shared>> -> memref<128x64xf32, #tpu.memory_space<vmem_shared>>
      %dma_start3A_168 = arith.constant 0 : i32
      %dma_start3A_169 = tpu.memref_slice %arg7[%add3A_71, %dma_start3A_168] : memref<12800x64xf32, #tpu.memory_space<vmem_shared>> -> memref<128x64xf32, #tpu.memory_space<vmem_shared>>
      tpu.enqueue_dma source(%dma_start3A_169 : memref<128x64xf32, #tpu.memory_space<vmem_shared>>) target(%arg5 : memref<128x64xf32, #tpu.memory_space<vmem>>) target_semaphore(%run_scoped3A : memref<!tpu.dma_semaphore, #tpu.memory_space<semaphore_mem>>)
      %dma_wait3A = arith.constant 0 : i32
      %dma_wait3A_170 = tpu.memref_slice %arg7[%add3A_71, %dma_wait3A] : memref<12800x64xf32, #tpu.memory_space<vmem_shared>> -> memref<128x64xf32, #tpu.memory_space<vmem_shared>>
      %dma_wait3A_171 = arith.constant 0 : i32
      %dma_wait3A_172 = tpu.memref_slice %arg7[%add3A_71, %dma_wait3A_171] : memref<12800x64xf32, #tpu.memory_space<vmem_shared>> -> memref<128x64xf32, #tpu.memory_space<vmem_shared>>
      tpu.wait_dma2 semaphore(%run_scoped3A : memref<!tpu.dma_semaphore, #tpu.memory_space<semaphore_mem>>) src(%dma_wait3A_172 : memref<128x64xf32, #tpu.memory_space<vmem_shared>>) dst(%arg5 : memref<128x64xf32, #tpu.memory_space<vmem>>)
      tpu.yield
    }) : () -> ()
    %add3A_72 = arith.addi %mul3A_39, %add3A_71 : i32
    "tpu.region"() ({
      %run_scoped3A = tpu.sem_alloc : memref<!tpu.dma_semaphore, #tpu.memory_space<semaphore_mem>>
      %dma_start3A = arith.constant 0 : i32
      %dma_start3A_167 = tpu.memref_slice %arg4[%add3A_72, %dma_start3A] : memref<50176x64xf32, #tpu.memory_space<hbm>> -> memref<128x64xf32, #tpu.memory_space<hbm>>
      %dma_start3A_168 = arith.constant 0 : i32
      %dma_start3A_169 = tpu.memref_slice %arg4[%add3A_72, %dma_start3A_168] : memref<50176x64xf32, #tpu.memory_space<hbm>> -> memref<128x64xf32, #tpu.memory_space<hbm>>
      tpu.enqueue_dma source(%arg5 : memref<128x64xf32, #tpu.memory_space<vmem>>) target(%dma_start3A_169 : memref<128x64xf32, #tpu.memory_space<hbm>>) target_semaphore(%run_scoped3A : memref<!tpu.dma_semaphore, #tpu.memory_space<semaphore_mem>>)
      %dma_wait3A = arith.constant 0 : i32
      %dma_wait3A_170 = tpu.memref_slice %arg4[%add3A_72, %dma_wait3A] : memref<50176x64xf32, #tpu.memory_space<hbm>> -> memref<128x64xf32, #tpu.memory_space<hbm>>
      %dma_wait3A_171 = arith.constant 0 : i32
      %dma_wait3A_172 = tpu.memref_slice %arg4[%add3A_72, %dma_wait3A_171] : memref<50176x64xf32, #tpu.memory_space<hbm>> -> memref<128x64xf32, #tpu.memory_space<hbm>>
      tpu.wait_dma2 semaphore(%run_scoped3A : memref<!tpu.dma_semaphore, #tpu.memory_space<semaphore_mem>>) src(%arg5 : memref<128x64xf32, #tpu.memory_space<vmem>>) dst(%dma_wait3A_172 : memref<128x64xf32, #tpu.memory_space<hbm>>)
      tpu.yield
    }) : () -> ()
    %mul3A_73 = arith.constant 784 : i32
    %mul3A_74 = arith.muli %arg1, %mul3A_73 : i32
    %add3A_75 = arith.constant 640 : i32
    %add3A_76 = arith.addi %mul3A_74, %add3A_75 : i32
    "tpu.region"() ({
      %run_scoped3A = tpu.sem_alloc : memref<!tpu.dma_semaphore, #tpu.memory_space<semaphore_mem>>
      %dma_start3A = arith.constant 0 : i32
      %dma_start3A_167 = tpu.memref_slice %arg7[%add3A_76, %dma_start3A] : memref<12800x64xf32, #tpu.memory_space<vmem_shared>> -> memref<128x64xf32, #tpu.memory_space<vmem_shared>>
      %dma_start3A_168 = arith.constant 0 : i32
      %dma_start3A_169 = tpu.memref_slice %arg7[%add3A_76, %dma_start3A_168] : memref<12800x64xf32, #tpu.memory_space<vmem_shared>> -> memref<128x64xf32, #tpu.memory_space<vmem_shared>>
      tpu.enqueue_dma source(%dma_start3A_169 : memref<128x64xf32, #tpu.memory_space<vmem_shared>>) target(%arg5 : memref<128x64xf32, #tpu.memory_space<vmem>>) target_semaphore(%run_scoped3A : memref<!tpu.dma_semaphore, #tpu.memory_space<semaphore_mem>>)
      %dma_wait3A = arith.constant 0 : i32
      %dma_wait3A_170 = tpu.memref_slice %arg7[%add3A_76, %dma_wait3A] : memref<12800x64xf32, #tpu.memory_space<vmem_shared>> -> memref<128x64xf32, #tpu.memory_space<vmem_shared>>
      %dma_wait3A_171 = arith.constant 0 : i32
      %dma_wait3A_172 = tpu.memref_slice %arg7[%add3A_76, %dma_wait3A_171] : memref<12800x64xf32, #tpu.memory_space<vmem_shared>> -> memref<128x64xf32, #tpu.memory_space<vmem_shared>>
      tpu.wait_dma2 semaphore(%run_scoped3A : memref<!tpu.dma_semaphore, #tpu.memory_space<semaphore_mem>>) src(%dma_wait3A_172 : memref<128x64xf32, #tpu.memory_space<vmem_shared>>) dst(%arg5 : memref<128x64xf32, #tpu.memory_space<vmem>>)
      tpu.yield
    }) : () -> ()
    %add3A_77 = arith.addi %mul3A_39, %add3A_76 : i32
    "tpu.region"() ({
      %run_scoped3A = tpu.sem_alloc : memref<!tpu.dma_semaphore, #tpu.memory_space<semaphore_mem>>
      %dma_start3A = arith.constant 0 : i32
      %dma_start3A_167 = tpu.memref_slice %arg4[%add3A_77, %dma_start3A] : memref<50176x64xf32, #tpu.memory_space<hbm>> -> memref<128x64xf32, #tpu.memory_space<hbm>>
      %dma_start3A_168 = arith.constant 0 : i32
      %dma_start3A_169 = tpu.memref_slice %arg4[%add3A_77, %dma_start3A_168] : memref<50176x64xf32, #tpu.memory_space<hbm>> -> memref<128x64xf32, #tpu.memory_space<hbm>>
      tpu.enqueue_dma source(%arg5 : memref<128x64xf32, #tpu.memory_space<vmem>>) target(%dma_start3A_169 : memref<128x64xf32, #tpu.memory_space<hbm>>) target_semaphore(%run_scoped3A : memref<!tpu.dma_semaphore, #tpu.memory_space<semaphore_mem>>)
      %dma_wait3A = arith.constant 0 : i32
      %dma_wait3A_170 = tpu.memref_slice %arg4[%add3A_77, %dma_wait3A] : memref<50176x64xf32, #tpu.memory_space<hbm>> -> memref<128x64xf32, #tpu.memory_space<hbm>>
      %dma_wait3A_171 = arith.constant 0 : i32
      %dma_wait3A_172 = tpu.memref_slice %arg4[%add3A_77, %dma_wait3A_171] : memref<50176x64xf32, #tpu.memory_space<hbm>> -> memref<128x64xf32, #tpu.memory_space<hbm>>
      tpu.wait_dma2 semaphore(%run_scoped3A : memref<!tpu.dma_semaphore, #tpu.memory_space<semaphore_mem>>) src(%arg5 : memref<128x64xf32, #tpu.memory_space<vmem>>) dst(%dma_wait3A_172 : memref<128x64xf32, #tpu.memory_space<hbm>>)
      tpu.yield
    }) : () -> ()
    %mul3A_78 = arith.constant 784 : i32
    %mul3A_79 = arith.muli %arg1, %mul3A_78 : i32
    %add3A_80 = arith.constant 768 : i32
    %add3A_81 = arith.addi %mul3A_79, %add3A_80 : i32
    "tpu.region"() ({
      %run_scoped3A = tpu.sem_alloc : memref<!tpu.dma_semaphore, #tpu.memory_space<semaphore_mem>>
      %dma_start3A = arith.constant 0 : i32
      %dma_start3A_167 = arith.constant 0 : i32
      %dma_start3A_168 = tpu.memref_slice %arg5[%dma_start3A, %dma_start3A_167] : memref<128x64xf32, #tpu.memory_space<vmem>> -> memref<16x64xf32, #tpu.memory_space<vmem>>
      %dma_start3A_169 = arith.constant 0 : i32
      %dma_start3A_170 = tpu.memref_slice %arg7[%add3A_81, %dma_start3A_169] : memref<12800x64xf32, #tpu.memory_space<vmem_shared>> -> memref<16x64xf32, #tpu.memory_space<vmem_shared>>
      %dma_start3A_171 = arith.constant 0 : i32
      %dma_start3A_172 = arith.constant 0 : i32
      %dma_start3A_173 = tpu.memref_slice %arg5[%dma_start3A_171, %dma_start3A_172] : memref<128x64xf32, #tpu.memory_space<vmem>> -> memref<16x64xf32, #tpu.memory_space<vmem>>
      %dma_start3A_174 = arith.constant 0 : i32
      %dma_start3A_175 = tpu.memref_slice %arg7[%add3A_81, %dma_start3A_174] : memref<12800x64xf32, #tpu.memory_space<vmem_shared>> -> memref<16x64xf32, #tpu.memory_space<vmem_shared>>
      tpu.enqueue_dma source(%dma_start3A_175 : memref<16x64xf32, #tpu.memory_space<vmem_shared>>) target(%dma_start3A_173 : memref<16x64xf32, #tpu.memory_space<vmem>>) target_semaphore(%run_scoped3A : memref<!tpu.dma_semaphore, #tpu.memory_space<semaphore_mem>>)
      %dma_wait3A = arith.constant 0 : i32
      %dma_wait3A_176 = arith.constant 0 : i32
      %dma_wait3A_177 = tpu.memref_slice %arg5[%dma_wait3A, %dma_wait3A_176] : memref<128x64xf32, #tpu.memory_space<vmem>> -> memref<16x64xf32, #tpu.memory_space<vmem>>
      %dma_wait3A_178 = arith.constant 0 : i32
      %dma_wait3A_179 = tpu.memref_slice %arg7[%add3A_81, %dma_wait3A_178] : memref<12800x64xf32, #tpu.memory_space<vmem_shared>> -> memref<16x64xf32, #tpu.memory_space<vmem_shared>>
      %dma_wait3A_180 = arith.constant 0 : i32
      %dma_wait3A_181 = arith.constant 0 : i32
      %dma_wait3A_182 = tpu.memref_slice %arg5[%dma_wait3A_180, %dma_wait3A_181] : memref<128x64xf32, #tpu.memory_space<vmem>> -> memref<16x64xf32, #tpu.memory_space<vmem>>
      %dma_wait3A_183 = arith.constant 0 : i32
      %dma_wait3A_184 = tpu.memref_slice %arg7[%add3A_81, %dma_wait3A_183] : memref<12800x64xf32, #tpu.memory_space<vmem_shared>> -> memref<16x64xf32, #tpu.memory_space<vmem_shared>>
      tpu.wait_dma2 semaphore(%run_scoped3A : memref<!tpu.dma_semaphore, #tpu.memory_space<semaphore_mem>>) src(%dma_wait3A_184 : memref<16x64xf32, #tpu.memory_space<vmem_shared>>) dst(%dma_wait3A_182 : memref<16x64xf32, #tpu.memory_space<vmem>>)
      tpu.yield
    }) : () -> ()
    %add3A_82 = arith.addi %mul3A_39, %add3A_81 : i32
    "tpu.region"() ({
      %run_scoped3A = tpu.sem_alloc : memref<!tpu.dma_semaphore, #tpu.memory_space<semaphore_mem>>
      %dma_start3A = arith.constant 0 : i32
      %dma_start3A_167 = arith.constant 0 : i32
      %dma_start3A_168 = tpu.memref_slice %arg5[%dma_start3A, %dma_start3A_167] : memref<128x64xf32, #tpu.memory_space<vmem>> -> memref<16x64xf32, #tpu.memory_space<vmem>>
      %dma_start3A_169 = arith.constant 0 : i32
      %dma_start3A_170 = tpu.memref_slice %arg4[%add3A_82, %dma_start3A_169] : memref<50176x64xf32, #tpu.memory_space<hbm>> -> memref<16x64xf32, #tpu.memory_space<hbm>>
      %dma_start3A_171 = arith.constant 0 : i32
      %dma_start3A_172 = tpu.memref_slice %arg4[%add3A_82, %dma_start3A_171] : memref<50176x64xf32, #tpu.memory_space<hbm>> -> memref<16x64xf32, #tpu.memory_space<hbm>>
      %dma_start3A_173 = arith.constant 0 : i32
      %dma_start3A_174 = arith.constant 0 : i32
      %dma_start3A_175 = tpu.memref_slice %arg5[%dma_start3A_173, %dma_start3A_174] : memref<128x64xf32, #tpu.memory_space<vmem>> -> memref<16x64xf32, #tpu.memory_space<vmem>>
      tpu.enqueue_dma source(%dma_start3A_175 : memref<16x64xf32, #tpu.memory_space<vmem>>) target(%dma_start3A_172 : memref<16x64xf32, #tpu.memory_space<hbm>>) target_semaphore(%run_scoped3A : memref<!tpu.dma_semaphore, #tpu.memory_space<semaphore_mem>>)
      %dma_wait3A = arith.constant 0 : i32
      %dma_wait3A_176 = arith.constant 0 : i32
      %dma_wait3A_177 = tpu.memref_slice %arg5[%dma_wait3A, %dma_wait3A_176] : memref<128x64xf32, #tpu.memory_space<vmem>> -> memref<16x64xf32, #tpu.memory_space<vmem>>
      %dma_wait3A_178 = arith.constant 0 : i32
      %dma_wait3A_179 = tpu.memref_slice %arg4[%add3A_82, %dma_wait3A_178] : memref<50176x64xf32, #tpu.memory_space<hbm>> -> memref<16x64xf32, #tpu.memory_space<hbm>>
      %dma_wait3A_180 = arith.constant 0 : i32
      %dma_wait3A_181 = tpu.memref_slice %arg4[%add3A_82, %dma_wait3A_180] : memref<50176x64xf32, #tpu.memory_space<hbm>> -> memref<16x64xf32, #tpu.memory_space<hbm>>
      %dma_wait3A_182 = arith.constant 0 : i32
      %dma_wait3A_183 = arith.constant 0 : i32
      %dma_wait3A_184 = tpu.memref_slice %arg5[%dma_wait3A_182, %dma_wait3A_183] : memref<128x64xf32, #tpu.memory_space<vmem>> -> memref<16x64xf32, #tpu.memory_space<vmem>>
      tpu.wait_dma2 semaphore(%run_scoped3A : memref<!tpu.dma_semaphore, #tpu.memory_space<semaphore_mem>>) src(%dma_wait3A_184 : memref<16x64xf32, #tpu.memory_space<vmem>>) dst(%dma_wait3A_181 : memref<16x64xf32, #tpu.memory_space<hbm>>)
      tpu.yield
    }) : () -> ()
    %barrier3A_83 = arith.constant 0 : index
    tpu.barrier barrier_id(%barrier3A_83)
    %scan3A_84 = arith.constant 0 : i32
    %scan3A_85 = arith.constant 0 : i32
    %scan3A_86 = arith.constant 128 : i32
    %scan3A_87 = arith.addi %scan3A_85, %scan3A_86 : i32
    %scan3A_88 = arith.constant 1 : i32
    %scan3A_89 = scf.for %scan3A_167 = %scan3A_85 to %scan3A_87 step %scan3A_88 iter_args(%scan3A_168 = %scan3A_84) -> (i32)  : i32 {
      %swap3A = arith.index_cast %scan3A_167 : i32 to index
      %swap3A_169 = arith.constant 0 : index
      %swap3A_170 = tpu.vector_load %arg5[%swap3A, %swap3A_169] {strides = array<i32>} : memref<128x64xf32, #tpu.memory_space<vmem>>, vector<1x16xf32>,
      %swap3A_171 = vector.shape_cast %swap3A_170 : vector<1x16xf32> to vector<16xf32>
      %swap3A_172 = vector.shape_cast %broadcast_in_dim3A_1 : vector<16xf32> to vector<1x16xf32>
      tpu.vector_store %arg5[%swap3A, %swap3A_169], %swap3A_172 {strides = array<i32>} : memref<128x64xf32, #tpu.memory_space<vmem>>, vector<1x16xf32>,
      %swap3A_173 = arith.index_cast %scan3A_167 : i32 to index
      %swap3A_174 = arith.constant 16 : index
      %swap3A_175 = tpu.vector_load %arg5[%swap3A_173, %swap3A_174] {strides = array<i32>} : memref<128x64xf32, #tpu.memory_space<vmem>>, vector<1x16xf32>,
      %swap3A_176 = vector.shape_cast %swap3A_175 : vector<1x16xf32> to vector<16xf32>
      %swap3A_177 = vector.shape_cast %broadcast_in_dim3A_1 : vector<16xf32> to vector<1x16xf32>
      tpu.vector_store %arg5[%swap3A_173, %swap3A_174], %swap3A_177 {strides = array<i32>} : memref<128x64xf32, #tpu.memory_space<vmem>>, vector<1x16xf32>,
      %swap3A_178 = arith.index_cast %scan3A_167 : i32 to index
      %swap3A_179 = arith.constant 32 : index
      %swap3A_180 = tpu.vector_load %arg5[%swap3A_178, %swap3A_179] {strides = array<i32>} : memref<128x64xf32, #tpu.memory_space<vmem>>, vector<1x16xf32>,
      %swap3A_181 = vector.shape_cast %swap3A_180 : vector<1x16xf32> to vector<16xf32>
      %swap3A_182 = vector.shape_cast %broadcast_in_dim3A_1 : vector<16xf32> to vector<1x16xf32>
      tpu.vector_store %arg5[%swap3A_178, %swap3A_179], %swap3A_182 {strides = array<i32>} : memref<128x64xf32, #tpu.memory_space<vmem>>, vector<1x16xf32>,
      %swap3A_183 = arith.index_cast %scan3A_167 : i32 to index
      %swap3A_184 = arith.constant 48 : index
      %swap3A_185 = tpu.vector_load %arg5[%swap3A_183, %swap3A_184] {strides = array<i32>} : memref<128x64xf32, #tpu.memory_space<vmem>>, vector<1x16xf32>,
      %swap3A_186 = vector.shape_cast %swap3A_185 : vector<1x16xf32> to vector<16xf32>
      %swap3A_187 = vector.shape_cast %broadcast_in_dim3A_1 : vector<16xf32> to vector<1x16xf32>
      tpu.vector_store %arg5[%swap3A_183, %swap3A_184], %swap3A_187 {strides = array<i32>} : memref<128x64xf32, #tpu.memory_space<vmem>>, vector<1x16xf32>,
      %scan3A_188 = arith.constant 0 : i32
      scf.yield %scan3A_188 : i32
    }
    %scan3A_90 = arith.constant 128 : i32
    %mul3A_91 = arith.constant 800 : i32
    %mul3A_92 = arith.muli %arg1, %mul3A_91 : i32
    %add3A_93 = arith.constant 0 : i32
    %add3A_94 = arith.addi %mul3A_92, %add3A_93 : i32
    "tpu.region"() ({
      %run_scoped3A = tpu.sem_alloc : memref<!tpu.dma_semaphore, #tpu.memory_space<semaphore_mem>>
      %dma_start3A = arith.constant 0 : i32
      %dma_start3A_167 = tpu.memref_slice %arg7[%add3A_94, %dma_start3A] : memref<12800x64xf32, #tpu.memory_space<vmem_shared>> -> memref<128x64xf32, #tpu.memory_space<vmem_shared>>
      %dma_start3A_168 = arith.constant 0 : i32
      %dma_start3A_169 = tpu.memref_slice %arg7[%add3A_94, %dma_start3A_168] : memref<12800x64xf32, #tpu.memory_space<vmem_shared>> -> memref<128x64xf32, #tpu.memory_space<vmem_shared>>
      tpu.enqueue_dma source(%arg5 : memref<128x64xf32, #tpu.memory_space<vmem>>) target(%dma_start3A_169 : memref<128x64xf32, #tpu.memory_space<vmem_shared>>) target_semaphore(%run_scoped3A : memref<!tpu.dma_semaphore, #tpu.memory_space<semaphore_mem>>)
      %dma_wait3A = arith.constant 0 : i32
      %dma_wait3A_170 = tpu.memref_slice %arg7[%add3A_94, %dma_wait3A] : memref<12800x64xf32, #tpu.memory_space<vmem_shared>> -> memref<128x64xf32, #tpu.memory_space<vmem_shared>>
      %dma_wait3A_171 = arith.constant 0 : i32
      %dma_wait3A_172 = tpu.memref_slice %arg7[%add3A_94, %dma_wait3A_171] : memref<12800x64xf32, #tpu.memory_space<vmem_shared>> -> memref<128x64xf32, #tpu.memory_space<vmem_shared>>
      tpu.wait_dma2 semaphore(%run_scoped3A : memref<!tpu.dma_semaphore, #tpu.memory_space<semaphore_mem>>) src(%arg5 : memref<128x64xf32, #tpu.memory_space<vmem>>) dst(%dma_wait3A_172 : memref<128x64xf32, #tpu.memory_space<vmem_shared>>)
      tpu.yield
    }) : () -> ()
    %mul3A_95 = arith.constant 800 : i32
    %mul3A_96 = arith.muli %arg1, %mul3A_95 : i32
    %add3A_97 = arith.constant 128 : i32
    %add3A_98 = arith.addi %mul3A_96, %add3A_97 : i32
    "tpu.region"() ({
      %run_scoped3A = tpu.sem_alloc : memref<!tpu.dma_semaphore, #tpu.memory_space<semaphore_mem>>
      %dma_start3A = arith.constant 0 : i32
      %dma_start3A_167 = tpu.memref_slice %arg7[%add3A_98, %dma_start3A] : memref<12800x64xf32, #tpu.memory_space<vmem_shared>> -> memref<128x64xf32, #tpu.memory_space<vmem_shared>>
      %dma_start3A_168 = arith.constant 0 : i32
      %dma_start3A_169 = tpu.memref_slice %arg7[%add3A_98, %dma_start3A_168] : memref<12800x64xf32, #tpu.memory_space<vmem_shared>> -> memref<128x64xf32, #tpu.memory_space<vmem_shared>>
      tpu.enqueue_dma source(%arg5 : memref<128x64xf32, #tpu.memory_space<vmem>>) target(%dma_start3A_169 : memref<128x64xf32, #tpu.memory_space<vmem_shared>>) target_semaphore(%run_scoped3A : memref<!tpu.dma_semaphore, #tpu.memory_space<semaphore_mem>>)
      %dma_wait3A = arith.constant 0 : i32
      %dma_wait3A_170 = tpu.memref_slice %arg7[%add3A_98, %dma_wait3A] : memref<12800x64xf32, #tpu.memory_space<vmem_shared>> -> memref<128x64xf32, #tpu.memory_space<vmem_shared>>
      %dma_wait3A_171 = arith.constant 0 : i32
      %dma_wait3A_172 = tpu.memref_slice %arg7[%add3A_98, %dma_wait3A_171] : memref<12800x64xf32, #tpu.memory_space<vmem_shared>> -> memref<128x64xf32, #tpu.memory_space<vmem_shared>>
      tpu.wait_dma2 semaphore(%run_scoped3A : memref<!tpu.dma_semaphore, #tpu.memory_space<semaphore_mem>>) src(%arg5 : memref<128x64xf32, #tpu.memory_space<vmem>>) dst(%dma_wait3A_172 : memref<128x64xf32, #tpu.memory_space<vmem_shared>>)
      tpu.yield
    }) : () -> ()
    %mul3A_99 = arith.constant 800 : i32
    %mul3A_100 = arith.muli %arg1, %mul3A_99 : i32
    %add3A_101 = arith.constant 256 : i32
    %add3A_102 = arith.addi %mul3A_100, %add3A_101 : i32
    "tpu.region"() ({
      %run_scoped3A = tpu.sem_alloc : memref<!tpu.dma_semaphore, #tpu.memory_space<semaphore_mem>>
      %dma_start3A = arith.constant 0 : i32
      %dma_start3A_167 = tpu.memref_slice %arg7[%add3A_102, %dma_start3A] : memref<12800x64xf32, #tpu.memory_space<vmem_shared>> -> memref<128x64xf32, #tpu.memory_space<vmem_shared>>
      %dma_start3A_168 = arith.constant 0 : i32
      %dma_start3A_169 = tpu.memref_slice %arg7[%add3A_102, %dma_start3A_168] : memref<12800x64xf32, #tpu.memory_space<vmem_shared>> -> memref<128x64xf32, #tpu.memory_space<vmem_shared>>
      tpu.enqueue_dma source(%arg5 : memref<128x64xf32, #tpu.memory_space<vmem>>) target(%dma_start3A_169 : memref<128x64xf32, #tpu.memory_space<vmem_shared>>) target_semaphore(%run_scoped3A : memref<!tpu.dma_semaphore, #tpu.memory_space<semaphore_mem>>)
      %dma_wait3A = arith.constant 0 : i32
      %dma_wait3A_170 = tpu.memref_slice %arg7[%add3A_102, %dma_wait3A] : memref<12800x64xf32, #tpu.memory_space<vmem_shared>> -> memref<128x64xf32, #tpu.memory_space<vmem_shared>>
      %dma_wait3A_171 = arith.constant 0 : i32
      %dma_wait3A_172 = tpu.memref_slice %arg7[%add3A_102, %dma_wait3A_171] : memref<12800x64xf32, #tpu.memory_space<vmem_shared>> -> memref<128x64xf32, #tpu.memory_space<vmem_shared>>
      tpu.wait_dma2 semaphore(%run_scoped3A : memref<!tpu.dma_semaphore, #tpu.memory_space<semaphore_mem>>) src(%arg5 : memref<128x64xf32, #tpu.memory_space<vmem>>) dst(%dma_wait3A_172 : memref<128x64xf32, #tpu.memory_space<vmem_shared>>)
      tpu.yield
    }) : () -> ()
    %mul3A_103 = arith.constant 800 : i32
    %mul3A_104 = arith.muli %arg1, %mul3A_103 : i32
    %add3A_105 = arith.constant 384 : i32
    %add3A_106 = arith.addi %mul3A_104, %add3A_105 : i32
    "tpu.region"() ({
      %run_scoped3A = tpu.sem_alloc : memref<!tpu.dma_semaphore, #tpu.memory_space<semaphore_mem>>
      %dma_start3A = arith.constant 0 : i32
      %dma_start3A_167 = tpu.memref_slice %arg7[%add3A_106, %dma_start3A] : memref<12800x64xf32, #tpu.memory_space<vmem_shared>> -> memref<128x64xf32, #tpu.memory_space<vmem_shared>>
      %dma_start3A_168 = arith.constant 0 : i32
      %dma_start3A_169 = tpu.memref_slice %arg7[%add3A_106, %dma_start3A_168] : memref<12800x64xf32, #tpu.memory_space<vmem_shared>> -> memref<128x64xf32, #tpu.memory_space<vmem_shared>>
      tpu.enqueue_dma source(%arg5 : memref<128x64xf32, #tpu.memory_space<vmem>>) target(%dma_start3A_169 : memref<128x64xf32, #tpu.memory_space<vmem_shared>>) target_semaphore(%run_scoped3A : memref<!tpu.dma_semaphore, #tpu.memory_space<semaphore_mem>>)
      %dma_wait3A = arith.constant 0 : i32
      %dma_wait3A_170 = tpu.memref_slice %arg7[%add3A_106, %dma_wait3A] : memref<12800x64xf32, #tpu.memory_space<vmem_shared>> -> memref<128x64xf32, #tpu.memory_space<vmem_shared>>
      %dma_wait3A_171 = arith.constant 0 : i32
      %dma_wait3A_172 = tpu.memref_slice %arg7[%add3A_106, %dma_wait3A_171] : memref<12800x64xf32, #tpu.memory_space<vmem_shared>> -> memref<128x64xf32, #tpu.memory_space<vmem_shared>>
      tpu.wait_dma2 semaphore(%run_scoped3A : memref<!tpu.dma_semaphore, #tpu.memory_space<semaphore_mem>>) src(%arg5 : memref<128x64xf32, #tpu.memory_space<vmem>>) dst(%dma_wait3A_172 : memref<128x64xf32, #tpu.memory_space<vmem_shared>>)
      tpu.yield
    }) : () -> ()
    %mul3A_107 = arith.constant 800 : i32
    %mul3A_108 = arith.muli %arg1, %mul3A_107 : i32
    %add3A_109 = arith.constant 512 : i32
    %add3A_110 = arith.addi %mul3A_108, %add3A_109 : i32
    "tpu.region"() ({
      %run_scoped3A = tpu.sem_alloc : memref<!tpu.dma_semaphore, #tpu.memory_space<semaphore_mem>>
      %dma_start3A = arith.constant 0 : i32
      %dma_start3A_167 = tpu.memref_slice %arg7[%add3A_110, %dma_start3A] : memref<12800x64xf32, #tpu.memory_space<vmem_shared>> -> memref<128x64xf32, #tpu.memory_space<vmem_shared>>
      %dma_start3A_168 = arith.constant 0 : i32
      %dma_start3A_169 = tpu.memref_slice %arg7[%add3A_110, %dma_start3A_168] : memref<12800x64xf32, #tpu.memory_space<vmem_shared>> -> memref<128x64xf32, #tpu.memory_space<vmem_shared>>
      tpu.enqueue_dma source(%arg5 : memref<128x64xf32, #tpu.memory_space<vmem>>) target(%dma_start3A_169 : memref<128x64xf32, #tpu.memory_space<vmem_shared>>) target_semaphore(%run_scoped3A : memref<!tpu.dma_semaphore, #tpu.memory_space<semaphore_mem>>)
      %dma_wait3A = arith.constant 0 : i32
      %dma_wait3A_170 = tpu.memref_slice %arg7[%add3A_110, %dma_wait3A] : memref<12800x64xf32, #tpu.memory_space<vmem_shared>> -> memref<128x64xf32, #tpu.memory_space<vmem_shared>>
      %dma_wait3A_171 = arith.constant 0 : i32
      %dma_wait3A_172 = tpu.memref_slice %arg7[%add3A_110, %dma_wait3A_171] : memref<12800x64xf32, #tpu.memory_space<vmem_shared>> -> memref<128x64xf32, #tpu.memory_space<vmem_shared>>
      tpu.wait_dma2 semaphore(%run_scoped3A : memref<!tpu.dma_semaphore, #tpu.memory_space<semaphore_mem>>) src(%arg5 : memref<128x64xf32, #tpu.memory_space<vmem>>) dst(%dma_wait3A_172 : memref<128x64xf32, #tpu.memory_space<vmem_shared>>)
      tpu.yield
    }) : () -> ()
    %mul3A_111 = arith.constant 800 : i32
    %mul3A_112 = arith.muli %arg1, %mul3A_111 : i32
    %add3A_113 = arith.constant 640 : i32
    %add3A_114 = arith.addi %mul3A_112, %add3A_113 : i32
    "tpu.region"() ({
      %run_scoped3A = tpu.sem_alloc : memref<!tpu.dma_semaphore, #tpu.memory_space<semaphore_mem>>
      %dma_start3A = arith.constant 0 : i32
      %dma_start3A_167 = tpu.memref_slice %arg7[%add3A_114, %dma_start3A] : memref<12800x64xf32, #tpu.memory_space<vmem_shared>> -> memref<128x64xf32, #tpu.memory_space<vmem_shared>>
      %dma_start3A_168 = arith.constant 0 : i32
      %dma_start3A_169 = tpu.memref_slice %arg7[%add3A_114, %dma_start3A_168] : memref<12800x64xf32, #tpu.memory_space<vmem_shared>> -> memref<128x64xf32, #tpu.memory_space<vmem_shared>>
      tpu.enqueue_dma source(%arg5 : memref<128x64xf32, #tpu.memory_space<vmem>>) target(%dma_start3A_169 : memref<128x64xf32, #tpu.memory_space<vmem_shared>>) target_semaphore(%run_scoped3A : memref<!tpu.dma_semaphore, #tpu.memory_space<semaphore_mem>>)
      %dma_wait3A = arith.constant 0 : i32
      %dma_wait3A_170 = tpu.memref_slice %arg7[%add3A_114, %dma_wait3A] : memref<12800x64xf32, #tpu.memory_space<vmem_shared>> -> memref<128x64xf32, #tpu.memory_space<vmem_shared>>
      %dma_wait3A_171 = arith.constant 0 : i32
      %dma_wait3A_172 = tpu.memref_slice %arg7[%add3A_114, %dma_wait3A_171] : memref<12800x64xf32, #tpu.memory_space<vmem_shared>> -> memref<128x64xf32, #tpu.memory_space<vmem_shared>>
      tpu.wait_dma2 semaphore(%run_scoped3A : memref<!tpu.dma_semaphore, #tpu.memory_space<semaphore_mem>>) src(%arg5 : memref<128x64xf32, #tpu.memory_space<vmem>>) dst(%dma_wait3A_172 : memref<128x64xf32, #tpu.memory_space<vmem_shared>>)
      tpu.yield
    }) : () -> ()
    %mul3A_115 = arith.constant 800 : i32
    %mul3A_116 = arith.muli %arg1, %mul3A_115 : i32
    %add3A_117 = arith.constant 768 : i32
    %add3A_118 = arith.addi %mul3A_116, %add3A_117 : i32
    "tpu.region"() ({
      %run_scoped3A = tpu.sem_alloc : memref<!tpu.dma_semaphore, #tpu.memory_space<semaphore_mem>>
      %dma_start3A = arith.constant 0 : i32
      %dma_start3A_167 = arith.constant 0 : i32
      %dma_start3A_168 = tpu.memref_slice %arg5[%dma_start3A, %dma_start3A_167] : memref<128x64xf32, #tpu.memory_space<vmem>> -> memref<32x64xf32, #tpu.memory_space<vmem>>
      %dma_start3A_169 = arith.constant 0 : i32
      %dma_start3A_170 = tpu.memref_slice %arg7[%add3A_118, %dma_start3A_169] : memref<12800x64xf32, #tpu.memory_space<vmem_shared>> -> memref<32x64xf32, #tpu.memory_space<vmem_shared>>
      %dma_start3A_171 = arith.constant 0 : i32
      %dma_start3A_172 = tpu.memref_slice %arg7[%add3A_118, %dma_start3A_171] : memref<12800x64xf32, #tpu.memory_space<vmem_shared>> -> memref<32x64xf32, #tpu.memory_space<vmem_shared>>
      %dma_start3A_173 = arith.constant 0 : i32
      %dma_start3A_174 = arith.constant 0 : i32
      %dma_start3A_175 = tpu.memref_slice %arg5[%dma_start3A_173, %dma_start3A_174] : memref<128x64xf32, #tpu.memory_space<vmem>> -> memref<32x64xf32, #tpu.memory_space<vmem>>
      tpu.enqueue_dma source(%dma_start3A_175 : memref<32x64xf32, #tpu.memory_space<vmem>>) target(%dma_start3A_172 : memref<32x64xf32, #tpu.memory_space<vmem_shared>>) target_semaphore(%run_scoped3A : memref<!tpu.dma_semaphore, #tpu.memory_space<semaphore_mem>>)
      %dma_wait3A = arith.constant 0 : i32
      %dma_wait3A_176 = arith.constant 0 : i32
      %dma_wait3A_177 = tpu.memref_slice %arg5[%dma_wait3A, %dma_wait3A_176] : memref<128x64xf32, #tpu.memory_space<vmem>> -> memref<32x64xf32, #tpu.memory_space<vmem>>
      %dma_wait3A_178 = arith.constant 0 : i32
      %dma_wait3A_179 = tpu.memref_slice %arg7[%add3A_118, %dma_wait3A_178] : memref<12800x64xf32, #tpu.memory_space<vmem_shared>> -> memref<32x64xf32, #tpu.memory_space<vmem_shared>>
      %dma_wait3A_180 = arith.constant 0 : i32
      %dma_wait3A_181 = tpu.memref_slice %arg7[%add3A_118, %dma_wait3A_180] : memref<12800x64xf32, #tpu.memory_space<vmem_shared>> -> memref<32x64xf32, #tpu.memory_space<vmem_shared>>
      %dma_wait3A_182 = arith.constant 0 : i32
      %dma_wait3A_183 = arith.constant 0 : i32
      %dma_wait3A_184 = tpu.memref_slice %arg5[%dma_wait3A_182, %dma_wait3A_183] : memref<128x64xf32, #tpu.memory_space<vmem>> -> memref<32x64xf32, #tpu.memory_space<vmem>>
      tpu.wait_dma2 semaphore(%run_scoped3A : memref<!tpu.dma_semaphore, #tpu.memory_space<semaphore_mem>>) src(%dma_wait3A_184 : memref<32x64xf32, #tpu.memory_space<vmem>>) dst(%dma_wait3A_181 : memref<32x64xf32, #tpu.memory_space<vmem_shared>>)
      tpu.yield
    }) : () -> ()
    %barrier3A_119 = arith.constant 0 : index
    tpu.barrier barrier_id(%barrier3A_119)
    %add3A_120 = arith.constant 2 : i32
    %add3A_121 = arith.addi %arg0, %add3A_120 : i32
    %mul3A_122 = arith.constant 12544 : i32
    %mul3A_123 = arith.muli %add3A_121, %mul3A_122 : i32
    %scan3A_124 = arith.constant 0 : i32
    %scan3A_125 = arith.constant 0 : i32
    %scan3A_126 = arith.constant 196 : i32
    %scan3A_127 = arith.addi %scan3A_125, %scan3A_126 : i32
    %scan3A_128 = arith.constant 1 : i32
    %scan3A_129 = scf.for %scan3A_167 = %scan3A_125 to %scan3A_127 step %scan3A_128 iter_args(%scan3A_168 = %scan3A_124) -> (i32)  : i32 {
      %mul3A_169 = arith.constant 25088 : i32
      %mul3A_170 = arith.muli %add3A, %mul3A_169 : i32
      %mul3A_171 = arith.constant 128 : i32
      %mul3A_172 = arith.muli %scan3A_167, %mul3A_171 : i32
      %add3A_173 = arith.addi %mul3A_170, %mul3A_172 : i32
      "tpu.region"() ({
        %run_scoped3A = tpu.sem_alloc : memref<!tpu.dma_semaphore, #tpu.memory_space<semaphore_mem>>
        %dma_start3A = tpu.memref_slice %arg3[%add3A_173] : memref<802816xi32, #tpu.memory_space<hbm>> -> memref<128xi32, #tpu.memory_space<hbm>>
        %dma_start3A_182 = tpu.memref_slice %arg3[%add3A_173] : memref<802816xi32, #tpu.memory_space<hbm>> -> memref<128xi32, #tpu.memory_space<hbm>>
        tpu.enqueue_dma source(%dma_start3A_182 : memref<128xi32, #tpu.memory_space<hbm>>) target(%arg6 : memref<128xi32, #tpu.memory_space<vmem>>) target_semaphore(%run_scoped3A : memref<!tpu.dma_semaphore, #tpu.memory_space<semaphore_mem>>)
        %dma_wait3A = tpu.memref_slice %arg3[%add3A_173] : memref<802816xi32, #tpu.memory_space<hbm>> -> memref<128xi32, #tpu.memory_space<hbm>>
        %dma_wait3A_183 = tpu.memref_slice %arg3[%add3A_173] : memref<802816xi32, #tpu.memory_space<hbm>> -> memref<128xi32, #tpu.memory_space<hbm>>
        tpu.wait_dma2 semaphore(%run_scoped3A : memref<!tpu.dma_semaphore, #tpu.memory_space<semaphore_mem>>) src(%dma_wait3A_183 : memref<128xi32, #tpu.memory_space<hbm>>) dst(%arg6 : memref<128xi32, #tpu.memory_space<vmem>>)
        tpu.yield
      }) : () -> ()
      "tpu.region"() ({
        %run_scoped3A = tpu.sem_alloc : memref<!tpu.dma_semaphore, #tpu.memory_space<semaphore_mem>>
        %dma_start3A = arith.constant 0 : i32
        %dma_start3A_182 = tpu.memref_slice %arg2[%add3A_173, %dma_start3A] : memref<802816x64xf32, #tpu.memory_space<hbm>> -> memref<128x64xf32, #tpu.memory_space<hbm>>
        %dma_start3A_183 = arith.constant 0 : i32
        %dma_start3A_184 = tpu.memref_slice %arg2[%add3A_173, %dma_start3A_183] : memref<802816x64xf32, #tpu.memory_space<hbm>> -> memref<128x64xf32, #tpu.memory_space<hbm>>
        tpu.enqueue_dma source(%dma_start3A_184 : memref<128x64xf32, #tpu.memory_space<hbm>>) target(%arg5 : memref<128x64xf32, #tpu.memory_space<vmem>>) target_semaphore(%run_scoped3A : memref<!tpu.dma_semaphore, #tpu.memory_space<semaphore_mem>>)
        %dma_wait3A = arith.constant 0 : i32
        %dma_wait3A_185 = tpu.memref_slice %arg2[%add3A_173, %dma_wait3A] : memref<802816x64xf32, #tpu.memory_space<hbm>> -> memref<128x64xf32, #tpu.memory_space<hbm>>
        %dma_wait3A_186 = arith.constant 0 : i32
        %dma_wait3A_187 = tpu.memref_slice %arg2[%add3A_173, %dma_wait3A_186] : memref<802816x64xf32, #tpu.memory_space<hbm>> -> memref<128x64xf32, #tpu.memory_space<hbm>>
        tpu.wait_dma2 semaphore(%run_scoped3A : memref<!tpu.dma_semaphore, #tpu.memory_space<semaphore_mem>>) src(%dma_wait3A_187 : memref<128x64xf32, #tpu.memory_space<hbm>>) dst(%arg5 : memref<128x64xf32, #tpu.memory_space<vmem>>)
        tpu.yield
      }) : () -> ()
      %scan3A_174 = arith.constant 0 : i32
      %scan3A_175 = arith.constant 0 : i32
      %scan3A_176 = arith.constant 8 : i32
      %scan3A_177 = arith.addi %scan3A_175, %scan3A_176 : i32
      %scan3A_178 = arith.constant 1 : i32
      %scan3A_179 = scf.for %scan3A_182 = %scan3A_175 to %scan3A_177 step %scan3A_178 iter_args(%scan3A_183 = %scan3A_174) -> (i32)  : i32 {
        %mul3A_184 = arith.constant 16 : i32
        %mul3A_185 = arith.muli %scan3A_182, %mul3A_184 : i32
        %get3A = arith.index_cast %mul3A_185 : i32 to index
        %get3A_186 = tpu.vector_load %arg6[%get3A] {strides = array<i32>} : memref<128xi32, #tpu.memory_space<vmem>>, vector<16xi32>,
        %get3A_187 = vector.shape_cast %get3A_186 : vector<16xi32> to vector<16xi32>
        %sub3A = vector.broadcast %mul3A_123 : i32 to vector<16xi32>
        %sub3A_188 = arith.subi %get3A_187, %sub3A : vector<16xi32>
        %ge3A = arith.constant 0 : i32
        %ge3A_189 = vector.broadcast %ge3A : i32 to vector<16xi32>
        %ge3A_190 = arith.cmpi sge, %sub3A_188, %ge3A_189 : vector<16xi32>
        %lt3A = arith.constant 12544 : i32
        %lt3A_191 = vector.broadcast %lt3A : i32 to vector<16xi32>
        %lt3A_192 = arith.cmpi slt, %sub3A_188, %lt3A_191 : vector<16xi32>
        %and3A = arith.andi %ge3A_190, %lt3A_192 : vector<16xi1>
        %jit3A = arith.constant 12544 : i32
        %broadcast_in_dim3A_193 = vector.broadcast %jit3A : i32 to vector<16xi32>
        %select_n3A = arith.select %and3A, %sub3A_188, %broadcast_in_dim3A_193 : vector<16xi1>, vector<16xi32>
        %mul3A_194 = arith.constant 16 : i32
        %mul3A_195 = arith.muli %scan3A_182, %mul3A_194 : i32
        %swap3A = arith.index_cast %mul3A_195 : i32 to index
        %swap3A_196 = tpu.vector_load %arg6[%swap3A] {strides = array<i32>} : memref<128xi32, #tpu.memory_space<vmem>>, vector<16xi32>,
        %swap3A_197 = vector.shape_cast %swap3A_196 : vector<16xi32> to vector<16xi32>
        %swap3A_198 = vector.shape_cast %select_n3A : vector<16xi32> to vector<16xi32>
        tpu.vector_store %arg6[%swap3A], %swap3A_198 {strides = array<i32>} : memref<128xi32, #tpu.memory_space<vmem>>, vector<16xi32>,
        %scan3A_199 = arith.constant 0 : i32
        scf.yield %scan3A_199 : i32
      }
      %scan3A_180 = arith.constant 8 : i32
      "tpu.region"() ({
        %run_scoped3A = tpu.sem_alloc : memref<!tpu.dma_semaphore, #tpu.memory_space<semaphore_mem>>
        %dma_start3A = arith.constant 0 : i32
        %dma_start3A_182 = arith.constant 0 : i32
        %dma_start3A_183 = tpu.memref_slice %arg7[%dma_start3A, %dma_start3A_182] : memref<12800x64xf32, #tpu.memory_space<vmem_shared>> -> memref<12800x64xf32, #tpu.memory_space<vmem_shared>>
        tpu.enqueue_indirect_dma source(%arg5 : memref<128x64xf32, #tpu.memory_space<vmem>>) target(%dma_start3A_183 : memref<12800x64xf32, #tpu.memory_space<vmem_shared>>) offsets(%arg6 : memref<128xi32, #tpu.memory_space<vmem>>) semaphore(%run_scoped3A : memref<!tpu.dma_semaphore, #tpu.memory_space<semaphore_mem>>) {add = true}
        %dma_wait3A = arith.constant 0 : i32
        %dma_wait3A_184 = arith.constant 0 : i32
        %dma_wait3A_185 = tpu.memref_slice %arg7[%dma_wait3A, %dma_wait3A_184] : memref<12800x64xf32, #tpu.memory_space<vmem_shared>> -> memref<12800x64xf32, #tpu.memory_space<vmem_shared>>
        tpu.wait_indirect_dma semaphore(%run_scoped3A : memref<!tpu.dma_semaphore, #tpu.memory_space<semaphore_mem>>) src(%arg5 : memref<128x64xf32, #tpu.memory_space<vmem>>) dst(%dma_wait3A_185 : memref<12800x64xf32, #tpu.memory_space<vmem_shared>>)
        tpu.yield
      }) : () -> ()
      %scan3A_181 = arith.constant 0 : i32
      scf.yield %scan3A_181 : i32
    }
    %scan3A_130 = arith.constant 196 : i32
    %barrier3A_131 = arith.constant 0 : index
    tpu.barrier barrier_id(%barrier3A_131)
    %mul3A_132 = arith.constant 784 : i32
    %mul3A_133 = arith.muli %arg1, %mul3A_132 : i32
    %add3A_134 = arith.constant 0 : i32
    %add3A_135 = arith.addi %mul3A_133, %add3A_134 : i32
    "tpu.region"() ({
      %run_scoped3A = tpu.sem_alloc : memref<!tpu.dma_semaphore, #tpu.memory_space<semaphore_mem>>
      %dma_start3A = arith.constant 0 : i32
      %dma_start3A_167 = tpu.memref_slice %arg7[%add3A_135, %dma_start3A] : memref<12800x64xf32, #tpu.memory_space<vmem_shared>> -> memref<128x64xf32, #tpu.memory_space<vmem_shared>>
      %dma_start3A_168 = arith.constant 0 : i32
      %dma_start3A_169 = tpu.memref_slice %arg7[%add3A_135, %dma_start3A_168] : memref<12800x64xf32, #tpu.memory_space<vmem_shared>> -> memref<128x64xf32, #tpu.memory_space<vmem_shared>>
      tpu.enqueue_dma source(%dma_start3A_169 : memref<128x64xf32, #tpu.memory_space<vmem_shared>>) target(%arg5 : memref<128x64xf32, #tpu.memory_space<vmem>>) target_semaphore(%run_scoped3A : memref<!tpu.dma_semaphore, #tpu.memory_space<semaphore_mem>>)
      %dma_wait3A = arith.constant 0 : i32
      %dma_wait3A_170 = tpu.memref_slice %arg7[%add3A_135, %dma_wait3A] : memref<12800x64xf32, #tpu.memory_space<vmem_shared>> -> memref<128x64xf32, #tpu.memory_space<vmem_shared>>
      %dma_wait3A_171 = arith.constant 0 : i32
      %dma_wait3A_172 = tpu.memref_slice %arg7[%add3A_135, %dma_wait3A_171] : memref<12800x64xf32, #tpu.memory_space<vmem_shared>> -> memref<128x64xf32, #tpu.memory_space<vmem_shared>>
      tpu.wait_dma2 semaphore(%run_scoped3A : memref<!tpu.dma_semaphore, #tpu.memory_space<semaphore_mem>>) src(%dma_wait3A_172 : memref<128x64xf32, #tpu.memory_space<vmem_shared>>) dst(%arg5 : memref<128x64xf32, #tpu.memory_space<vmem>>)
      tpu.yield
    }) : () -> ()
    %add3A_136 = arith.addi %mul3A_123, %add3A_135 : i32
    "tpu.region"() ({
      %run_scoped3A = tpu.sem_alloc : memref<!tpu.dma_semaphore, #tpu.memory_space<semaphore_mem>>
      %dma_start3A = arith.constant 0 : i32
      %dma_start3A_167 = tpu.memref_slice %arg4[%add3A_136, %dma_start3A] : memref<50176x64xf32, #tpu.memory_space<hbm>> -> memref<128x64xf32, #tpu.memory_space<hbm>>
      %dma_start3A_168 = arith.constant 0 : i32
      %dma_start3A_169 = tpu.memref_slice %arg4[%add3A_136, %dma_start3A_168] : memref<50176x64xf32, #tpu.memory_space<hbm>> -> memref<128x64xf32, #tpu.memory_space<hbm>>
      tpu.enqueue_dma source(%arg5 : memref<128x64xf32, #tpu.memory_space<vmem>>) target(%dma_start3A_169 : memref<128x64xf32, #tpu.memory_space<hbm>>) target_semaphore(%run_scoped3A : memref<!tpu.dma_semaphore, #tpu.memory_space<semaphore_mem>>)
      %dma_wait3A = arith.constant 0 : i32
      %dma_wait3A_170 = tpu.memref_slice %arg4[%add3A_136, %dma_wait3A] : memref<50176x64xf32, #tpu.memory_space<hbm>> -> memref<128x64xf32, #tpu.memory_space<hbm>>
      %dma_wait3A_171 = arith.constant 0 : i32
      %dma_wait3A_172 = tpu.memref_slice %arg4[%add3A_136, %dma_wait3A_171] : memref<50176x64xf32, #tpu.memory_space<hbm>> -> memref<128x64xf32, #tpu.memory_space<hbm>>
      tpu.wait_dma2 semaphore(%run_scoped3A : memref<!tpu.dma_semaphore, #tpu.memory_space<semaphore_mem>>) src(%arg5 : memref<128x64xf32, #tpu.memory_space<vmem>>) dst(%dma_wait3A_172 : memref<128x64xf32, #tpu.memory_space<hbm>>)
      tpu.yield
    }) : () -> ()
    %mul3A_137 = arith.constant 784 : i32
    %mul3A_138 = arith.muli %arg1, %mul3A_137 : i32
    %add3A_139 = arith.constant 128 : i32
    %add3A_140 = arith.addi %mul3A_138, %add3A_139 : i32
    "tpu.region"() ({
      %run_scoped3A = tpu.sem_alloc : memref<!tpu.dma_semaphore, #tpu.memory_space<semaphore_mem>>
      %dma_start3A = arith.constant 0 : i32
      %dma_start3A_167 = tpu.memref_slice %arg7[%add3A_140, %dma_start3A] : memref<12800x64xf32, #tpu.memory_space<vmem_shared>> -> memref<128x64xf32, #tpu.memory_space<vmem_shared>>
      %dma_start3A_168 = arith.constant 0 : i32
      %dma_start3A_169 = tpu.memref_slice %arg7[%add3A_140, %dma_start3A_168] : memref<12800x64xf32, #tpu.memory_space<vmem_shared>> -> memref<128x64xf32, #tpu.memory_space<vmem_shared>>
      tpu.enqueue_dma source(%dma_start3A_169 : memref<128x64xf32, #tpu.memory_space<vmem_shared>>) target(%arg5 : memref<128x64xf32, #tpu.memory_space<vmem>>) target_semaphore(%run_scoped3A : memref<!tpu.dma_semaphore, #tpu.memory_space<semaphore_mem>>)
      %dma_wait3A = arith.constant 0 : i32
      %dma_wait3A_170 = tpu.memref_slice %arg7[%add3A_140, %dma_wait3A] : memref<12800x64xf32, #tpu.memory_space<vmem_shared>> -> memref<128x64xf32, #tpu.memory_space<vmem_shared>>
      %dma_wait3A_171 = arith.constant 0 : i32
      %dma_wait3A_172 = tpu.memref_slice %arg7[%add3A_140, %dma_wait3A_171] : memref<12800x64xf32, #tpu.memory_space<vmem_shared>> -> memref<128x64xf32, #tpu.memory_space<vmem_shared>>
      tpu.wait_dma2 semaphore(%run_scoped3A : memref<!tpu.dma_semaphore, #tpu.memory_space<semaphore_mem>>) src(%dma_wait3A_172 : memref<128x64xf32, #tpu.memory_space<vmem_shared>>) dst(%arg5 : memref<128x64xf32, #tpu.memory_space<vmem>>)
      tpu.yield
    }) : () -> ()
    %add3A_141 = arith.addi %mul3A_123, %add3A_140 : i32
    "tpu.region"() ({
      %run_scoped3A = tpu.sem_alloc : memref<!tpu.dma_semaphore, #tpu.memory_space<semaphore_mem>>
      %dma_start3A = arith.constant 0 : i32
      %dma_start3A_167 = tpu.memref_slice %arg4[%add3A_141, %dma_start3A] : memref<50176x64xf32, #tpu.memory_space<hbm>> -> memref<128x64xf32, #tpu.memory_space<hbm>>
      %dma_start3A_168 = arith.constant 0 : i32
      %dma_start3A_169 = tpu.memref_slice %arg4[%add3A_141, %dma_start3A_168] : memref<50176x64xf32, #tpu.memory_space<hbm>> -> memref<128x64xf32, #tpu.memory_space<hbm>>
      tpu.enqueue_dma source(%arg5 : memref<128x64xf32, #tpu.memory_space<vmem>>) target(%dma_start3A_169 : memref<128x64xf32, #tpu.memory_space<hbm>>) target_semaphore(%run_scoped3A : memref<!tpu.dma_semaphore, #tpu.memory_space<semaphore_mem>>)
      %dma_wait3A = arith.constant 0 : i32
      %dma_wait3A_170 = tpu.memref_slice %arg4[%add3A_141, %dma_wait3A] : memref<50176x64xf32, #tpu.memory_space<hbm>> -> memref<128x64xf32, #tpu.memory_space<hbm>>
      %dma_wait3A_171 = arith.constant 0 : i32
      %dma_wait3A_172 = tpu.memref_slice %arg4[%add3A_141, %dma_wait3A_171] : memref<50176x64xf32, #tpu.memory_space<hbm>> -> memref<128x64xf32, #tpu.memory_space<hbm>>
      tpu.wait_dma2 semaphore(%run_scoped3A : memref<!tpu.dma_semaphore, #tpu.memory_space<semaphore_mem>>) src(%arg5 : memref<128x64xf32, #tpu.memory_space<vmem>>) dst(%dma_wait3A_172 : memref<128x64xf32, #tpu.memory_space<hbm>>)
      tpu.yield
    }) : () -> ()
    %mul3A_142 = arith.constant 784 : i32
    %mul3A_143 = arith.muli %arg1, %mul3A_142 : i32
    %add3A_144 = arith.constant 256 : i32
    %add3A_145 = arith.addi %mul3A_143, %add3A_144 : i32
    "tpu.region"() ({
      %run_scoped3A = tpu.sem_alloc : memref<!tpu.dma_semaphore, #tpu.memory_space<semaphore_mem>>
      %dma_start3A = arith.constant 0 : i32
      %dma_start3A_167 = tpu.memref_slice %arg7[%add3A_145, %dma_start3A] : memref<12800x64xf32, #tpu.memory_space<vmem_shared>> -> memref<128x64xf32, #tpu.memory_space<vmem_shared>>
      %dma_start3A_168 = arith.constant 0 : i32
      %dma_start3A_169 = tpu.memref_slice %arg7[%add3A_145, %dma_start3A_168] : memref<12800x64xf32, #tpu.memory_space<vmem_shared>> -> memref<128x64xf32, #tpu.memory_space<vmem_shared>>
      tpu.enqueue_dma source(%dma_start3A_169 : memref<128x64xf32, #tpu.memory_space<vmem_shared>>) target(%arg5 : memref<128x64xf32, #tpu.memory_space<vmem>>) target_semaphore(%run_scoped3A : memref<!tpu.dma_semaphore, #tpu.memory_space<semaphore_mem>>)
      %dma_wait3A = arith.constant 0 : i32
      %dma_wait3A_170 = tpu.memref_slice %arg7[%add3A_145, %dma_wait3A] : memref<12800x64xf32, #tpu.memory_space<vmem_shared>> -> memref<128x64xf32, #tpu.memory_space<vmem_shared>>
      %dma_wait3A_171 = arith.constant 0 : i32
      %dma_wait3A_172 = tpu.memref_slice %arg7[%add3A_145, %dma_wait3A_171] : memref<12800x64xf32, #tpu.memory_space<vmem_shared>> -> memref<128x64xf32, #tpu.memory_space<vmem_shared>>
      tpu.wait_dma2 semaphore(%run_scoped3A : memref<!tpu.dma_semaphore, #tpu.memory_space<semaphore_mem>>) src(%dma_wait3A_172 : memref<128x64xf32, #tpu.memory_space<vmem_shared>>) dst(%arg5 : memref<128x64xf32, #tpu.memory_space<vmem>>)
      tpu.yield
    }) : () -> ()
    %add3A_146 = arith.addi %mul3A_123, %add3A_145 : i32
    "tpu.region"() ({
      %run_scoped3A = tpu.sem_alloc : memref<!tpu.dma_semaphore, #tpu.memory_space<semaphore_mem>>
      %dma_start3A = arith.constant 0 : i32
      %dma_start3A_167 = tpu.memref_slice %arg4[%add3A_146, %dma_start3A] : memref<50176x64xf32, #tpu.memory_space<hbm>> -> memref<128x64xf32, #tpu.memory_space<hbm>>
      %dma_start3A_168 = arith.constant 0 : i32
      %dma_start3A_169 = tpu.memref_slice %arg4[%add3A_146, %dma_start3A_168] : memref<50176x64xf32, #tpu.memory_space<hbm>> -> memref<128x64xf32, #tpu.memory_space<hbm>>
      tpu.enqueue_dma source(%arg5 : memref<128x64xf32, #tpu.memory_space<vmem>>) target(%dma_start3A_169 : memref<128x64xf32, #tpu.memory_space<hbm>>) target_semaphore(%run_scoped3A : memref<!tpu.dma_semaphore, #tpu.memory_space<semaphore_mem>>)
      %dma_wait3A = arith.constant 0 : i32
      %dma_wait3A_170 = tpu.memref_slice %arg4[%add3A_146, %dma_wait3A] : memref<50176x64xf32, #tpu.memory_space<hbm>> -> memref<128x64xf32, #tpu.memory_space<hbm>>
      %dma_wait3A_171 = arith.constant 0 : i32
      %dma_wait3A_172 = tpu.memref_slice %arg4[%add3A_146, %dma_wait3A_171] : memref<50176x64xf32, #tpu.memory_space<hbm>> -> memref<128x64xf32, #tpu.memory_space<hbm>>
      tpu.wait_dma2 semaphore(%run_scoped3A : memref<!tpu.dma_semaphore, #tpu.memory_space<semaphore_mem>>) src(%arg5 : memref<128x64xf32, #tpu.memory_space<vmem>>) dst(%dma_wait3A_172 : memref<128x64xf32, #tpu.memory_space<hbm>>)
      tpu.yield
    }) : () -> ()
    %mul3A_147 = arith.constant 784 : i32
    %mul3A_148 = arith.muli %arg1, %mul3A_147 : i32
    %add3A_149 = arith.constant 384 : i32
    %add3A_150 = arith.addi %mul3A_148, %add3A_149 : i32
    "tpu.region"() ({
      %run_scoped3A = tpu.sem_alloc : memref<!tpu.dma_semaphore, #tpu.memory_space<semaphore_mem>>
      %dma_start3A = arith.constant 0 : i32
      %dma_start3A_167 = tpu.memref_slice %arg7[%add3A_150, %dma_start3A] : memref<12800x64xf32, #tpu.memory_space<vmem_shared>> -> memref<128x64xf32, #tpu.memory_space<vmem_shared>>
      %dma_start3A_168 = arith.constant 0 : i32
      %dma_start3A_169 = tpu.memref_slice %arg7[%add3A_150, %dma_start3A_168] : memref<12800x64xf32, #tpu.memory_space<vmem_shared>> -> memref<128x64xf32, #tpu.memory_space<vmem_shared>>
      tpu.enqueue_dma source(%dma_start3A_169 : memref<128x64xf32, #tpu.memory_space<vmem_shared>>) target(%arg5 : memref<128x64xf32, #tpu.memory_space<vmem>>) target_semaphore(%run_scoped3A : memref<!tpu.dma_semaphore, #tpu.memory_space<semaphore_mem>>)
      %dma_wait3A = arith.constant 0 : i32
      %dma_wait3A_170 = tpu.memref_slice %arg7[%add3A_150, %dma_wait3A] : memref<12800x64xf32, #tpu.memory_space<vmem_shared>> -> memref<128x64xf32, #tpu.memory_space<vmem_shared>>
      %dma_wait3A_171 = arith.constant 0 : i32
      %dma_wait3A_172 = tpu.memref_slice %arg7[%add3A_150, %dma_wait3A_171] : memref<12800x64xf32, #tpu.memory_space<vmem_shared>> -> memref<128x64xf32, #tpu.memory_space<vmem_shared>>
      tpu.wait_dma2 semaphore(%run_scoped3A : memref<!tpu.dma_semaphore, #tpu.memory_space<semaphore_mem>>) src(%dma_wait3A_172 : memref<128x64xf32, #tpu.memory_space<vmem_shared>>) dst(%arg5 : memref<128x64xf32, #tpu.memory_space<vmem>>)
      tpu.yield
    }) : () -> ()
    %add3A_151 = arith.addi %mul3A_123, %add3A_150 : i32
    "tpu.region"() ({
      %run_scoped3A = tpu.sem_alloc : memref<!tpu.dma_semaphore, #tpu.memory_space<semaphore_mem>>
      %dma_start3A = arith.constant 0 : i32
      %dma_start3A_167 = tpu.memref_slice %arg4[%add3A_151, %dma_start3A] : memref<50176x64xf32, #tpu.memory_space<hbm>> -> memref<128x64xf32, #tpu.memory_space<hbm>>
      %dma_start3A_168 = arith.constant 0 : i32
      %dma_start3A_169 = tpu.memref_slice %arg4[%add3A_151, %dma_start3A_168] : memref<50176x64xf32, #tpu.memory_space<hbm>> -> memref<128x64xf32, #tpu.memory_space<hbm>>
      tpu.enqueue_dma source(%arg5 : memref<128x64xf32, #tpu.memory_space<vmem>>) target(%dma_start3A_169 : memref<128x64xf32, #tpu.memory_space<hbm>>) target_semaphore(%run_scoped3A : memref<!tpu.dma_semaphore, #tpu.memory_space<semaphore_mem>>)
      %dma_wait3A = arith.constant 0 : i32
      %dma_wait3A_170 = tpu.memref_slice %arg4[%add3A_151, %dma_wait3A] : memref<50176x64xf32, #tpu.memory_space<hbm>> -> memref<128x64xf32, #tpu.memory_space<hbm>>
      %dma_wait3A_171 = arith.constant 0 : i32
      %dma_wait3A_172 = tpu.memref_slice %arg4[%add3A_151, %dma_wait3A_171] : memref<50176x64xf32, #tpu.memory_space<hbm>> -> memref<128x64xf32, #tpu.memory_space<hbm>>
      tpu.wait_dma2 semaphore(%run_scoped3A : memref<!tpu.dma_semaphore, #tpu.memory_space<semaphore_mem>>) src(%arg5 : memref<128x64xf32, #tpu.memory_space<vmem>>) dst(%dma_wait3A_172 : memref<128x64xf32, #tpu.memory_space<hbm>>)
      tpu.yield
    }) : () -> ()
    %mul3A_152 = arith.constant 784 : i32
    %mul3A_153 = arith.muli %arg1, %mul3A_152 : i32
    %add3A_154 = arith.constant 512 : i32
    %add3A_155 = arith.addi %mul3A_153, %add3A_154 : i32
    "tpu.region"() ({
      %run_scoped3A = tpu.sem_alloc : memref<!tpu.dma_semaphore, #tpu.memory_space<semaphore_mem>>
      %dma_start3A = arith.constant 0 : i32
      %dma_start3A_167 = tpu.memref_slice %arg7[%add3A_155, %dma_start3A] : memref<12800x64xf32, #tpu.memory_space<vmem_shared>> -> memref<128x64xf32, #tpu.memory_space<vmem_shared>>
      %dma_start3A_168 = arith.constant 0 : i32
      %dma_start3A_169 = tpu.memref_slice %arg7[%add3A_155, %dma_start3A_168] : memref<12800x64xf32, #tpu.memory_space<vmem_shared>> -> memref<128x64xf32, #tpu.memory_space<vmem_shared>>
      tpu.enqueue_dma source(%dma_start3A_169 : memref<128x64xf32, #tpu.memory_space<vmem_shared>>) target(%arg5 : memref<128x64xf32, #tpu.memory_space<vmem>>) target_semaphore(%run_scoped3A : memref<!tpu.dma_semaphore, #tpu.memory_space<semaphore_mem>>)
      %dma_wait3A = arith.constant 0 : i32
      %dma_wait3A_170 = tpu.memref_slice %arg7[%add3A_155, %dma_wait3A] : memref<12800x64xf32, #tpu.memory_space<vmem_shared>> -> memref<128x64xf32, #tpu.memory_space<vmem_shared>>
      %dma_wait3A_171 = arith.constant 0 : i32
      %dma_wait3A_172 = tpu.memref_slice %arg7[%add3A_155, %dma_wait3A_171] : memref<12800x64xf32, #tpu.memory_space<vmem_shared>> -> memref<128x64xf32, #tpu.memory_space<vmem_shared>>
      tpu.wait_dma2 semaphore(%run_scoped3A : memref<!tpu.dma_semaphore, #tpu.memory_space<semaphore_mem>>) src(%dma_wait3A_172 : memref<128x64xf32, #tpu.memory_space<vmem_shared>>) dst(%arg5 : memref<128x64xf32, #tpu.memory_space<vmem>>)
      tpu.yield
    }) : () -> ()
    %add3A_156 = arith.addi %mul3A_123, %add3A_155 : i32
    "tpu.region"() ({
      %run_scoped3A = tpu.sem_alloc : memref<!tpu.dma_semaphore, #tpu.memory_space<semaphore_mem>>
      %dma_start3A = arith.constant 0 : i32
      %dma_start3A_167 = tpu.memref_slice %arg4[%add3A_156, %dma_start3A] : memref<50176x64xf32, #tpu.memory_space<hbm>> -> memref<128x64xf32, #tpu.memory_space<hbm>>
      %dma_start3A_168 = arith.constant 0 : i32
      %dma_start3A_169 = tpu.memref_slice %arg4[%add3A_156, %dma_start3A_168] : memref<50176x64xf32, #tpu.memory_space<hbm>> -> memref<128x64xf32, #tpu.memory_space<hbm>>
      tpu.enqueue_dma source(%arg5 : memref<128x64xf32, #tpu.memory_space<vmem>>) target(%dma_start3A_169 : memref<128x64xf32, #tpu.memory_space<hbm>>) target_semaphore(%run_scoped3A : memref<!tpu.dma_semaphore, #tpu.memory_space<semaphore_mem>>)
      %dma_wait3A = arith.constant 0 : i32
      %dma_wait3A_170 = tpu.memref_slice %arg4[%add3A_156, %dma_wait3A] : memref<50176x64xf32, #tpu.memory_space<hbm>> -> memref<128x64xf32, #tpu.memory_space<hbm>>
      %dma_wait3A_171 = arith.constant 0 : i32
      %dma_wait3A_172 = tpu.memref_slice %arg4[%add3A_156, %dma_wait3A_171] : memref<50176x64xf32, #tpu.memory_space<hbm>> -> memref<128x64xf32, #tpu.memory_space<hbm>>
      tpu.wait_dma2 semaphore(%run_scoped3A : memref<!tpu.dma_semaphore, #tpu.memory_space<semaphore_mem>>) src(%arg5 : memref<128x64xf32, #tpu.memory_space<vmem>>) dst(%dma_wait3A_172 : memref<128x64xf32, #tpu.memory_space<hbm>>)
      tpu.yield
    }) : () -> ()
    %mul3A_157 = arith.constant 784 : i32
    %mul3A_158 = arith.muli %arg1, %mul3A_157 : i32
    %add3A_159 = arith.constant 640 : i32
    %add3A_160 = arith.addi %mul3A_158, %add3A_159 : i32
    "tpu.region"() ({
      %run_scoped3A = tpu.sem_alloc : memref<!tpu.dma_semaphore, #tpu.memory_space<semaphore_mem>>
      %dma_start3A = arith.constant 0 : i32
      %dma_start3A_167 = tpu.memref_slice %arg7[%add3A_160, %dma_start3A] : memref<12800x64xf32, #tpu.memory_space<vmem_shared>> -> memref<128x64xf32, #tpu.memory_space<vmem_shared>>
      %dma_start3A_168 = arith.constant 0 : i32
      %dma_start3A_169 = tpu.memref_slice %arg7[%add3A_160, %dma_start3A_168] : memref<12800x64xf32, #tpu.memory_space<vmem_shared>> -> memref<128x64xf32, #tpu.memory_space<vmem_shared>>
      tpu.enqueue_dma source(%dma_start3A_169 : memref<128x64xf32, #tpu.memory_space<vmem_shared>>) target(%arg5 : memref<128x64xf32, #tpu.memory_space<vmem>>) target_semaphore(%run_scoped3A : memref<!tpu.dma_semaphore, #tpu.memory_space<semaphore_mem>>)
      %dma_wait3A = arith.constant 0 : i32
      %dma_wait3A_170 = tpu.memref_slice %arg7[%add3A_160, %dma_wait3A] : memref<12800x64xf32, #tpu.memory_space<vmem_shared>> -> memref<128x64xf32, #tpu.memory_space<vmem_shared>>
      %dma_wait3A_171 = arith.constant 0 : i32
      %dma_wait3A_172 = tpu.memref_slice %arg7[%add3A_160, %dma_wait3A_171] : memref<12800x64xf32, #tpu.memory_space<vmem_shared>> -> memref<128x64xf32, #tpu.memory_space<vmem_shared>>
      tpu.wait_dma2 semaphore(%run_scoped3A : memref<!tpu.dma_semaphore, #tpu.memory_space<semaphore_mem>>) src(%dma_wait3A_172 : memref<128x64xf32, #tpu.memory_space<vmem_shared>>) dst(%arg5 : memref<128x64xf32, #tpu.memory_space<vmem>>)
      tpu.yield
    }) : () -> ()
    %add3A_161 = arith.addi %mul3A_123, %add3A_160 : i32
    "tpu.region"() ({
      %run_scoped3A = tpu.sem_alloc : memref<!tpu.dma_semaphore, #tpu.memory_space<semaphore_mem>>
      %dma_start3A = arith.constant 0 : i32
      %dma_start3A_167 = tpu.memref_slice %arg4[%add3A_161, %dma_start3A] : memref<50176x64xf32, #tpu.memory_space<hbm>> -> memref<128x64xf32, #tpu.memory_space<hbm>>
      %dma_start3A_168 = arith.constant 0 : i32
      %dma_start3A_169 = tpu.memref_slice %arg4[%add3A_161, %dma_start3A_168] : memref<50176x64xf32, #tpu.memory_space<hbm>> -> memref<128x64xf32, #tpu.memory_space<hbm>>
      tpu.enqueue_dma source(%arg5 : memref<128x64xf32, #tpu.memory_space<vmem>>) target(%dma_start3A_169 : memref<128x64xf32, #tpu.memory_space<hbm>>) target_semaphore(%run_scoped3A : memref<!tpu.dma_semaphore, #tpu.memory_space<semaphore_mem>>)
      %dma_wait3A = arith.constant 0 : i32
      %dma_wait3A_170 = tpu.memref_slice %arg4[%add3A_161, %dma_wait3A] : memref<50176x64xf32, #tpu.memory_space<hbm>> -> memref<128x64xf32, #tpu.memory_space<hbm>>
      %dma_wait3A_171 = arith.constant 0 : i32
      %dma_wait3A_172 = tpu.memref_slice %arg4[%add3A_161, %dma_wait3A_171] : memref<50176x64xf32, #tpu.memory_space<hbm>> -> memref<128x64xf32, #tpu.memory_space<hbm>>
      tpu.wait_dma2 semaphore(%run_scoped3A : memref<!tpu.dma_semaphore, #tpu.memory_space<semaphore_mem>>) src(%arg5 : memref<128x64xf32, #tpu.memory_space<vmem>>) dst(%dma_wait3A_172 : memref<128x64xf32, #tpu.memory_space<hbm>>)
      tpu.yield
    }) : () -> ()
    %mul3A_162 = arith.constant 784 : i32
    %mul3A_163 = arith.muli %arg1, %mul3A_162 : i32
    %add3A_164 = arith.constant 768 : i32
    %add3A_165 = arith.addi %mul3A_163, %add3A_164 : i32
    "tpu.region"() ({
      %run_scoped3A = tpu.sem_alloc : memref<!tpu.dma_semaphore, #tpu.memory_space<semaphore_mem>>
      %dma_start3A = arith.constant 0 : i32
      %dma_start3A_167 = arith.constant 0 : i32
      %dma_start3A_168 = tpu.memref_slice %arg5[%dma_start3A, %dma_start3A_167] : memref<128x64xf32, #tpu.memory_space<vmem>> -> memref<16x64xf32, #tpu.memory_space<vmem>>
      %dma_start3A_169 = arith.constant 0 : i32
      %dma_start3A_170 = tpu.memref_slice %arg7[%add3A_165, %dma_start3A_169] : memref<12800x64xf32, #tpu.memory_space<vmem_shared>> -> memref<16x64xf32, #tpu.memory_space<vmem_shared>>
      %dma_start3A_171 = arith.constant 0 : i32
      %dma_start3A_172 = arith.constant 0 : i32
      %dma_start3A_173 = tpu.memref_slice %arg5[%dma_start3A_171, %dma_start3A_172] : memref<128x64xf32, #tpu.memory_space<vmem>> -> memref<16x64xf32, #tpu.memory_space<vmem>>
      %dma_start3A_174 = arith.constant 0 : i32
      %dma_start3A_175 = tpu.memref_slice %arg7[%add3A_165, %dma_start3A_174] : memref<12800x64xf32, #tpu.memory_space<vmem_shared>> -> memref<16x64xf32, #tpu.memory_space<vmem_shared>>
      tpu.enqueue_dma source(%dma_start3A_175 : memref<16x64xf32, #tpu.memory_space<vmem_shared>>) target(%dma_start3A_173 : memref<16x64xf32, #tpu.memory_space<vmem>>) target_semaphore(%run_scoped3A : memref<!tpu.dma_semaphore, #tpu.memory_space<semaphore_mem>>)
      %dma_wait3A = arith.constant 0 : i32
      %dma_wait3A_176 = arith.constant 0 : i32
      %dma_wait3A_177 = tpu.memref_slice %arg5[%dma_wait3A, %dma_wait3A_176] : memref<128x64xf32, #tpu.memory_space<vmem>> -> memref<16x64xf32, #tpu.memory_space<vmem>>
      %dma_wait3A_178 = arith.constant 0 : i32
      %dma_wait3A_179 = tpu.memref_slice %arg7[%add3A_165, %dma_wait3A_178] : memref<12800x64xf32, #tpu.memory_space<vmem_shared>> -> memref<16x64xf32, #tpu.memory_space<vmem_shared>>
      %dma_wait3A_180 = arith.constant 0 : i32
      %dma_wait3A_181 = arith.constant 0 : i32
      %dma_wait3A_182 = tpu.memref_slice %arg5[%dma_wait3A_180, %dma_wait3A_181] : memref<128x64xf32, #tpu.memory_space<vmem>> -> memref<16x64xf32, #tpu.memory_space<vmem>>
      %dma_wait3A_183 = arith.constant 0 : i32
      %dma_wait3A_184 = tpu.memref_slice %arg7[%add3A_165, %dma_wait3A_183] : memref<12800x64xf32, #tpu.memory_space<vmem_shared>> -> memref<16x64xf32, #tpu.memory_space<vmem_shared>>
      tpu.wait_dma2 semaphore(%run_scoped3A : memref<!tpu.dma_semaphore, #tpu.memory_space<semaphore_mem>>) src(%dma_wait3A_184 : memref<16x64xf32, #tpu.memory_space<vmem_shared>>) dst(%dma_wait3A_182 : memref<16x64xf32, #tpu.memory_space<vmem>>)
      tpu.yield
    }) : () -> ()
    %add3A_166 = arith.addi %mul3A_123, %add3A_165 : i32
    "tpu.region"() ({
      %run_scoped3A = tpu.sem_alloc : memref<!tpu.dma_semaphore, #tpu.memory_space<semaphore_mem>>
      %dma_start3A = arith.constant 0 : i32
      %dma_start3A_167 = arith.constant 0 : i32
      %dma_start3A_168 = tpu.memref_slice %arg5[%dma_start3A, %dma_start3A_167] : memref<128x64xf32, #tpu.memory_space<vmem>> -> memref<16x64xf32, #tpu.memory_space<vmem>>
      %dma_start3A_169 = arith.constant 0 : i32
      %dma_start3A_170 = tpu.memref_slice %arg4[%add3A_166, %dma_start3A_169] : memref<50176x64xf32, #tpu.memory_space<hbm>> -> memref<16x64xf32, #tpu.memory_space<hbm>>
      %dma_start3A_171 = arith.constant 0 : i32
      %dma_start3A_172 = tpu.memref_slice %arg4[%add3A_166, %dma_start3A_171] : memref<50176x64xf32, #tpu.memory_space<hbm>> -> memref<16x64xf32, #tpu.memory_space<hbm>>
      %dma_start3A_173 = arith.constant 0 : i32
      %dma_start3A_174 = arith.constant 0 : i32
      %dma_start3A_175 = tpu.memref_slice %arg5[%dma_start3A_173, %dma_start3A_174] : memref<128x64xf32, #tpu.memory_space<vmem>> -> memref<16x64xf32, #tpu.memory_space<vmem>>
      tpu.enqueue_dma source(%dma_start3A_175 : memref<16x64xf32, #tpu.memory_space<vmem>>) target(%dma_start3A_172 : memref<16x64xf32, #tpu.memory_space<hbm>>) target_semaphore(%run_scoped3A : memref<!tpu.dma_semaphore, #tpu.memory_space<semaphore_mem>>)
      %dma_wait3A = arith.constant 0 : i32
      %dma_wait3A_176 = arith.constant 0 : i32
      %dma_wait3A_177 = tpu.memref_slice %arg5[%dma_wait3A, %dma_wait3A_176] : memref<128x64xf32, #tpu.memory_space<vmem>> -> memref<16x64xf32, #tpu.memory_space<vmem>>
      %dma_wait3A_178 = arith.constant 0 : i32
      %dma_wait3A_179 = tpu.memref_slice %arg4[%add3A_166, %dma_wait3A_178] : memref<50176x64xf32, #tpu.memory_space<hbm>> -> memref<16x64xf32, #tpu.memory_space<hbm>>
      %dma_wait3A_180 = arith.constant 0 : i32
      %dma_wait3A_181 = tpu.memref_slice %arg4[%add3A_166, %dma_wait3A_180] : memref<50176x64xf32, #tpu.memory_space<hbm>> -> memref<16x64xf32, #tpu.memory_space<hbm>>
      %dma_wait3A_182 = arith.constant 0 : i32
      %dma_wait3A_183 = arith.constant 0 : i32
      %dma_wait3A_184 = tpu.memref_slice %arg5[%dma_wait3A_182, %dma_wait3A_183] : memref<128x64xf32, #tpu.memory_space<vmem>> -> memref<16x64xf32, #tpu.memory_space<vmem>>
      tpu.wait_dma2 semaphore(%run_scoped3A : memref<!tpu.dma_semaphore, #tpu.memory_space<semaphore_mem>>) src(%dma_wait3A_184 : memref<16x64xf32, #tpu.memory_space<vmem>>) dst(%dma_wait3A_181 : memref<16x64xf32, #tpu.memory_space<hbm>>)
      tpu.yield
    }) : () -> ()
    return
  }
}

#map = affine_map<(d0, d1) -> (0, 0)>
#map1 = affine_map<(d0, d1) -> (0)>
module attributes {stable_mosaic.version = 14 : i64} {
  func.func @_sc_gat_body(%arg0: i32, %arg1: i32, %arg2: memref<50000x128xf32, #tpu.memory_space<hbm>>, %arg3: memref<64xf32, #tpu.memory_space<hbm>>, %arg4: memref<802816xi32, #tpu.memory_space<hbm>>, %arg5: memref<802816xi32, #tpu.memory_space<hbm>>, %arg6: memref<802816x64xf32, #tpu.memory_space<hbm>>, %arg7: memref<128xi32, #tpu.memory_space<vmem>>, %arg8: memref<128xi32, #tpu.memory_space<vmem>>, %arg9: memref<128x128xf32, #tpu.memory_space<vmem>>, %arg10: memref<128x128xf32, #tpu.memory_space<vmem>>, %arg11: memref<!tpu.dma_semaphore, #tpu.memory_space<semaphore_mem>>, %arg12: memref<128xi32, #tpu.memory_space<vmem>>, %arg13: memref<128xi32, #tpu.memory_space<vmem>>, %arg14: memref<128x128xf32, #tpu.memory_space<vmem>>, %arg15: memref<128x128xf32, #tpu.memory_space<vmem>>, %arg16: memref<!tpu.dma_semaphore, #tpu.memory_space<semaphore_mem>>, %arg17: memref<128x64xf32, #tpu.memory_space<vmem>>, %arg18: memref<64xf32, #tpu.memory_space<vmem>>) attributes {dimension_semantics = [#tpu.dimension_semantics<core_parallel>, #tpu.dimension_semantics<subcore_parallel>], iteration_bounds = array<i64: 2, 16>, scalar_prefetch = 0 : i64, scratch_operands = 12 : i64, tpu.core_type = #tpu.core_type<sc_vector_subcore>, window_params = [{transform_indices = #map}, {transform_indices = #map1}, {transform_indices = #map1}, {transform_indices = #map1}, {transform_indices = #map}]} {
    %mul3A = arith.constant 2 : i32
    %mul3A_0 = arith.muli %arg1, %mul3A : i32
    %add3A = arith.addi %mul3A_0, %arg0 : i32
    %mul3A_1 = arith.constant 25088 : i32
    %mul3A_2 = arith.muli %add3A, %mul3A_1 : i32
    "tpu.region"() ({
      %run_scoped3A = tpu.sem_alloc : memref<!tpu.dma_semaphore, #tpu.memory_space<semaphore_mem>>
      tpu.enqueue_dma source(%arg3 : memref<64xf32, #tpu.memory_space<hbm>>) target(%arg18 : memref<64xf32, #tpu.memory_space<vmem>>) target_semaphore(%run_scoped3A : memref<!tpu.dma_semaphore, #tpu.memory_space<semaphore_mem>>)
      tpu.wait_dma2 semaphore(%run_scoped3A : memref<!tpu.dma_semaphore, #tpu.memory_space<semaphore_mem>>) src(%arg3 : memref<64xf32, #tpu.memory_space<hbm>>) dst(%arg18 : memref<64xf32, #tpu.memory_space<vmem>>)
      tpu.yield
    }) : () -> ()
    %add3A_3 = arith.constant 0 : i32
    %add3A_4 = arith.addi %mul3A_2, %add3A_3 : i32
    "tpu.region"() ({
      %run_scoped3A = tpu.sem_alloc : memref<!tpu.dma_semaphore, #tpu.memory_space<semaphore_mem>>
      %dma_start3A_16 = tpu.memref_slice %arg4[%add3A_4] : memref<802816xi32, #tpu.memory_space<hbm>> -> memref<128xi32, #tpu.memory_space<hbm>>
      %dma_start3A_17 = tpu.memref_slice %arg4[%add3A_4] : memref<802816xi32, #tpu.memory_space<hbm>> -> memref<128xi32, #tpu.memory_space<hbm>>
      tpu.enqueue_dma source(%dma_start3A_17 : memref<128xi32, #tpu.memory_space<hbm>>) target(%arg7 : memref<128xi32, #tpu.memory_space<vmem>>) target_semaphore(%run_scoped3A : memref<!tpu.dma_semaphore, #tpu.memory_space<semaphore_mem>>)
      %dma_wait3A = tpu.memref_slice %arg4[%add3A_4] : memref<802816xi32, #tpu.memory_space<hbm>> -> memref<128xi32, #tpu.memory_space<hbm>>
      %dma_wait3A_18 = tpu.memref_slice %arg4[%add3A_4] : memref<802816xi32, #tpu.memory_space<hbm>> -> memref<128xi32, #tpu.memory_space<hbm>>
      tpu.wait_dma2 semaphore(%run_scoped3A : memref<!tpu.dma_semaphore, #tpu.memory_space<semaphore_mem>>) src(%dma_wait3A_18 : memref<128xi32, #tpu.memory_space<hbm>>) dst(%arg7 : memref<128xi32, #tpu.memory_space<vmem>>)
      tpu.yield
    }) : () -> ()
    "tpu.region"() ({
      %run_scoped3A = tpu.sem_alloc : memref<!tpu.dma_semaphore, #tpu.memory_space<semaphore_mem>>
      %dma_start3A_16 = tpu.memref_slice %arg5[%add3A_4] : memref<802816xi32, #tpu.memory_space<hbm>> -> memref<128xi32, #tpu.memory_space<hbm>>
      %dma_start3A_17 = tpu.memref_slice %arg5[%add3A_4] : memref<802816xi32, #tpu.memory_space<hbm>> -> memref<128xi32, #tpu.memory_space<hbm>>
      tpu.enqueue_dma source(%dma_start3A_17 : memref<128xi32, #tpu.memory_space<hbm>>) target(%arg8 : memref<128xi32, #tpu.memory_space<vmem>>) target_semaphore(%run_scoped3A : memref<!tpu.dma_semaphore, #tpu.memory_space<semaphore_mem>>)
      %dma_wait3A = tpu.memref_slice %arg5[%add3A_4] : memref<802816xi32, #tpu.memory_space<hbm>> -> memref<128xi32, #tpu.memory_space<hbm>>
      %dma_wait3A_18 = tpu.memref_slice %arg5[%add3A_4] : memref<802816xi32, #tpu.memory_space<hbm>> -> memref<128xi32, #tpu.memory_space<hbm>>
      tpu.wait_dma2 semaphore(%run_scoped3A : memref<!tpu.dma_semaphore, #tpu.memory_space<semaphore_mem>>) src(%dma_wait3A_18 : memref<128xi32, #tpu.memory_space<hbm>>) dst(%arg8 : memref<128xi32, #tpu.memory_space<vmem>>)
      tpu.yield
    }) : () -> ()
    %dma_start3A = arith.constant 0 : i32
    %dma_start3A_5 = arith.constant 0 : i32
    %dma_start3A_6 = tpu.memref_slice %arg2[%dma_start3A, %dma_start3A_5] : memref<50000x128xf32, #tpu.memory_space<hbm>> -> memref<50000x128xf32, #tpu.memory_space<hbm>>
    tpu.enqueue_indirect_dma source(%dma_start3A_6 : memref<50000x128xf32, #tpu.memory_space<hbm>>) target(%arg9 : memref<128x128xf32, #tpu.memory_space<vmem>>) offsets(%arg7 : memref<128xi32, #tpu.memory_space<vmem>>) semaphore(%arg11 : memref<!tpu.dma_semaphore, #tpu.memory_space<semaphore_mem>>)
    %dma_start3A_7 = arith.constant 0 : i32
    %dma_start3A_8 = arith.constant 0 : i32
    %dma_start3A_9 = tpu.memref_slice %arg2[%dma_start3A_7, %dma_start3A_8] : memref<50000x128xf32, #tpu.memory_space<hbm>> -> memref<50000x128xf32, #tpu.memory_space<hbm>>
    tpu.enqueue_indirect_dma source(%dma_start3A_9 : memref<50000x128xf32, #tpu.memory_space<hbm>>) target(%arg10 : memref<128x128xf32, #tpu.memory_space<vmem>>) offsets(%arg8 : memref<128xi32, #tpu.memory_space<vmem>>) semaphore(%arg11 : memref<!tpu.dma_semaphore, #tpu.memory_space<semaphore_mem>>)
    %scan3A = arith.constant 0 : i32
    %scan3A_10 = arith.constant 0 : i32
    %scan3A_11 = arith.constant 196 : i32
    %scan3A_12 = arith.addi %scan3A_10, %scan3A_11 : i32
    %scan3A_13 = arith.constant 1 : i32
    %scan3A_14 = scf.for %scan3A_16 = %scan3A_10 to %scan3A_12 step %scan3A_13 iter_args(%scan3A_17 = %scan3A) -> (i32)  : i32 {
      %jit3A = arith.constant 2 : i32
      %eq3A = arith.constant 0 : i32
      %eq3A_18 = arith.cmpi eq, %jit3A, %eq3A : i32
      %jit3A_19 = arith.constant 1 : i32
      %select_n3A = arith.select %eq3A_18, %jit3A_19, %jit3A : i32
      %rem3A = arith.remsi %scan3A_16, %select_n3A : i32
      %ne3A = arith.constant 0 : i32
      %ne3A_20 = arith.cmpi ne, %rem3A, %ne3A : i32
      %lt3A = arith.constant 0 : i32
      %lt3A_21 = arith.cmpi slt, %rem3A, %lt3A : i32
      %lt3A_22 = arith.constant 0 : i32
      %lt3A_23 = arith.cmpi slt, %select_n3A, %lt3A_22 : i32
      %ne3A_24 = arith.xori %lt3A_21, %lt3A_23 : i1
      %and3A = arith.andi %ne3A_24, %ne3A_20 : i1
      %add3A_25 = arith.addi %rem3A, %select_n3A : i32
      %select_n3A_26 = arith.select %and3A, %add3A_25, %rem3A : i32
      %eq3A_27 = arith.constant 0 : i32
      %eq3A_28 = arith.cmpi eq, %select_n3A_26, %eq3A_27 : i32
      %convert_element_type3A = arith.extui %eq3A_28 : i1 to i32
      %cond3A = arith.constant 0 : i32
      %cond3A_29 = arith.cmpi ne, %convert_element_type3A, %cond3A : i32
      scf.if %cond3A_29 {
        %add3A_52 = arith.constant 1 : i32
        %add3A_53 = arith.addi %scan3A_16, %add3A_52 : i32
        %lt3A_54 = arith.constant 196 : i32
        %lt3A_55 = arith.cmpi slt, %add3A_53, %lt3A_54 : i32
        %convert_element_type3A_56 = arith.extui %lt3A_55 : i1 to i32
        %cond3A_57 = arith.constant 0 : i32
        %cond3A_58 = arith.cmpi ne, %convert_element_type3A_56, %cond3A_57 : i32
        scf.if %cond3A_58 {
          %add3A_74 = arith.constant 1 : i32
          %add3A_75 = arith.addi %scan3A_16, %add3A_74 : i32
          %mul3A_76 = arith.constant 128 : i32
          %mul3A_77 = arith.muli %add3A_75, %mul3A_76 : i32
          %add3A_78 = arith.addi %mul3A_2, %mul3A_77 : i32
          "tpu.region"() ({
            %run_scoped3A = tpu.sem_alloc : memref<!tpu.dma_semaphore, #tpu.memory_space<semaphore_mem>>
            %dma_start3A_85 = tpu.memref_slice %arg4[%add3A_78] : memref<802816xi32, #tpu.memory_space<hbm>> -> memref<128xi32, #tpu.memory_space<hbm>>
            %dma_start3A_86 = tpu.memref_slice %arg4[%add3A_78] : memref<802816xi32, #tpu.memory_space<hbm>> -> memref<128xi32, #tpu.memory_space<hbm>>
            tpu.enqueue_dma source(%dma_start3A_86 : memref<128xi32, #tpu.memory_space<hbm>>) target(%arg12 : memref<128xi32, #tpu.memory_space<vmem>>) target_semaphore(%run_scoped3A : memref<!tpu.dma_semaphore, #tpu.memory_space<semaphore_mem>>)
            %dma_wait3A_87 = tpu.memref_slice %arg4[%add3A_78] : memref<802816xi32, #tpu.memory_space<hbm>> -> memref<128xi32, #tpu.memory_space<hbm>>
            %dma_wait3A_88 = tpu.memref_slice %arg4[%add3A_78] : memref<802816xi32, #tpu.memory_space<hbm>> -> memref<128xi32, #tpu.memory_space<hbm>>
            tpu.wait_dma2 semaphore(%run_scoped3A : memref<!tpu.dma_semaphore, #tpu.memory_space<semaphore_mem>>) src(%dma_wait3A_88 : memref<128xi32, #tpu.memory_space<hbm>>) dst(%arg12 : memref<128xi32, #tpu.memory_space<vmem>>)
            tpu.yield
          }) : () -> ()
          "tpu.region"() ({
            %run_scoped3A = tpu.sem_alloc : memref<!tpu.dma_semaphore, #tpu.memory_space<semaphore_mem>>
            %dma_start3A_85 = tpu.memref_slice %arg5[%add3A_78] : memref<802816xi32, #tpu.memory_space<hbm>> -> memref<128xi32, #tpu.memory_space<hbm>>
            %dma_start3A_86 = tpu.memref_slice %arg5[%add3A_78] : memref<802816xi32, #tpu.memory_space<hbm>> -> memref<128xi32, #tpu.memory_space<hbm>>
            tpu.enqueue_dma source(%dma_start3A_86 : memref<128xi32, #tpu.memory_space<hbm>>) target(%arg13 : memref<128xi32, #tpu.memory_space<vmem>>) target_semaphore(%run_scoped3A : memref<!tpu.dma_semaphore, #tpu.memory_space<semaphore_mem>>)
            %dma_wait3A_87 = tpu.memref_slice %arg5[%add3A_78] : memref<802816xi32, #tpu.memory_space<hbm>> -> memref<128xi32, #tpu.memory_space<hbm>>
            %dma_wait3A_88 = tpu.memref_slice %arg5[%add3A_78] : memref<802816xi32, #tpu.memory_space<hbm>> -> memref<128xi32, #tpu.memory_space<hbm>>
            tpu.wait_dma2 semaphore(%run_scoped3A : memref<!tpu.dma_semaphore, #tpu.memory_space<semaphore_mem>>) src(%dma_wait3A_88 : memref<128xi32, #tpu.memory_space<hbm>>) dst(%arg13 : memref<128xi32, #tpu.memory_space<vmem>>)
            tpu.yield
          }) : () -> ()
          %dma_start3A_79 = arith.constant 0 : i32
          %dma_start3A_80 = arith.constant 0 : i32
          %dma_start3A_81 = tpu.memref_slice %arg2[%dma_start3A_79, %dma_start3A_80] : memref<50000x128xf32, #tpu.memory_space<hbm>> -> memref<50000x128xf32, #tpu.memory_space<hbm>>
          tpu.enqueue_indirect_dma source(%dma_start3A_81 : memref<50000x128xf32, #tpu.memory_space<hbm>>) target(%arg14 : memref<128x128xf32, #tpu.memory_space<vmem>>) offsets(%arg12 : memref<128xi32, #tpu.memory_space<vmem>>) semaphore(%arg16 : memref<!tpu.dma_semaphore, #tpu.memory_space<semaphore_mem>>)
          %dma_start3A_82 = arith.constant 0 : i32
          %dma_start3A_83 = arith.constant 0 : i32
          %dma_start3A_84 = tpu.memref_slice %arg2[%dma_start3A_82, %dma_start3A_83] : memref<50000x128xf32, #tpu.memory_space<hbm>> -> memref<50000x128xf32, #tpu.memory_space<hbm>>
          tpu.enqueue_indirect_dma source(%dma_start3A_84 : memref<50000x128xf32, #tpu.memory_space<hbm>>) target(%arg15 : memref<128x128xf32, #tpu.memory_space<vmem>>) offsets(%arg13 : memref<128xi32, #tpu.memory_space<vmem>>) semaphore(%arg16 : memref<!tpu.dma_semaphore, #tpu.memory_space<semaphore_mem>>)
        } else {
        }
        %dma_wait3A = arith.constant 0 : i32
        %dma_wait3A_59 = arith.constant 0 : i32
        %dma_wait3A_60 = tpu.memref_slice %arg2[%dma_wait3A, %dma_wait3A_59] : memref<50000x128xf32, #tpu.memory_space<hbm>> -> memref<50000x128xf32, #tpu.memory_space<hbm>>
        tpu.wait_indirect_dma semaphore(%arg11 : memref<!tpu.dma_semaphore, #tpu.memory_space<semaphore_mem>>) src(%dma_wait3A_60 : memref<50000x128xf32, #tpu.memory_space<hbm>>) dst(%arg9 : memref<128x128xf32, #tpu.memory_space<vmem>>)
        %dma_wait3A_61 = arith.constant 0 : i32
        %dma_wait3A_62 = arith.constant 0 : i32
        %dma_wait3A_63 = tpu.memref_slice %arg2[%dma_wait3A_61, %dma_wait3A_62] : memref<50000x128xf32, #tpu.memory_space<hbm>> -> memref<50000x128xf32, #tpu.memory_space<hbm>>
        tpu.wait_indirect_dma semaphore(%arg11 : memref<!tpu.dma_semaphore, #tpu.memory_space<semaphore_mem>>) src(%dma_wait3A_63 : memref<50000x128xf32, #tpu.memory_space<hbm>>) dst(%arg10 : memref<128x128xf32, #tpu.memory_space<vmem>>)
        %scan3A_64 = arith.constant 0 : i32
        %scan3A_65 = arith.constant 0 : i32
        %scan3A_66 = arith.constant 128 : i32
        %scan3A_67 = arith.addi %scan3A_65, %scan3A_66 : i32
        %scan3A_68 = arith.constant 1 : i32
        %scan3A_69 = scf.for %scan3A_74 = %scan3A_65 to %scan3A_67 step %scan3A_68 iter_args(%scan3A_75 = %scan3A_64) -> (i32)  : i32 {
          %get3A = arith.constant 0 : index
          %get3A_76 = tpu.vector_load %arg18[%get3A] {strides = array<i32>} : memref<64xf32, #tpu.memory_space<vmem>>, vector<16xf32>,
          %get3A_77 = vector.shape_cast %get3A_76 : vector<16xf32> to vector<16xf32>
          %get3A_78 = arith.index_cast %scan3A_74 : i32 to index
          %get3A_79 = arith.constant 0 : index
          %get3A_80 = tpu.vector_load %arg9[%get3A_78, %get3A_79] {strides = array<i32>} : memref<128x128xf32, #tpu.memory_space<vmem>>, vector<1x16xf32>,
          %get3A_81 = vector.shape_cast %get3A_80 : vector<1x16xf32> to vector<16xf32>
          %get3A_82 = arith.index_cast %scan3A_74 : i32 to index
          %get3A_83 = arith.constant 64 : index
          %get3A_84 = tpu.vector_load %arg10[%get3A_82, %get3A_83] {strides = array<i32>} : memref<128x128xf32, #tpu.memory_space<vmem>>, vector<1x16xf32>,
          %get3A_85 = vector.shape_cast %get3A_84 : vector<1x16xf32> to vector<16xf32>
          %add3A_86 = arith.addf %get3A_81, %get3A_85 : vector<16xf32>
          %add3A_87 = arith.addf %add3A_86, %get3A_77 : vector<16xf32>
          %get3A_88 = arith.index_cast %scan3A_74 : i32 to index
          %get3A_89 = arith.constant 0 : index
          %get3A_90 = tpu.vector_load %arg10[%get3A_88, %get3A_89] {strides = array<i32>} : memref<128x128xf32, #tpu.memory_space<vmem>>, vector<1x16xf32>,
          %get3A_91 = vector.shape_cast %get3A_90 : vector<1x16xf32> to vector<16xf32>
          %get3A_92 = arith.index_cast %scan3A_74 : i32 to index
          %get3A_93 = arith.constant 64 : index
          %get3A_94 = tpu.vector_load %arg9[%get3A_92, %get3A_93] {strides = array<i32>} : memref<128x128xf32, #tpu.memory_space<vmem>>, vector<1x16xf32>,
          %get3A_95 = vector.shape_cast %get3A_94 : vector<1x16xf32> to vector<16xf32>
          %add3A_96 = arith.addf %get3A_91, %get3A_95 : vector<16xf32>
          %add3A_97 = arith.addf %add3A_96, %get3A_77 : vector<16xf32>
          %max3A = arith.constant 0.000000e+00 : f32
          %max3A_98 = vector.broadcast %max3A : f32 to vector<16xf32>
          %max3A_99 = arith.maximumf %add3A_87, %max3A_98 : vector<16xf32>
          %max3A_100 = arith.constant 0.000000e+00 : f32
          %max3A_101 = vector.broadcast %max3A_100 : f32 to vector<16xf32>
          %max3A_102 = arith.maximumf %add3A_97, %max3A_101 : vector<16xf32>
          %add3A_103 = arith.addf %max3A_99, %max3A_102 : vector<16xf32>
          %swap3A = arith.index_cast %scan3A_74 : i32 to index
          %swap3A_104 = arith.constant 0 : index
          %swap3A_105 = tpu.vector_load %arg17[%swap3A, %swap3A_104] {strides = array<i32>} : memref<128x64xf32, #tpu.memory_space<vmem>>, vector<1x16xf32>,
          %swap3A_106 = vector.shape_cast %swap3A_105 : vector<1x16xf32> to vector<16xf32>
          %swap3A_107 = vector.shape_cast %add3A_103 : vector<16xf32> to vector<1x16xf32>
          tpu.vector_store %arg17[%swap3A, %swap3A_104], %swap3A_107 {strides = array<i32>} : memref<128x64xf32, #tpu.memory_space<vmem>>, vector<1x16xf32>,
          %get3A_108 = arith.constant 16 : index
          %get3A_109 = tpu.vector_load %arg18[%get3A_108] {strides = array<i32>} : memref<64xf32, #tpu.memory_space<vmem>>, vector<16xf32>,
          %get3A_110 = vector.shape_cast %get3A_109 : vector<16xf32> to vector<16xf32>
          %get3A_111 = arith.index_cast %scan3A_74 : i32 to index
          %get3A_112 = arith.constant 16 : index
          %get3A_113 = tpu.vector_load %arg9[%get3A_111, %get3A_112] {strides = array<i32>} : memref<128x128xf32, #tpu.memory_space<vmem>>, vector<1x16xf32>,
          %get3A_114 = vector.shape_cast %get3A_113 : vector<1x16xf32> to vector<16xf32>
          %get3A_115 = arith.index_cast %scan3A_74 : i32 to index
          %get3A_116 = arith.constant 80 : index
          %get3A_117 = tpu.vector_load %arg10[%get3A_115, %get3A_116] {strides = array<i32>} : memref<128x128xf32, #tpu.memory_space<vmem>>, vector<1x16xf32>,
          %get3A_118 = vector.shape_cast %get3A_117 : vector<1x16xf32> to vector<16xf32>
          %add3A_119 = arith.addf %get3A_114, %get3A_118 : vector<16xf32>
          %add3A_120 = arith.addf %add3A_119, %get3A_110 : vector<16xf32>
          %get3A_121 = arith.index_cast %scan3A_74 : i32 to index
          %get3A_122 = arith.constant 16 : index
          %get3A_123 = tpu.vector_load %arg10[%get3A_121, %get3A_122] {strides = array<i32>} : memref<128x128xf32, #tpu.memory_space<vmem>>, vector<1x16xf32>,
          %get3A_124 = vector.shape_cast %get3A_123 : vector<1x16xf32> to vector<16xf32>
          %get3A_125 = arith.index_cast %scan3A_74 : i32 to index
          %get3A_126 = arith.constant 80 : index
          %get3A_127 = tpu.vector_load %arg9[%get3A_125, %get3A_126] {strides = array<i32>} : memref<128x128xf32, #tpu.memory_space<vmem>>, vector<1x16xf32>,
          %get3A_128 = vector.shape_cast %get3A_127 : vector<1x16xf32> to vector<16xf32>
          %add3A_129 = arith.addf %get3A_124, %get3A_128 : vector<16xf32>
          %add3A_130 = arith.addf %add3A_129, %get3A_110 : vector<16xf32>
          %max3A_131 = arith.constant 0.000000e+00 : f32
          %max3A_132 = vector.broadcast %max3A_131 : f32 to vector<16xf32>
          %max3A_133 = arith.maximumf %add3A_120, %max3A_132 : vector<16xf32>
          %max3A_134 = arith.constant 0.000000e+00 : f32
          %max3A_135 = vector.broadcast %max3A_134 : f32 to vector<16xf32>
          %max3A_136 = arith.maximumf %add3A_130, %max3A_135 : vector<16xf32>
          %add3A_137 = arith.addf %max3A_133, %max3A_136 : vector<16xf32>
          %swap3A_138 = arith.index_cast %scan3A_74 : i32 to index
          %swap3A_139 = arith.constant 16 : index
          %swap3A_140 = tpu.vector_load %arg17[%swap3A_138, %swap3A_139] {strides = array<i32>} : memref<128x64xf32, #tpu.memory_space<vmem>>, vector<1x16xf32>,
          %swap3A_141 = vector.shape_cast %swap3A_140 : vector<1x16xf32> to vector<16xf32>
          %swap3A_142 = vector.shape_cast %add3A_137 : vector<16xf32> to vector<1x16xf32>
          tpu.vector_store %arg17[%swap3A_138, %swap3A_139], %swap3A_142 {strides = array<i32>} : memref<128x64xf32, #tpu.memory_space<vmem>>, vector<1x16xf32>,
          %get3A_143 = arith.constant 32 : index
          %get3A_144 = tpu.vector_load %arg18[%get3A_143] {strides = array<i32>} : memref<64xf32, #tpu.memory_space<vmem>>, vector<16xf32>,
          %get3A_145 = vector.shape_cast %get3A_144 : vector<16xf32> to vector<16xf32>
          %get3A_146 = arith.index_cast %scan3A_74 : i32 to index
          %get3A_147 = arith.constant 32 : index
          %get3A_148 = tpu.vector_load %arg9[%get3A_146, %get3A_147] {strides = array<i32>} : memref<128x128xf32, #tpu.memory_space<vmem>>, vector<1x16xf32>,
          %get3A_149 = vector.shape_cast %get3A_148 : vector<1x16xf32> to vector<16xf32>
          %get3A_150 = arith.index_cast %scan3A_74 : i32 to index
          %get3A_151 = arith.constant 96 : index
          %get3A_152 = tpu.vector_load %arg10[%get3A_150, %get3A_151] {strides = array<i32>} : memref<128x128xf32, #tpu.memory_space<vmem>>, vector<1x16xf32>,
          %get3A_153 = vector.shape_cast %get3A_152 : vector<1x16xf32> to vector<16xf32>
          %add3A_154 = arith.addf %get3A_149, %get3A_153 : vector<16xf32>
          %add3A_155 = arith.addf %add3A_154, %get3A_145 : vector<16xf32>
          %get3A_156 = arith.index_cast %scan3A_74 : i32 to index
          %get3A_157 = arith.constant 32 : index
          %get3A_158 = tpu.vector_load %arg10[%get3A_156, %get3A_157] {strides = array<i32>} : memref<128x128xf32, #tpu.memory_space<vmem>>, vector<1x16xf32>,
          %get3A_159 = vector.shape_cast %get3A_158 : vector<1x16xf32> to vector<16xf32>
          %get3A_160 = arith.index_cast %scan3A_74 : i32 to index
          %get3A_161 = arith.constant 96 : index
          %get3A_162 = tpu.vector_load %arg9[%get3A_160, %get3A_161] {strides = array<i32>} : memref<128x128xf32, #tpu.memory_space<vmem>>, vector<1x16xf32>,
          %get3A_163 = vector.shape_cast %get3A_162 : vector<1x16xf32> to vector<16xf32>
          %add3A_164 = arith.addf %get3A_159, %get3A_163 : vector<16xf32>
          %add3A_165 = arith.addf %add3A_164, %get3A_145 : vector<16xf32>
          %max3A_166 = arith.constant 0.000000e+00 : f32
          %max3A_167 = vector.broadcast %max3A_166 : f32 to vector<16xf32>
          %max3A_168 = arith.maximumf %add3A_155, %max3A_167 : vector<16xf32>
          %max3A_169 = arith.constant 0.000000e+00 : f32
          %max3A_170 = vector.broadcast %max3A_169 : f32 to vector<16xf32>
          %max3A_171 = arith.maximumf %add3A_165, %max3A_170 : vector<16xf32>
          %add3A_172 = arith.addf %max3A_168, %max3A_171 : vector<16xf32>
          %swap3A_173 = arith.index_cast %scan3A_74 : i32 to index
          %swap3A_174 = arith.constant 32 : index
          %swap3A_175 = tpu.vector_load %arg17[%swap3A_173, %swap3A_174] {strides = array<i32>} : memref<128x64xf32, #tpu.memory_space<vmem>>, vector<1x16xf32>,
          %swap3A_176 = vector.shape_cast %swap3A_175 : vector<1x16xf32> to vector<16xf32>
          %swap3A_177 = vector.shape_cast %add3A_172 : vector<16xf32> to vector<1x16xf32>
          tpu.vector_store %arg17[%swap3A_173, %swap3A_174], %swap3A_177 {strides = array<i32>} : memref<128x64xf32, #tpu.memory_space<vmem>>, vector<1x16xf32>,
          %get3A_178 = arith.constant 48 : index
          %get3A_179 = tpu.vector_load %arg18[%get3A_178] {strides = array<i32>} : memref<64xf32, #tpu.memory_space<vmem>>, vector<16xf32>,
          %get3A_180 = vector.shape_cast %get3A_179 : vector<16xf32> to vector<16xf32>
          %get3A_181 = arith.index_cast %scan3A_74 : i32 to index
          %get3A_182 = arith.constant 48 : index
          %get3A_183 = tpu.vector_load %arg9[%get3A_181, %get3A_182] {strides = array<i32>} : memref<128x128xf32, #tpu.memory_space<vmem>>, vector<1x16xf32>,
          %get3A_184 = vector.shape_cast %get3A_183 : vector<1x16xf32> to vector<16xf32>
          %get3A_185 = arith.index_cast %scan3A_74 : i32 to index
          %get3A_186 = arith.constant 112 : index
          %get3A_187 = tpu.vector_load %arg10[%get3A_185, %get3A_186] {strides = array<i32>} : memref<128x128xf32, #tpu.memory_space<vmem>>, vector<1x16xf32>,
          %get3A_188 = vector.shape_cast %get3A_187 : vector<1x16xf32> to vector<16xf32>
          %add3A_189 = arith.addf %get3A_184, %get3A_188 : vector<16xf32>
          %add3A_190 = arith.addf %add3A_189, %get3A_180 : vector<16xf32>
          %get3A_191 = arith.index_cast %scan3A_74 : i32 to index
          %get3A_192 = arith.constant 48 : index
          %get3A_193 = tpu.vector_load %arg10[%get3A_191, %get3A_192] {strides = array<i32>} : memref<128x128xf32, #tpu.memory_space<vmem>>, vector<1x16xf32>,
          %get3A_194 = vector.shape_cast %get3A_193 : vector<1x16xf32> to vector<16xf32>
          %get3A_195 = arith.index_cast %scan3A_74 : i32 to index
          %get3A_196 = arith.constant 112 : index
          %get3A_197 = tpu.vector_load %arg9[%get3A_195, %get3A_196] {strides = array<i32>} : memref<128x128xf32, #tpu.memory_space<vmem>>, vector<1x16xf32>,
          %get3A_198 = vector.shape_cast %get3A_197 : vector<1x16xf32> to vector<16xf32>
          %add3A_199 = arith.addf %get3A_194, %get3A_198 : vector<16xf32>
          %add3A_200 = arith.addf %add3A_199, %get3A_180 : vector<16xf32>
          %max3A_201 = arith.constant 0.000000e+00 : f32
          %max3A_202 = vector.broadcast %max3A_201 : f32 to vector<16xf32>
          %max3A_203 = arith.maximumf %add3A_190, %max3A_202 : vector<16xf32>
          %max3A_204 = arith.constant 0.000000e+00 : f32
          %max3A_205 = vector.broadcast %max3A_204 : f32 to vector<16xf32>
          %max3A_206 = arith.maximumf %add3A_200, %max3A_205 : vector<16xf32>
          %add3A_207 = arith.addf %max3A_203, %max3A_206 : vector<16xf32>
          %swap3A_208 = arith.index_cast %scan3A_74 : i32 to index
          %swap3A_209 = arith.constant 48 : index
          %swap3A_210 = tpu.vector_load %arg17[%swap3A_208, %swap3A_209] {strides = array<i32>} : memref<128x64xf32, #tpu.memory_space<vmem>>, vector<1x16xf32>,
          %swap3A_211 = vector.shape_cast %swap3A_210 : vector<1x16xf32> to vector<16xf32>
          %swap3A_212 = vector.shape_cast %add3A_207 : vector<16xf32> to vector<1x16xf32>
          tpu.vector_store %arg17[%swap3A_208, %swap3A_209], %swap3A_212 {strides = array<i32>} : memref<128x64xf32, #tpu.memory_space<vmem>>, vector<1x16xf32>,
          %scan3A_213 = arith.constant 0 : i32
          scf.yield %scan3A_213 : i32
        }
        %scan3A_70 = arith.constant 128 : i32
        %mul3A_71 = arith.constant 128 : i32
        %mul3A_72 = arith.muli %scan3A_16, %mul3A_71 : i32
        %add3A_73 = arith.addi %mul3A_2, %mul3A_72 : i32
        "tpu.region"() ({
          %run_scoped3A = tpu.sem_alloc : memref<!tpu.dma_semaphore, #tpu.memory_space<semaphore_mem>>
          %dma_start3A_74 = arith.constant 0 : i32
          %dma_start3A_75 = tpu.memref_slice %arg6[%add3A_73, %dma_start3A_74] : memref<802816x64xf32, #tpu.memory_space<hbm>> -> memref<128x64xf32, #tpu.memory_space<hbm>>
          %dma_start3A_76 = arith.constant 0 : i32
          %dma_start3A_77 = tpu.memref_slice %arg6[%add3A_73, %dma_start3A_76] : memref<802816x64xf32, #tpu.memory_space<hbm>> -> memref<128x64xf32, #tpu.memory_space<hbm>>
          tpu.enqueue_dma source(%arg17 : memref<128x64xf32, #tpu.memory_space<vmem>>) target(%dma_start3A_77 : memref<128x64xf32, #tpu.memory_space<hbm>>) target_semaphore(%run_scoped3A : memref<!tpu.dma_semaphore, #tpu.memory_space<semaphore_mem>>)
          %dma_wait3A_78 = arith.constant 0 : i32
          %dma_wait3A_79 = tpu.memref_slice %arg6[%add3A_73, %dma_wait3A_78] : memref<802816x64xf32, #tpu.memory_space<hbm>> -> memref<128x64xf32, #tpu.memory_space<hbm>>
          %dma_wait3A_80 = arith.constant 0 : i32
          %dma_wait3A_81 = tpu.memref_slice %arg6[%add3A_73, %dma_wait3A_80] : memref<802816x64xf32, #tpu.memory_space<hbm>> -> memref<128x64xf32, #tpu.memory_space<hbm>>
          tpu.wait_dma2 semaphore(%run_scoped3A : memref<!tpu.dma_semaphore, #tpu.memory_space<semaphore_mem>>) src(%arg17 : memref<128x64xf32, #tpu.memory_space<vmem>>) dst(%dma_wait3A_81 : memref<128x64xf32, #tpu.memory_space<hbm>>)
          tpu.yield
        }) : () -> ()
      } else {
      }
      %jit3A_30 = arith.constant 2 : i32
      %eq3A_31 = arith.constant 0 : i32
      %eq3A_32 = arith.cmpi eq, %jit3A_30, %eq3A_31 : i32
      %jit3A_33 = arith.constant 1 : i32
      %select_n3A_34 = arith.select %eq3A_32, %jit3A_33, %jit3A_30 : i32
      %rem3A_35 = arith.remsi %scan3A_16, %select_n3A_34 : i32
      %ne3A_36 = arith.constant 0 : i32
      %ne3A_37 = arith.cmpi ne, %rem3A_35, %ne3A_36 : i32
      %lt3A_38 = arith.constant 0 : i32
      %lt3A_39 = arith.cmpi slt, %rem3A_35, %lt3A_38 : i32
      %lt3A_40 = arith.constant 0 : i32
      %lt3A_41 = arith.cmpi slt, %select_n3A_34, %lt3A_40 : i32
      %ne3A_42 = arith.xori %lt3A_39, %lt3A_41 : i1
      %and3A_43 = arith.andi %ne3A_42, %ne3A_37 : i1
      %add3A_44 = arith.addi %rem3A_35, %select_n3A_34 : i32
      %select_n3A_45 = arith.select %and3A_43, %add3A_44, %rem3A_35 : i32
      %eq3A_46 = arith.constant 1 : i32
      %eq3A_47 = arith.cmpi eq, %select_n3A_45, %eq3A_46 : i32
      %convert_element_type3A_48 = arith.extui %eq3A_47 : i1 to i32
      %cond3A_49 = arith.constant 0 : i32
      %cond3A_50 = arith.cmpi ne, %convert_element_type3A_48, %cond3A_49 : i32
      scf.if %cond3A_50 {
        %add3A_52 = arith.constant 1 : i32
        %add3A_53 = arith.addi %scan3A_16, %add3A_52 : i32
        %lt3A_54 = arith.constant 196 : i32
        %lt3A_55 = arith.cmpi slt, %add3A_53, %lt3A_54 : i32
        %convert_element_type3A_56 = arith.extui %lt3A_55 : i1 to i32
        %cond3A_57 = arith.constant 0 : i32
        %cond3A_58 = arith.cmpi ne, %convert_element_type3A_56, %cond3A_57 : i32
        scf.if %cond3A_58 {
          %add3A_74 = arith.constant 1 : i32
          %add3A_75 = arith.addi %scan3A_16, %add3A_74 : i32
          %mul3A_76 = arith.constant 128 : i32
          %mul3A_77 = arith.muli %add3A_75, %mul3A_76 : i32
          %add3A_78 = arith.addi %mul3A_2, %mul3A_77 : i32
          "tpu.region"() ({
            %run_scoped3A = tpu.sem_alloc : memref<!tpu.dma_semaphore, #tpu.memory_space<semaphore_mem>>
            %dma_start3A_85 = tpu.memref_slice %arg4[%add3A_78] : memref<802816xi32, #tpu.memory_space<hbm>> -> memref<128xi32, #tpu.memory_space<hbm>>
            %dma_start3A_86 = tpu.memref_slice %arg4[%add3A_78] : memref<802816xi32, #tpu.memory_space<hbm>> -> memref<128xi32, #tpu.memory_space<hbm>>
            tpu.enqueue_dma source(%dma_start3A_86 : memref<128xi32, #tpu.memory_space<hbm>>) target(%arg7 : memref<128xi32, #tpu.memory_space<vmem>>) target_semaphore(%run_scoped3A : memref<!tpu.dma_semaphore, #tpu.memory_space<semaphore_mem>>)
            %dma_wait3A_87 = tpu.memref_slice %arg4[%add3A_78] : memref<802816xi32, #tpu.memory_space<hbm>> -> memref<128xi32, #tpu.memory_space<hbm>>
            %dma_wait3A_88 = tpu.memref_slice %arg4[%add3A_78] : memref<802816xi32, #tpu.memory_space<hbm>> -> memref<128xi32, #tpu.memory_space<hbm>>
            tpu.wait_dma2 semaphore(%run_scoped3A : memref<!tpu.dma_semaphore, #tpu.memory_space<semaphore_mem>>) src(%dma_wait3A_88 : memref<128xi32, #tpu.memory_space<hbm>>) dst(%arg7 : memref<128xi32, #tpu.memory_space<vmem>>)
            tpu.yield
          }) : () -> ()
          "tpu.region"() ({
            %run_scoped3A = tpu.sem_alloc : memref<!tpu.dma_semaphore, #tpu.memory_space<semaphore_mem>>
            %dma_start3A_85 = tpu.memref_slice %arg5[%add3A_78] : memref<802816xi32, #tpu.memory_space<hbm>> -> memref<128xi32, #tpu.memory_space<hbm>>
            %dma_start3A_86 = tpu.memref_slice %arg5[%add3A_78] : memref<802816xi32, #tpu.memory_space<hbm>> -> memref<128xi32, #tpu.memory_space<hbm>>
            tpu.enqueue_dma source(%dma_start3A_86 : memref<128xi32, #tpu.memory_space<hbm>>) target(%arg8 : memref<128xi32, #tpu.memory_space<vmem>>) target_semaphore(%run_scoped3A : memref<!tpu.dma_semaphore, #tpu.memory_space<semaphore_mem>>)
            %dma_wait3A_87 = tpu.memref_slice %arg5[%add3A_78] : memref<802816xi32, #tpu.memory_space<hbm>> -> memref<128xi32, #tpu.memory_space<hbm>>
            %dma_wait3A_88 = tpu.memref_slice %arg5[%add3A_78] : memref<802816xi32, #tpu.memory_space<hbm>> -> memref<128xi32, #tpu.memory_space<hbm>>
            tpu.wait_dma2 semaphore(%run_scoped3A : memref<!tpu.dma_semaphore, #tpu.memory_space<semaphore_mem>>) src(%dma_wait3A_88 : memref<128xi32, #tpu.memory_space<hbm>>) dst(%arg8 : memref<128xi32, #tpu.memory_space<vmem>>)
            tpu.yield
          }) : () -> ()
          %dma_start3A_79 = arith.constant 0 : i32
          %dma_start3A_80 = arith.constant 0 : i32
          %dma_start3A_81 = tpu.memref_slice %arg2[%dma_start3A_79, %dma_start3A_80] : memref<50000x128xf32, #tpu.memory_space<hbm>> -> memref<50000x128xf32, #tpu.memory_space<hbm>>
          tpu.enqueue_indirect_dma source(%dma_start3A_81 : memref<50000x128xf32, #tpu.memory_space<hbm>>) target(%arg9 : memref<128x128xf32, #tpu.memory_space<vmem>>) offsets(%arg7 : memref<128xi32, #tpu.memory_space<vmem>>) semaphore(%arg11 : memref<!tpu.dma_semaphore, #tpu.memory_space<semaphore_mem>>)
          %dma_start3A_82 = arith.constant 0 : i32
          %dma_start3A_83 = arith.constant 0 : i32
          %dma_start3A_84 = tpu.memref_slice %arg2[%dma_start3A_82, %dma_start3A_83] : memref<50000x128xf32, #tpu.memory_space<hbm>> -> memref<50000x128xf32, #tpu.memory_space<hbm>>
          tpu.enqueue_indirect_dma source(%dma_start3A_84 : memref<50000x128xf32, #tpu.memory_space<hbm>>) target(%arg10 : memref<128x128xf32, #tpu.memory_space<vmem>>) offsets(%arg8 : memref<128xi32, #tpu.memory_space<vmem>>) semaphore(%arg11 : memref<!tpu.dma_semaphore, #tpu.memory_space<semaphore_mem>>)
        } else {
        }
        %dma_wait3A = arith.constant 0 : i32
        %dma_wait3A_59 = arith.constant 0 : i32
        %dma_wait3A_60 = tpu.memref_slice %arg2[%dma_wait3A, %dma_wait3A_59] : memref<50000x128xf32, #tpu.memory_space<hbm>> -> memref<50000x128xf32, #tpu.memory_space<hbm>>
        tpu.wait_indirect_dma semaphore(%arg16 : memref<!tpu.dma_semaphore, #tpu.memory_space<semaphore_mem>>) src(%dma_wait3A_60 : memref<50000x128xf32, #tpu.memory_space<hbm>>) dst(%arg14 : memref<128x128xf32, #tpu.memory_space<vmem>>)
        %dma_wait3A_61 = arith.constant 0 : i32
        %dma_wait3A_62 = arith.constant 0 : i32
        %dma_wait3A_63 = tpu.memref_slice %arg2[%dma_wait3A_61, %dma_wait3A_62] : memref<50000x128xf32, #tpu.memory_space<hbm>> -> memref<50000x128xf32, #tpu.memory_space<hbm>>
        tpu.wait_indirect_dma semaphore(%arg16 : memref<!tpu.dma_semaphore, #tpu.memory_space<semaphore_mem>>) src(%dma_wait3A_63 : memref<50000x128xf32, #tpu.memory_space<hbm>>) dst(%arg15 : memref<128x128xf32, #tpu.memory_space<vmem>>)
        %scan3A_64 = arith.constant 0 : i32
        %scan3A_65 = arith.constant 0 : i32
        %scan3A_66 = arith.constant 128 : i32
        %scan3A_67 = arith.addi %scan3A_65, %scan3A_66 : i32
        %scan3A_68 = arith.constant 1 : i32
        %scan3A_69 = scf.for %scan3A_74 = %scan3A_65 to %scan3A_67 step %scan3A_68 iter_args(%scan3A_75 = %scan3A_64) -> (i32)  : i32 {
          %get3A = arith.constant 0 : index
          %get3A_76 = tpu.vector_load %arg18[%get3A] {strides = array<i32>} : memref<64xf32, #tpu.memory_space<vmem>>, vector<16xf32>,
          %get3A_77 = vector.shape_cast %get3A_76 : vector<16xf32> to vector<16xf32>
          %get3A_78 = arith.index_cast %scan3A_74 : i32 to index
          %get3A_79 = arith.constant 0 : index
          %get3A_80 = tpu.vector_load %arg14[%get3A_78, %get3A_79] {strides = array<i32>} : memref<128x128xf32, #tpu.memory_space<vmem>>, vector<1x16xf32>,
          %get3A_81 = vector.shape_cast %get3A_80 : vector<1x16xf32> to vector<16xf32>
          %get3A_82 = arith.index_cast %scan3A_74 : i32 to index
          %get3A_83 = arith.constant 64 : index
          %get3A_84 = tpu.vector_load %arg15[%get3A_82, %get3A_83] {strides = array<i32>} : memref<128x128xf32, #tpu.memory_space<vmem>>, vector<1x16xf32>,
          %get3A_85 = vector.shape_cast %get3A_84 : vector<1x16xf32> to vector<16xf32>
          %add3A_86 = arith.addf %get3A_81, %get3A_85 : vector<16xf32>
          %add3A_87 = arith.addf %add3A_86, %get3A_77 : vector<16xf32>
          %get3A_88 = arith.index_cast %scan3A_74 : i32 to index
          %get3A_89 = arith.constant 0 : index
          %get3A_90 = tpu.vector_load %arg15[%get3A_88, %get3A_89] {strides = array<i32>} : memref<128x128xf32, #tpu.memory_space<vmem>>, vector<1x16xf32>,
          %get3A_91 = vector.shape_cast %get3A_90 : vector<1x16xf32> to vector<16xf32>
          %get3A_92 = arith.index_cast %scan3A_74 : i32 to index
          %get3A_93 = arith.constant 64 : index
          %get3A_94 = tpu.vector_load %arg14[%get3A_92, %get3A_93] {strides = array<i32>} : memref<128x128xf32, #tpu.memory_space<vmem>>, vector<1x16xf32>,
          %get3A_95 = vector.shape_cast %get3A_94 : vector<1x16xf32> to vector<16xf32>
          %add3A_96 = arith.addf %get3A_91, %get3A_95 : vector<16xf32>
          %add3A_97 = arith.addf %add3A_96, %get3A_77 : vector<16xf32>
          %max3A = arith.constant 0.000000e+00 : f32
          %max3A_98 = vector.broadcast %max3A : f32 to vector<16xf32>
          %max3A_99 = arith.maximumf %add3A_87, %max3A_98 : vector<16xf32>
          %max3A_100 = arith.constant 0.000000e+00 : f32
          %max3A_101 = vector.broadcast %max3A_100 : f32 to vector<16xf32>
          %max3A_102 = arith.maximumf %add3A_97, %max3A_101 : vector<16xf32>
          %add3A_103 = arith.addf %max3A_99, %max3A_102 : vector<16xf32>
          %swap3A = arith.index_cast %scan3A_74 : i32 to index
          %swap3A_104 = arith.constant 0 : index
          %swap3A_105 = tpu.vector_load %arg17[%swap3A, %swap3A_104] {strides = array<i32>} : memref<128x64xf32, #tpu.memory_space<vmem>>, vector<1x16xf32>,
          %swap3A_106 = vector.shape_cast %swap3A_105 : vector<1x16xf32> to vector<16xf32>
          %swap3A_107 = vector.shape_cast %add3A_103 : vector<16xf32> to vector<1x16xf32>
          tpu.vector_store %arg17[%swap3A, %swap3A_104], %swap3A_107 {strides = array<i32>} : memref<128x64xf32, #tpu.memory_space<vmem>>, vector<1x16xf32>,
          %get3A_108 = arith.constant 16 : index
          %get3A_109 = tpu.vector_load %arg18[%get3A_108] {strides = array<i32>} : memref<64xf32, #tpu.memory_space<vmem>>, vector<16xf32>,
          %get3A_110 = vector.shape_cast %get3A_109 : vector<16xf32> to vector<16xf32>
          %get3A_111 = arith.index_cast %scan3A_74 : i32 to index
          %get3A_112 = arith.constant 16 : index
          %get3A_113 = tpu.vector_load %arg14[%get3A_111, %get3A_112] {strides = array<i32>} : memref<128x128xf32, #tpu.memory_space<vmem>>, vector<1x16xf32>,
          %get3A_114 = vector.shape_cast %get3A_113 : vector<1x16xf32> to vector<16xf32>
          %get3A_115 = arith.index_cast %scan3A_74 : i32 to index
          %get3A_116 = arith.constant 80 : index
          %get3A_117 = tpu.vector_load %arg15[%get3A_115, %get3A_116] {strides = array<i32>} : memref<128x128xf32, #tpu.memory_space<vmem>>, vector<1x16xf32>,
          %get3A_118 = vector.shape_cast %get3A_117 : vector<1x16xf32> to vector<16xf32>
          %add3A_119 = arith.addf %get3A_114, %get3A_118 : vector<16xf32>
          %add3A_120 = arith.addf %add3A_119, %get3A_110 : vector<16xf32>
          %get3A_121 = arith.index_cast %scan3A_74 : i32 to index
          %get3A_122 = arith.constant 16 : index
          %get3A_123 = tpu.vector_load %arg15[%get3A_121, %get3A_122] {strides = array<i32>} : memref<128x128xf32, #tpu.memory_space<vmem>>, vector<1x16xf32>,
          %get3A_124 = vector.shape_cast %get3A_123 : vector<1x16xf32> to vector<16xf32>
          %get3A_125 = arith.index_cast %scan3A_74 : i32 to index
          %get3A_126 = arith.constant 80 : index
          %get3A_127 = tpu.vector_load %arg14[%get3A_125, %get3A_126] {strides = array<i32>} : memref<128x128xf32, #tpu.memory_space<vmem>>, vector<1x16xf32>,
          %get3A_128 = vector.shape_cast %get3A_127 : vector<1x16xf32> to vector<16xf32>
          %add3A_129 = arith.addf %get3A_124, %get3A_128 : vector<16xf32>
          %add3A_130 = arith.addf %add3A_129, %get3A_110 : vector<16xf32>
          %max3A_131 = arith.constant 0.000000e+00 : f32
          %max3A_132 = vector.broadcast %max3A_131 : f32 to vector<16xf32>
          %max3A_133 = arith.maximumf %add3A_120, %max3A_132 : vector<16xf32>
          %max3A_134 = arith.constant 0.000000e+00 : f32
          %max3A_135 = vector.broadcast %max3A_134 : f32 to vector<16xf32>
          %max3A_136 = arith.maximumf %add3A_130, %max3A_135 : vector<16xf32>
          %add3A_137 = arith.addf %max3A_133, %max3A_136 : vector<16xf32>
          %swap3A_138 = arith.index_cast %scan3A_74 : i32 to index
          %swap3A_139 = arith.constant 16 : index
          %swap3A_140 = tpu.vector_load %arg17[%swap3A_138, %swap3A_139] {strides = array<i32>} : memref<128x64xf32, #tpu.memory_space<vmem>>, vector<1x16xf32>,
          %swap3A_141 = vector.shape_cast %swap3A_140 : vector<1x16xf32> to vector<16xf32>
          %swap3A_142 = vector.shape_cast %add3A_137 : vector<16xf32> to vector<1x16xf32>
          tpu.vector_store %arg17[%swap3A_138, %swap3A_139], %swap3A_142 {strides = array<i32>} : memref<128x64xf32, #tpu.memory_space<vmem>>, vector<1x16xf32>,
          %get3A_143 = arith.constant 32 : index
          %get3A_144 = tpu.vector_load %arg18[%get3A_143] {strides = array<i32>} : memref<64xf32, #tpu.memory_space<vmem>>, vector<16xf32>,
          %get3A_145 = vector.shape_cast %get3A_144 : vector<16xf32> to vector<16xf32>
          %get3A_146 = arith.index_cast %scan3A_74 : i32 to index
          %get3A_147 = arith.constant 32 : index
          %get3A_148 = tpu.vector_load %arg14[%get3A_146, %get3A_147] {strides = array<i32>} : memref<128x128xf32, #tpu.memory_space<vmem>>, vector<1x16xf32>,
          %get3A_149 = vector.shape_cast %get3A_148 : vector<1x16xf32> to vector<16xf32>
          %get3A_150 = arith.index_cast %scan3A_74 : i32 to index
          %get3A_151 = arith.constant 96 : index
          %get3A_152 = tpu.vector_load %arg15[%get3A_150, %get3A_151] {strides = array<i32>} : memref<128x128xf32, #tpu.memory_space<vmem>>, vector<1x16xf32>,
          %get3A_153 = vector.shape_cast %get3A_152 : vector<1x16xf32> to vector<16xf32>
          %add3A_154 = arith.addf %get3A_149, %get3A_153 : vector<16xf32>
          %add3A_155 = arith.addf %add3A_154, %get3A_145 : vector<16xf32>
          %get3A_156 = arith.index_cast %scan3A_74 : i32 to index
          %get3A_157 = arith.constant 32 : index
          %get3A_158 = tpu.vector_load %arg15[%get3A_156, %get3A_157] {strides = array<i32>} : memref<128x128xf32, #tpu.memory_space<vmem>>, vector<1x16xf32>,
          %get3A_159 = vector.shape_cast %get3A_158 : vector<1x16xf32> to vector<16xf32>
          %get3A_160 = arith.index_cast %scan3A_74 : i32 to index
          %get3A_161 = arith.constant 96 : index
          %get3A_162 = tpu.vector_load %arg14[%get3A_160, %get3A_161] {strides = array<i32>} : memref<128x128xf32, #tpu.memory_space<vmem>>, vector<1x16xf32>,
          %get3A_163 = vector.shape_cast %get3A_162 : vector<1x16xf32> to vector<16xf32>
          %add3A_164 = arith.addf %get3A_159, %get3A_163 : vector<16xf32>
          %add3A_165 = arith.addf %add3A_164, %get3A_145 : vector<16xf32>
          %max3A_166 = arith.constant 0.000000e+00 : f32
          %max3A_167 = vector.broadcast %max3A_166 : f32 to vector<16xf32>
          %max3A_168 = arith.maximumf %add3A_155, %max3A_167 : vector<16xf32>
          %max3A_169 = arith.constant 0.000000e+00 : f32
          %max3A_170 = vector.broadcast %max3A_169 : f32 to vector<16xf32>
          %max3A_171 = arith.maximumf %add3A_165, %max3A_170 : vector<16xf32>
          %add3A_172 = arith.addf %max3A_168, %max3A_171 : vector<16xf32>
          %swap3A_173 = arith.index_cast %scan3A_74 : i32 to index
          %swap3A_174 = arith.constant 32 : index
          %swap3A_175 = tpu.vector_load %arg17[%swap3A_173, %swap3A_174] {strides = array<i32>} : memref<128x64xf32, #tpu.memory_space<vmem>>, vector<1x16xf32>,
          %swap3A_176 = vector.shape_cast %swap3A_175 : vector<1x16xf32> to vector<16xf32>
          %swap3A_177 = vector.shape_cast %add3A_172 : vector<16xf32> to vector<1x16xf32>
          tpu.vector_store %arg17[%swap3A_173, %swap3A_174], %swap3A_177 {strides = array<i32>} : memref<128x64xf32, #tpu.memory_space<vmem>>, vector<1x16xf32>,
          %get3A_178 = arith.constant 48 : index
          %get3A_179 = tpu.vector_load %arg18[%get3A_178] {strides = array<i32>} : memref<64xf32, #tpu.memory_space<vmem>>, vector<16xf32>,
          %get3A_180 = vector.shape_cast %get3A_179 : vector<16xf32> to vector<16xf32>
          %get3A_181 = arith.index_cast %scan3A_74 : i32 to index
          %get3A_182 = arith.constant 48 : index
          %get3A_183 = tpu.vector_load %arg14[%get3A_181, %get3A_182] {strides = array<i32>} : memref<128x128xf32, #tpu.memory_space<vmem>>, vector<1x16xf32>,
          %get3A_184 = vector.shape_cast %get3A_183 : vector<1x16xf32> to vector<16xf32>
          %get3A_185 = arith.index_cast %scan3A_74 : i32 to index
          %get3A_186 = arith.constant 112 : index
          %get3A_187 = tpu.vector_load %arg15[%get3A_185, %get3A_186] {strides = array<i32>} : memref<128x128xf32, #tpu.memory_space<vmem>>, vector<1x16xf32>,
          %get3A_188 = vector.shape_cast %get3A_187 : vector<1x16xf32> to vector<16xf32>
          %add3A_189 = arith.addf %get3A_184, %get3A_188 : vector<16xf32>
          %add3A_190 = arith.addf %add3A_189, %get3A_180 : vector<16xf32>
          %get3A_191 = arith.index_cast %scan3A_74 : i32 to index
          %get3A_192 = arith.constant 48 : index
          %get3A_193 = tpu.vector_load %arg15[%get3A_191, %get3A_192] {strides = array<i32>} : memref<128x128xf32, #tpu.memory_space<vmem>>, vector<1x16xf32>,
          %get3A_194 = vector.shape_cast %get3A_193 : vector<1x16xf32> to vector<16xf32>
          %get3A_195 = arith.index_cast %scan3A_74 : i32 to index
          %get3A_196 = arith.constant 112 : index
          %get3A_197 = tpu.vector_load %arg14[%get3A_195, %get3A_196] {strides = array<i32>} : memref<128x128xf32, #tpu.memory_space<vmem>>, vector<1x16xf32>,
          %get3A_198 = vector.shape_cast %get3A_197 : vector<1x16xf32> to vector<16xf32>
          %add3A_199 = arith.addf %get3A_194, %get3A_198 : vector<16xf32>
          %add3A_200 = arith.addf %add3A_199, %get3A_180 : vector<16xf32>
          %max3A_201 = arith.constant 0.000000e+00 : f32
          %max3A_202 = vector.broadcast %max3A_201 : f32 to vector<16xf32>
          %max3A_203 = arith.maximumf %add3A_190, %max3A_202 : vector<16xf32>
          %max3A_204 = arith.constant 0.000000e+00 : f32
          %max3A_205 = vector.broadcast %max3A_204 : f32 to vector<16xf32>
          %max3A_206 = arith.maximumf %add3A_200, %max3A_205 : vector<16xf32>
          %add3A_207 = arith.addf %max3A_203, %max3A_206 : vector<16xf32>
          %swap3A_208 = arith.index_cast %scan3A_74 : i32 to index
          %swap3A_209 = arith.constant 48 : index
          %swap3A_210 = tpu.vector_load %arg17[%swap3A_208, %swap3A_209] {strides = array<i32>} : memref<128x64xf32, #tpu.memory_space<vmem>>, vector<1x16xf32>,
          %swap3A_211 = vector.shape_cast %swap3A_210 : vector<1x16xf32> to vector<16xf32>
          %swap3A_212 = vector.shape_cast %add3A_207 : vector<16xf32> to vector<1x16xf32>
          tpu.vector_store %arg17[%swap3A_208, %swap3A_209], %swap3A_212 {strides = array<i32>} : memref<128x64xf32, #tpu.memory_space<vmem>>, vector<1x16xf32>,
          %scan3A_213 = arith.constant 0 : i32
          scf.yield %scan3A_213 : i32
        }
        %scan3A_70 = arith.constant 128 : i32
        %mul3A_71 = arith.constant 128 : i32
        %mul3A_72 = arith.muli %scan3A_16, %mul3A_71 : i32
        %add3A_73 = arith.addi %mul3A_2, %mul3A_72 : i32
        "tpu.region"() ({
          %run_scoped3A = tpu.sem_alloc : memref<!tpu.dma_semaphore, #tpu.memory_space<semaphore_mem>>
          %dma_start3A_74 = arith.constant 0 : i32
          %dma_start3A_75 = tpu.memref_slice %arg6[%add3A_73, %dma_start3A_74] : memref<802816x64xf32, #tpu.memory_space<hbm>> -> memref<128x64xf32, #tpu.memory_space<hbm>>
          %dma_start3A_76 = arith.constant 0 : i32
          %dma_start3A_77 = tpu.memref_slice %arg6[%add3A_73, %dma_start3A_76] : memref<802816x64xf32, #tpu.memory_space<hbm>> -> memref<128x64xf32, #tpu.memory_space<hbm>>
          tpu.enqueue_dma source(%arg17 : memref<128x64xf32, #tpu.memory_space<vmem>>) target(%dma_start3A_77 : memref<128x64xf32, #tpu.memory_space<hbm>>) target_semaphore(%run_scoped3A : memref<!tpu.dma_semaphore, #tpu.memory_space<semaphore_mem>>)
          %dma_wait3A_78 = arith.constant 0 : i32
          %dma_wait3A_79 = tpu.memref_slice %arg6[%add3A_73, %dma_wait3A_78] : memref<802816x64xf32, #tpu.memory_space<hbm>> -> memref<128x64xf32, #tpu.memory_space<hbm>>
          %dma_wait3A_80 = arith.constant 0 : i32
          %dma_wait3A_81 = tpu.memref_slice %arg6[%add3A_73, %dma_wait3A_80] : memref<802816x64xf32, #tpu.memory_space<hbm>> -> memref<128x64xf32, #tpu.memory_space<hbm>>
          tpu.wait_dma2 semaphore(%run_scoped3A : memref<!tpu.dma_semaphore, #tpu.memory_space<semaphore_mem>>) src(%arg17 : memref<128x64xf32, #tpu.memory_space<vmem>>) dst(%dma_wait3A_81 : memref<128x64xf32, #tpu.memory_space<hbm>>)
          tpu.yield
        }) : () -> ()
      } else {
      }
      %scan3A_51 = arith.constant 0 : i32
      scf.yield %scan3A_51 : i32
    }
    %scan3A_15 = arith.constant 196 : i32
    return
  }
}

module attributes {stable_mosaic.version = 14 : i64} {
  func.func @_tc2_body(%arg0: i32, %arg1: memref<4096x14xf32, #tpu.memory_space<vmem>>, %arg2: memref<14x64xf32, #tpu.memory_space<vmem>>, %arg3: memref<1x64xf32, #tpu.memory_space<vmem>>, %arg4: memref<4096x64xf32, #tpu.memory_space<vmem>>) attributes {dimension_semantics = [#tpu.dimension_semantics<arbitrary>], iteration_bounds = array<i64: 196>, scalar_prefetch = 0 : i64, scratch_operands = 0 : i64, tpu.core_type = #tpu.core_type<tc>, window_params = [{transform_indices = @transform_0, window_bounds = array<i64: 4096, 14>}, {pipeline_mode = #tpu.pipeline_mode<synchronous>, transform_indices = @transform_1, window_bounds = array<i64: 14, 64>}, {pipeline_mode = #tpu.pipeline_mode<synchronous>, transform_indices = @transform_2, window_bounds = array<i64: 1, 64>}, {transform_indices = @transform_3, window_bounds = array<i64: 4096, 64>}]} {
    %get3A = arith.constant 0 : index
    %get3A_0 = arith.constant 0 : index
    %get3A_1 = vector.load %arg1[%get3A, %get3A_0] : memref<4096x14xf32, #tpu.memory_space<vmem>>, vector<4096x14xf32>
    %get3A_2 = arith.constant 0 : index
    %get3A_3 = arith.constant 0 : index
    %get3A_4 = vector.load %arg2[%get3A_2, %get3A_3] : memref<14x64xf32, #tpu.memory_space<vmem>>, vector<14x64xf32>
    %dot_general3A = arith.constant dense<0.000000e+00> : vector<4096x64xf32>
    %dot_general3A_5 = tpu.matmul %get3A_1, %get3A_4, %dot_general3A {dimension_numbers = #tpu.dot_dimension_numbers<[1], [0], [0], [1], [0, 0, 1, 1], [], []>, transpose_lhs_hint = false} : vector<4096x14xf32>, vector<14x64xf32>, vector<4096x64xf32> -> vector<4096x64xf32>
    %get3A_6 = arith.constant 0 : index
    %get3A_7 = arith.constant 0 : index
    %get3A_8 = vector.load %arg3[%get3A_6, %get3A_7] : memref<1x64xf32, #tpu.memory_space<vmem>>, vector<1x64xf32>
    %add3A = vector.broadcast %get3A_8 : vector<1x64xf32> to vector<4096x64xf32>
    %add3A_9 = arith.addf %dot_general3A_5, %add3A : vector<4096x64xf32>
    %max3A = arith.constant 0.000000e+00 : f32
    %max3A_10 = vector.broadcast %max3A : f32 to vector<4096x64xf32>
    %max3A_11 = arith.maximumf %add3A_9, %max3A_10 : vector<4096x64xf32>
    %swap3A = arith.constant 0 : index
    %swap3A_12 = arith.constant 0 : index
    %swap3A_13 = vector.load %arg4[%swap3A, %swap3A_12] : memref<4096x64xf32, #tpu.memory_space<vmem>>, vector<4096x64xf32>
    tpu.vector_store %arg4[%swap3A, %swap3A_12], %max3A_11 {strides = array<i32>} : memref<4096x64xf32, #tpu.memory_space<vmem>>, vector<4096x64xf32>,
    return
  }
  func.func @transform_0(%arg0: i32) -> (i32, i32) {
    %c0_i32 = arith.constant 0 : i32
    %c0_i32_0 = arith.constant 0 : i32
    return %arg0, %c0_i32 : i32, i32
  }
  func.func @transform_1(%arg0: i32) -> (i32, i32) {
    %c0_i32 = arith.constant 0 : i32
    %c0_i32_0 = arith.constant 0 : i32
    %c0_i32_1 = arith.constant 0 : i32
    return %c0_i32, %c0_i32_0 : i32, i32
  }
  func.func @transform_2(%arg0: i32) -> (i32, i32) {
    %c0_i32 = arith.constant 0 : i32
    %c0_i32_0 = arith.constant 0 : i32
    %c0_i32_1 = arith.constant 0 : i32
    return %c0_i32, %c0_i32_0 : i32, i32
  }
  func.func @transform_3(%arg0: i32) -> (i32, i32) {
    %c0_i32 = arith.constant 0 : i32
    %c0_i32_0 = arith.constant 0 : i32
    return %arg0, %c0_i32 : i32, i32
  }
}

module attributes {stable_mosaic.version = 14 : i64} {
  func.func @_tc1_body(%arg0: i32, %arg1: memref<2000x75xf32, #tpu.memory_space<vmem>>, %arg2: memref<75x128xf32, #tpu.memory_space<vmem>>, %arg3: memref<2000x128xf32, #tpu.memory_space<vmem>>) attributes {dimension_semantics = [#tpu.dimension_semantics<arbitrary>], iteration_bounds = array<i64: 25>, scalar_prefetch = 0 : i64, scratch_operands = 0 : i64, tpu.core_type = #tpu.core_type<tc>, window_params = [{transform_indices = @transform_0, window_bounds = array<i64: 2000, 75>}, {pipeline_mode = #tpu.pipeline_mode<synchronous>, transform_indices = @transform_1, window_bounds = array<i64: 75, 128>}, {transform_indices = @transform_2, window_bounds = array<i64: 2000, 128>}]} {
    %get3A = arith.constant 0 : index
    %get3A_0 = arith.constant 0 : index
    %get3A_1 = vector.load %arg1[%get3A, %get3A_0] : memref<2000x75xf32, #tpu.memory_space<vmem>>, vector<2000x75xf32>
    %get3A_2 = arith.constant 0 : index
    %get3A_3 = arith.constant 0 : index
    %get3A_4 = vector.load %arg2[%get3A_2, %get3A_3] : memref<75x128xf32, #tpu.memory_space<vmem>>, vector<75x128xf32>
    %dot_general3A = arith.constant dense<0.000000e+00> : vector<2000x128xf32>
    %dot_general3A_5 = tpu.matmul %get3A_1, %get3A_4, %dot_general3A {dimension_numbers = #tpu.dot_dimension_numbers<[1], [0], [0], [1], [0, 0, 1, 1], [], []>, transpose_lhs_hint = false} : vector<2000x75xf32>, vector<75x128xf32>, vector<2000x128xf32> -> vector<2000x128xf32>
    %swap3A = arith.constant 0 : index
    %swap3A_6 = arith.constant 0 : index
    %swap3A_7 = vector.load %arg3[%swap3A, %swap3A_6] : memref<2000x128xf32, #tpu.memory_space<vmem>>, vector<2000x128xf32>
    tpu.vector_store %arg3[%swap3A, %swap3A_6], %dot_general3A_5 {strides = array<i32>} : memref<2000x128xf32, #tpu.memory_space<vmem>>, vector<2000x128xf32>,
    return
  }
  func.func @transform_0(%arg0: i32) -> (i32, i32) {
    %c0_i32 = arith.constant 0 : i32
    %c0_i32_0 = arith.constant 0 : i32
    return %arg0, %c0_i32 : i32, i32
  }
  func.func @transform_1(%arg0: i32) -> (i32, i32) {
    %c0_i32 = arith.constant 0 : i32
    %c0_i32_0 = arith.constant 0 : i32
    %c0_i32_1 = arith.constant 0 : i32
    return %c0_i32, %c0_i32_0 : i32, i32
  }
  func.func @transform_2(%arg0: i32) -> (i32, i32) {
    %c0_i32 = arith.constant 0 : i32
    %c0_i32_0 = arith.constant 0 : i32
    return %arg0, %c0_i32 : i32, i32
  }
}

module attributes {stable_mosaic.version = 14 : i64} {
  func.func @_tc3_body(%arg0: i32, %arg1: memref<2000x75xf32, #tpu.memory_space<vmem>>, %arg2: memref<2000x64xf32, #tpu.memory_space<vmem>>, %arg3: memref<75x100xf32, #tpu.memory_space<vmem>>, %arg4: memref<1x100xf32, #tpu.memory_space<vmem>>, %arg5: memref<100x50xf32, #tpu.memory_space<vmem>>, %arg6: memref<64x50xf32, #tpu.memory_space<vmem>>, %arg7: memref<1x50xf32, #tpu.memory_space<vmem>>, %arg8: memref<2000x50xf32, #tpu.memory_space<vmem>>) attributes {dimension_semantics = [#tpu.dimension_semantics<arbitrary>], iteration_bounds = array<i64: 25>, scalar_prefetch = 0 : i64, scratch_operands = 0 : i64, tpu.core_type = #tpu.core_type<tc>, window_params = [{transform_indices = @transform_0, window_bounds = array<i64: 2000, 75>}, {transform_indices = @transform_1, window_bounds = array<i64: 2000, 64>}, {pipeline_mode = #tpu.pipeline_mode<synchronous>, transform_indices = @transform_2, window_bounds = array<i64: 75, 100>}, {pipeline_mode = #tpu.pipeline_mode<synchronous>, transform_indices = @transform_3, window_bounds = array<i64: 1, 100>}, {pipeline_mode = #tpu.pipeline_mode<synchronous>, transform_indices = @transform_4, window_bounds = array<i64: 100, 50>}, {pipeline_mode = #tpu.pipeline_mode<synchronous>, transform_indices = @transform_5, window_bounds = array<i64: 64, 50>}, {pipeline_mode = #tpu.pipeline_mode<synchronous>, transform_indices = @transform_6, window_bounds = array<i64: 1, 50>}, {transform_indices = @transform_7, window_bounds = array<i64: 2000, 50>}]} {
    %get3A = arith.constant 0 : index
    %get3A_0 = arith.constant 0 : index
    %get3A_1 = vector.load %arg1[%get3A, %get3A_0] : memref<2000x75xf32, #tpu.memory_space<vmem>>, vector<2000x75xf32>
    %get3A_2 = arith.constant 0 : index
    %get3A_3 = arith.constant 0 : index
    %get3A_4 = vector.load %arg3[%get3A_2, %get3A_3] : memref<75x100xf32, #tpu.memory_space<vmem>>, vector<75x100xf32>
    %dot_general3A = arith.constant dense<0.000000e+00> : vector<2000x100xf32>
    %dot_general3A_5 = tpu.matmul %get3A_1, %get3A_4, %dot_general3A {dimension_numbers = #tpu.dot_dimension_numbers<[1], [0], [0], [1], [0, 0, 1, 1], [], []>, transpose_lhs_hint = false} : vector<2000x75xf32>, vector<75x100xf32>, vector<2000x100xf32> -> vector<2000x100xf32>
    %get3A_6 = arith.constant 0 : index
    %get3A_7 = arith.constant 0 : index
    %get3A_8 = vector.load %arg4[%get3A_6, %get3A_7] : memref<1x100xf32, #tpu.memory_space<vmem>>, vector<1x100xf32>
    %add3A = vector.broadcast %get3A_8 : vector<1x100xf32> to vector<2000x100xf32>
    %add3A_9 = arith.addf %dot_general3A_5, %add3A : vector<2000x100xf32>
    %max3A = arith.constant 0.000000e+00 : f32
    %max3A_10 = vector.broadcast %max3A : f32 to vector<2000x100xf32>
    %max3A_11 = arith.maximumf %add3A_9, %max3A_10 : vector<2000x100xf32>
    %get3A_12 = arith.constant 0 : index
    %get3A_13 = arith.constant 0 : index
    %get3A_14 = vector.load %arg5[%get3A_12, %get3A_13] : memref<100x50xf32, #tpu.memory_space<vmem>>, vector<100x50xf32>
    %dot_general3A_15 = arith.constant dense<0.000000e+00> : vector<2000x50xf32>
    %dot_general3A_16 = tpu.matmul %max3A_11, %get3A_14, %dot_general3A_15 {dimension_numbers = #tpu.dot_dimension_numbers<[1], [0], [0], [1], [0, 0, 1, 1], [], []>, transpose_lhs_hint = false} : vector<2000x100xf32>, vector<100x50xf32>, vector<2000x50xf32> -> vector<2000x50xf32>
    %get3A_17 = arith.constant 0 : index
    %get3A_18 = arith.constant 0 : index
    %get3A_19 = vector.load %arg2[%get3A_17, %get3A_18] : memref<2000x64xf32, #tpu.memory_space<vmem>>, vector<2000x64xf32>
    %get3A_20 = arith.constant 0 : index
    %get3A_21 = arith.constant 0 : index
    %get3A_22 = vector.load %arg6[%get3A_20, %get3A_21] : memref<64x50xf32, #tpu.memory_space<vmem>>, vector<64x50xf32>
    %dot_general3A_23 = arith.constant dense<0.000000e+00> : vector<2000x50xf32>
    %dot_general3A_24 = tpu.matmul %get3A_19, %get3A_22, %dot_general3A_23 {dimension_numbers = #tpu.dot_dimension_numbers<[1], [0], [0], [1], [0, 0, 1, 1], [], []>, transpose_lhs_hint = false} : vector<2000x64xf32>, vector<64x50xf32>, vector<2000x50xf32> -> vector<2000x50xf32>
    %add3A_25 = arith.addf %dot_general3A_16, %dot_general3A_24 : vector<2000x50xf32>
    %get3A_26 = arith.constant 0 : index
    %get3A_27 = arith.constant 0 : index
    %get3A_28 = vector.load %arg7[%get3A_26, %get3A_27] : memref<1x50xf32, #tpu.memory_space<vmem>>, vector<1x50xf32>
    %add3A_29 = vector.broadcast %get3A_28 : vector<1x50xf32> to vector<2000x50xf32>
    %add3A_30 = arith.addf %add3A_25, %add3A_29 : vector<2000x50xf32>
    %max3A_31 = arith.constant 0.000000e+00 : f32
    %max3A_32 = vector.broadcast %max3A_31 : f32 to vector<2000x50xf32>
    %max3A_33 = arith.maximumf %add3A_30, %max3A_32 : vector<2000x50xf32>
    %swap3A = arith.constant 0 : index
    %swap3A_34 = arith.constant 0 : index
    %swap3A_35 = vector.load %arg8[%swap3A, %swap3A_34] : memref<2000x50xf32, #tpu.memory_space<vmem>>, vector<2000x50xf32>
    tpu.vector_store %arg8[%swap3A, %swap3A_34], %max3A_33 {strides = array<i32>} : memref<2000x50xf32, #tpu.memory_space<vmem>>, vector<2000x50xf32>,
    return
  }
  func.func @transform_0(%arg0: i32) -> (i32, i32) {
    %c0_i32 = arith.constant 0 : i32
    %c0_i32_0 = arith.constant 0 : i32
    return %arg0, %c0_i32 : i32, i32
  }
  func.func @transform_1(%arg0: i32) -> (i32, i32) {
    %c0_i32 = arith.constant 0 : i32
    %c0_i32_0 = arith.constant 0 : i32
    return %arg0, %c0_i32 : i32, i32
  }
  func.func @transform_2(%arg0: i32) -> (i32, i32) {
    %c0_i32 = arith.constant 0 : i32
    %c0_i32_0 = arith.constant 0 : i32
    %c0_i32_1 = arith.constant 0 : i32
    return %c0_i32, %c0_i32_0 : i32, i32
  }
  func.func @transform_3(%arg0: i32) -> (i32, i32) {
    %c0_i32 = arith.constant 0 : i32
    %c0_i32_0 = arith.constant 0 : i32
    %c0_i32_1 = arith.constant 0 : i32
    return %c0_i32, %c0_i32_0 : i32, i32
  }
  func.func @transform_4(%arg0: i32) -> (i32, i32) {
    %c0_i32 = arith.constant 0 : i32
    %c0_i32_0 = arith.constant 0 : i32
    %c0_i32_1 = arith.constant 0 : i32
    return %c0_i32, %c0_i32_0 : i32, i32
  }
  func.func @transform_5(%arg0: i32) -> (i32, i32) {
    %c0_i32 = arith.constant 0 : i32
    %c0_i32_0 = arith.constant 0 : i32
    %c0_i32_1 = arith.constant 0 : i32
    return %c0_i32, %c0_i32_0 : i32, i32
  }
  func.func @transform_6(%arg0: i32) -> (i32, i32) {
    %c0_i32 = arith.constant 0 : i32
    %c0_i32_0 = arith.constant 0 : i32
    %c0_i32_1 = arith.constant 0 : i32
    return %c0_i32, %c0_i32_0 : i32, i32
  }
  func.func @transform_7(%arg0: i32) -> (i32, i32) {
    %c0_i32 = arith.constant 0 : i32
    %c0_i32_0 = arith.constant 0 : i32
    return %arg0, %c0_i32 : i32, i32
  }
}

module attributes {stable_mosaic.version = 14 : i64} {
  func.func @_tc4_body(%arg0: i32, %arg1: memref<4096x64xf32, #tpu.memory_space<vmem>>, %arg2: memref<4096x14xf32, #tpu.memory_space<vmem>>, %arg3: memref<64x50xf32, #tpu.memory_space<vmem>>, %arg4: memref<14x50xf32, #tpu.memory_space<vmem>>, %arg5: memref<1x50xf32, #tpu.memory_space<vmem>>, %arg6: memref<50x50xf32, #tpu.memory_space<vmem>>, %arg7: memref<1x50xf32, #tpu.memory_space<vmem>>, %arg8: memref<4096x50xf32, #tpu.memory_space<vmem>>) attributes {dimension_semantics = [#tpu.dimension_semantics<arbitrary>], iteration_bounds = array<i64: 196>, scalar_prefetch = 0 : i64, scratch_operands = 0 : i64, tpu.core_type = #tpu.core_type<tc>, window_params = [{transform_indices = @transform_0, window_bounds = array<i64: 4096, 64>}, {transform_indices = @transform_1, window_bounds = array<i64: 4096, 14>}, {pipeline_mode = #tpu.pipeline_mode<synchronous>, transform_indices = @transform_2, window_bounds = array<i64: 64, 50>}, {pipeline_mode = #tpu.pipeline_mode<synchronous>, transform_indices = @transform_3, window_bounds = array<i64: 14, 50>}, {pipeline_mode = #tpu.pipeline_mode<synchronous>, transform_indices = @transform_4, window_bounds = array<i64: 1, 50>}, {pipeline_mode = #tpu.pipeline_mode<synchronous>, transform_indices = @transform_5, window_bounds = array<i64: 50, 50>}, {pipeline_mode = #tpu.pipeline_mode<synchronous>, transform_indices = @transform_6, window_bounds = array<i64: 1, 50>}, {transform_indices = @transform_7, window_bounds = array<i64: 4096, 50>}]} {
    %get3A = arith.constant 0 : index
    %get3A_0 = arith.constant 0 : index
    %get3A_1 = vector.load %arg2[%get3A, %get3A_0] : memref<4096x14xf32, #tpu.memory_space<vmem>>, vector<4096x14xf32>
    %get3A_2 = arith.constant 0 : index
    %get3A_3 = arith.constant 0 : index
    %get3A_4 = vector.load %arg4[%get3A_2, %get3A_3] : memref<14x50xf32, #tpu.memory_space<vmem>>, vector<14x50xf32>
    %dot_general3A = arith.constant dense<0.000000e+00> : vector<4096x50xf32>
    %dot_general3A_5 = tpu.matmul %get3A_1, %get3A_4, %dot_general3A {dimension_numbers = #tpu.dot_dimension_numbers<[1], [0], [0], [1], [0, 0, 1, 1], [], []>, transpose_lhs_hint = false} : vector<4096x14xf32>, vector<14x50xf32>, vector<4096x50xf32> -> vector<4096x50xf32>
    %get3A_6 = arith.constant 0 : index
    %get3A_7 = arith.constant 0 : index
    %get3A_8 = vector.load %arg5[%get3A_6, %get3A_7] : memref<1x50xf32, #tpu.memory_space<vmem>>, vector<1x50xf32>
    %add3A = vector.broadcast %get3A_8 : vector<1x50xf32> to vector<4096x50xf32>
    %add3A_9 = arith.addf %dot_general3A_5, %add3A : vector<4096x50xf32>
    %max3A = arith.constant 0.000000e+00 : f32
    %max3A_10 = vector.broadcast %max3A : f32 to vector<4096x50xf32>
    %max3A_11 = arith.maximumf %add3A_9, %max3A_10 : vector<4096x50xf32>
    %get3A_12 = arith.constant 0 : index
    %get3A_13 = arith.constant 0 : index
    %get3A_14 = vector.load %arg1[%get3A_12, %get3A_13] : memref<4096x64xf32, #tpu.memory_space<vmem>>, vector<4096x64xf32>
    %get3A_15 = arith.constant 0 : index
    %get3A_16 = arith.constant 0 : index
    %get3A_17 = vector.load %arg3[%get3A_15, %get3A_16] : memref<64x50xf32, #tpu.memory_space<vmem>>, vector<64x50xf32>
    %dot_general3A_18 = arith.constant dense<0.000000e+00> : vector<4096x50xf32>
    %dot_general3A_19 = tpu.matmul %get3A_14, %get3A_17, %dot_general3A_18 {dimension_numbers = #tpu.dot_dimension_numbers<[1], [0], [0], [1], [0, 0, 1, 1], [], []>, transpose_lhs_hint = false} : vector<4096x64xf32>, vector<64x50xf32>, vector<4096x50xf32> -> vector<4096x50xf32>
    %get3A_20 = arith.constant 0 : index
    %get3A_21 = arith.constant 0 : index
    %get3A_22 = vector.load %arg6[%get3A_20, %get3A_21] : memref<50x50xf32, #tpu.memory_space<vmem>>, vector<50x50xf32>
    %dot_general3A_23 = arith.constant dense<0.000000e+00> : vector<4096x50xf32>
    %dot_general3A_24 = tpu.matmul %max3A_11, %get3A_22, %dot_general3A_23 {dimension_numbers = #tpu.dot_dimension_numbers<[1], [0], [0], [1], [0, 0, 1, 1], [], []>, transpose_lhs_hint = false} : vector<4096x50xf32>, vector<50x50xf32>, vector<4096x50xf32> -> vector<4096x50xf32>
    %add3A_25 = arith.addf %dot_general3A_19, %dot_general3A_24 : vector<4096x50xf32>
    %get3A_26 = arith.constant 0 : index
    %get3A_27 = arith.constant 0 : index
    %get3A_28 = vector.load %arg7[%get3A_26, %get3A_27] : memref<1x50xf32, #tpu.memory_space<vmem>>, vector<1x50xf32>
    %add3A_29 = vector.broadcast %get3A_28 : vector<1x50xf32> to vector<4096x50xf32>
    %add3A_30 = arith.addf %add3A_25, %add3A_29 : vector<4096x50xf32>
    %max3A_31 = arith.constant 0.000000e+00 : f32
    %max3A_32 = vector.broadcast %max3A_31 : f32 to vector<4096x50xf32>
    %max3A_33 = arith.maximumf %add3A_30, %max3A_32 : vector<4096x50xf32>
    %swap3A = arith.constant 0 : index
    %swap3A_34 = arith.constant 0 : index
    %swap3A_35 = vector.load %arg8[%swap3A, %swap3A_34] : memref<4096x50xf32, #tpu.memory_space<vmem>>, vector<4096x50xf32>
    tpu.vector_store %arg8[%swap3A, %swap3A_34], %max3A_33 {strides = array<i32>} : memref<4096x50xf32, #tpu.memory_space<vmem>>, vector<4096x50xf32>,
    return
  }
  func.func @transform_0(%arg0: i32) -> (i32, i32) {
    %c0_i32 = arith.constant 0 : i32
    %c0_i32_0 = arith.constant 0 : i32
    return %arg0, %c0_i32 : i32, i32
  }
  func.func @transform_1(%arg0: i32) -> (i32, i32) {
    %c0_i32 = arith.constant 0 : i32
    %c0_i32_0 = arith.constant 0 : i32
    return %arg0, %c0_i32 : i32, i32
  }
  func.func @transform_2(%arg0: i32) -> (i32, i32) {
    %c0_i32 = arith.constant 0 : i32
    %c0_i32_0 = arith.constant 0 : i32
    %c0_i32_1 = arith.constant 0 : i32
    return %c0_i32, %c0_i32_0 : i32, i32
  }
  func.func @transform_3(%arg0: i32) -> (i32, i32) {
    %c0_i32 = arith.constant 0 : i32
    %c0_i32_0 = arith.constant 0 : i32
    %c0_i32_1 = arith.constant 0 : i32
    return %c0_i32, %c0_i32_0 : i32, i32
  }
  func.func @transform_4(%arg0: i32) -> (i32, i32) {
    %c0_i32 = arith.constant 0 : i32
    %c0_i32_0 = arith.constant 0 : i32
    %c0_i32_1 = arith.constant 0 : i32
    return %c0_i32, %c0_i32_0 : i32, i32
  }
  func.func @transform_5(%arg0: i32) -> (i32, i32) {
    %c0_i32 = arith.constant 0 : i32
    %c0_i32_0 = arith.constant 0 : i32
    %c0_i32_1 = arith.constant 0 : i32
    return %c0_i32, %c0_i32_0 : i32, i32
  }
  func.func @transform_6(%arg0: i32) -> (i32, i32) {
    %c0_i32 = arith.constant 0 : i32
    %c0_i32_0 = arith.constant 0 : i32
    %c0_i32_1 = arith.constant 0 : i32
    return %c0_i32, %c0_i32_0 : i32, i32
  }
  func.func @transform_7(%arg0: i32) -> (i32, i32) {
    %c0_i32 = arith.constant 0 : i32
    %c0_i32_0 = arith.constant 0 : i32
    return %arg0, %c0_i32 : i32, i32
  }
}

</mosaic_0001>

<sc_bundles>
// kernel: _run.11.cloned.1.call-start
scs
__scs_entry_jumppad:
0x0: {  	(pc) =	sbr.rel $0x88, $3  }
0x1: {  	(tag) =	ssettag $0x0;
	lr =	simm.s32 $0x1  }
0x2: {  	[smem:$0x3F91] =	sst lr;
	_ =	strace $0xD0000000  }
0x3: {  	_ = 	snop  }
0x4: {  	_ = 	snop  }
0x5: {  	_ = 	snop  }
0x6: {  	_ = 	snop  }
0x7: {  	_ = 	snop  }
__scs_overlays_trampoline_lowered:
0x8: {  	[smem:$0x3FA0] =	sst s0  }
0x9: {  	[smem:$0x3FA1] =	sst s1  }
0xa: {  	[smem:$0x3FA2] =	sst s2  }
0xb: {  	[smem:$0x3FA3] =	sst s3  }
0xc: {  	[smem:$0x3FA4] =	sst s4  }
0xd: {  	[smem:$0x3FA5] =	sst s5  }
0xe: {  	[smem:$0x3FA6] =	sst s6  }
0xf: {  	[smem:$0x3FA7] =	sst s7  }
0x10: {  	[smem:$0x3FA8] =	sst s8  }
0x11: {  	[smem:$0x3FA9] =	sst s9;
	s0 =	simm.s32 @!p0 $0x0  }
0x12: {  	s1 =	sld [smem:$0x3F8F];
	s0 =	simm.s32 @p0 $0x1  }
0x13: {  	[smem:$0x3FAA] =	sst s0;
	s0 =	simm.s32 @!p1 $0x0  }
0x14: {  	s2 =	sld [smem:$0x3F8E];
	s0 =	simm.s32 @p1 $0x1  }
0x15: {  	[smem:$0x3FAB] =	sst s0;
	s0 =	simm.s32 @!p2 $0x0  }
0x16: {  	s3 =	sld [smem:$0x3FDB];
	s0 =	simm.s32 @p2 $0x1  }
0x17: {  	s4 =	simm.s32 $0x1BF5;
	[smem:$0x3FAD] =	sst s0  }
0x18: {  	s0 =	sld [smem:$0x3F90];
	_ =	swait.ge [sflag:s4], $0x0  }
0x19: {  	s7 =	sld [smem:$0x3F91]  }
0x1a: {  	s8 =	sadd.s32 $0xFFFFE003, lr  }
0x1b: {  	s9 =	sadd.s32 $0xFFFFFEF7, lr;
	s5 =	simm.s32 $0xFFFFFFFF;
	p2 =	slt.u32 s8, $0xFFFFF086  }
0x1c: {  	p1 =	slt.u32 s9, $0xF7A;
	s5 =	simm.s32 @!p2 $0x0  }
0x1d: {  	s5 =	simm.s32 @p1 $0x1;
	p0 =	seq.s32 s7, s2  }
0x1e: {  	s7 =	smul.u32 @!p0 $0xF7A, s2;
	p2 =	seq.s32 @!p0 s5, $0x0  }
0x1f: {  	s9 =	smul.u32 $0xF7A, s1;
	s8 =	simm.s32 @!p0 $0x1BF5;
	p2 =	por !p2, p0  }
0x20: {  	[sflag:s8] =	ssyncset.s32 @!p0 $0xFFFFF086;
	s6 =	sadd.s32 @!p0 s3, s7;
	s7 =	simm.s32 @!p0 $0x108  }
0x21: {  	s3 =	sadd.s32 s3, s9;
	s6 =	sadd.s32 @!p0 $0x88, s6;
	s7 =	simm.s32 @p2 $0x1082  }
0x22: {  	[simem:s7], [sflag:s8] =	dma.local @!p0 [hbm:s6], $0xF7A  }
0x23: {  	s9 =	sor.u32 $0xD0000000, s2;
	s6 =	simm.s32 $0x108;
	_ =	swait.ge @!p0 [sflag:s8], $0x0  }
0x24: {  	s3 =	sadd.s32 $0x88, s3;
	s6 =	simm.s32 @!p1 $0x1082;
	[sflag:s4] =	ssyncset.s32 $0xFFFFF086  }
0x25: {  	[simem:s6], [sflag:s4] =	dma.local [hbm:s3], $0xF7A  }
0x26: {  	[smem:$0x3F91] =	sst s1;
	(tag) =	ssettag s2;
	_ =	strace s9  }
0x27: {  	s1 =	sld [smem:$0x3FA1]  }
0x28: {  	s2 =	sld [smem:$0x3FA2]  }
0x29: {  	s4 =	sld [smem:$0x3FA4]  }
0x2a: {  	p0 =	seq.s32 s5, $0x0;
	s5 =	sld [smem:$0x3FA5]  }
0x2b: {  	s6 =	sld [smem:$0x3FA6]  }
0x2c: {  	s7 =	sld [smem:$0x3FA7]  }
0x2d: {  	s3 =	simm.s32 $0x108;
	s8 =	sld [smem:$0x3FA8]  }
0x2e: {  	s3 =	simm.s32 @!p0 $0x1082;
	s9 =	sld [smem:$0x3FA9]  }
0x2f: {  	lr =	sadd.s32 s0, s3;
	s0 =	sld [smem:$0x3FA0]  }
0x30: {  	s3 =	sld [smem:$0x3FA3]  }
0x31: {  	[smem:$0x3FAC] =	sst s10  }
0x32: {  	s10 =	sld [smem:$0x3FAA];
	_ =	sdelay $0x3  }
0x33: {  	p0 =	seq.s32 s10, $0x1;
	s10 =	sld [smem:$0x3FAC];
	_ =	sdelay $0x3  }
0x34: {  	[smem:$0x3FAC] =	sst s10  }
0x35: {  	s10 =	sld [smem:$0x3FAB];
	_ =	sdelay $0x3  }
0x36: {  	p1 =	seq.s32 s10, $0x1;
	s10 =	sld [smem:$0x3FAC];
	_ =	sdelay $0x3  }
0x37: {  	[smem:$0x3FAC] =	sst s10  }
0x38: {  	s10 =	sld [smem:$0x3FAD]  }
0x39: {  	_ = 	snop;
	(pc) =	sbr.ind lr, $3  }
0x3a: {  	_ = 	snop  }
0x3b: {  	_ = 	snop  }
0x3c: {  	p2 =	seq.s32 s10, $0x1;
	s10 =	sld [smem:$0x3FAC]  }
0x3d: {  	_ =	shalt  }
0x3e: {  	_ =	shalt  }
0x3f: {  	_ =	shalt  }
0x40: {  	_ =	shalt  }
0x41: {  	_ =	shalt  }
0x42: {  	_ =	shalt  }
0x43: {  	_ =	shalt  }
0x44: {  	_ =	shalt  }
0x45: {  	_ =	shalt  }
0x46: {  	_ =	shalt  }
0x47: {  	_ =	shalt  }
0x48: {  	_ =	shalt  }
0x49: {  	_ =	shalt  }
0x4a: {  	_ =	shalt  }
0x4b: {  	_ =	shalt  }
0x4c: {  	_ =	shalt  }
0x4d: {  	_ =	shalt  }
0x4e: {  	_ =	shalt  }
0x4f: {  	_ =	shalt  }
0x50: {  	_ =	shalt  }
0x51: {  	_ =	shalt  }
0x52: {  	_ =	shalt  }
0x53: {  	_ =	shalt  }
0x54: {  	_ =	shalt  }
0x55: {  	_ =	shalt  }
0x56: {  	_ =	shalt  }
0x57: {  	_ =	shalt  }
0x58: {  	_ =	shalt  }
0x59: {  	_ =	shalt  }
0x5a: {  	_ =	shalt  }
0x5b: {  	_ =	shalt  }
0x5c: {  	_ =	shalt  }
0x5d: {  	_ =	shalt  }
0x5e: {  	_ =	shalt  }
0x5f: {  	_ =	shalt  }
0x60: {  	_ =	shalt  }
0x61: {  	_ =	shalt  }
0x62: {  	_ =	shalt  }
0x63: {  	_ =	shalt  }
0x64: {  	_ =	shalt  }
0x65: {  	_ =	shalt  }
0x66: {  	_ =	shalt  }
0x67: {  	_ =	shalt  }
0x68: {  	_ =	shalt  }
0x69: {  	_ =	shalt  }
0x6a: {  	_ =	shalt  }
0x6b: {  	_ =	shalt  }
0x6c: {  	_ =	shalt  }
0x6d: {  	_ =	shalt  }
0x6e: {  	_ =	shalt  }
0x6f: {  	_ =	shalt  }
0x70: {  	_ =	shalt  }
0x71: {  	_ =	shalt  }
0x72: {  	_ =	shalt  }
0x73: {  	_ =	shalt  }
0x74: {  	_ =	shalt  }
0x75: {  	_ =	shalt  }
0x76: {  	_ =	shalt  }
0x77: {  	_ =	shalt  }
0x78: {  	_ =	shalt  }
0x79: {  	_ =	shalt  }
0x7a: {  	_ =	shalt  }
0x7b: {  	_ =	shalt  }
0x7c: {  	_ =	shalt  }
0x7d: {  	_ =	shalt  }
0x7e: {  	_ =	shalt  }
0x7f: {  	_ =	shalt  }
0x80: {  	_ =	shalt  }
0x81: {  	_ =	shalt  }
0x82: {  	_ =	shalt  }
0x83: {  	_ =	shalt  }
0x84: {  	_ =	shalt  }
0x85: {  	_ =	shalt  }
0x86: {  	_ =	shalt  }
0x87: {  	_ =	shalt  }
.Lfunc_end0:
.L_simem_size_0:
called_computation.1_lowered:
.L_overlay_start_0:
0x88: {  	s2 =	sld [smem:$0x3FD9]  }
0x89: {  	s3 =	sld [smem:$0x3FFE];
	_ =	sdelay $0x1  }
0x8a: {  	s1 =	srdreg.scid  }
0x8b: {  	s0 =	sand.u32 $0x1, s1  }
0x8c: {  	s17 =	sshll.u32 s0, $0xA;
	s2 =	sadd.s32 s3, s2  }
0x8d: {  	s2 =	sadd.s32 s2, s17  }
0x8e: {  	[smem:$0x3FB8] =	sst s2  }
0x8f: {  	_ = 	snop  }
0x90: {  	(tm) =	ssettm $0x1  }
0x91: {  	s18 =	sld [smem:$0x3FFB];
	_ =	sdelay $0x3  }
0x92: {  	_ =	strace s18  }
0x93: {  	s2 =	sld [smem:$0x3FFC];
	_ =	sdelay $0x3  }
0x94: {  	_ =	strace s2  }
0x95: {  	s2 =	sld [smem:$0x3FFD];
	_ =	sdelay $0x3  }
0x96: {  	_ =	strace s2  }
0x97: {  	_ =	strace $0x8FFFFFFF  }
0x98: {  	s19 =	sld [smem:$0x3FDB];
	_ =	sdelay $0x1  }
0x99: {  	s20 =	simm.s32 $_scs_section_size  }
0x9a: {  	s4 =	simm.s32 $_size__tile_overlayer_lowered;
	s5 =	simm.s32 $_tile_overlayer_lowered  }
0x9b: {  	s6 =	simm.s32 $0x1BFF;
	s21 =	sshll.u32 s5, $0x1;
	s3 =	sadd.s32 s20, s19  }
0x9c: {  	s22 =	simm.s32 $0x0;
	s4 =	sshll.u32 s4, $0x1;
	s5 =	sadd.s32 s21, s3  }
0x9d: {  	[timem:s22], [sflag:s6] =	dma.local [hbm:s5], s4  }
0x9e: {  	_ =	swait.ge [sflag:s6], s4  }
0x9f: {  	s4 =	ssub.s32 $0x0, s4;
	[sflag:s6] =	ssyncset.done $0x0  }
0xa0: {  	[sflag:s6] =	ssyncadd.s32 s4;
	_ =	sdelay $0x1  }
0xa1: {  	s23 =	simm.s32 $0x1B8B  }
0xa2: {  	_ =	swait.ge [sflag:s23], $0x1  }
0xa3: {  	[sflag:s23] =	ssyncset.done $0x0  }
0xa4: {  	[sflag:s23] =	ssyncadd.s32 $0xFFFFFFFF  }
0xa5: {  	s4 =	sld [smem:$0x0]  }
0xa6: {  	s5 =	sand.u32 $0xFFFFFFFE, s1  }
0xa7: {  	p0 =	sne.s32 s1, s5  }
0xa8: {  	s5 =	sshll.u32 @p0 s5, $0xE  }
0xa9: {  	s5 =	sadd.s32 @p0 $0x11B8D, s5;
	s6 =	sshll.u32 @p0 s4, $0x11  }
0xaa: {  	s5 =	sor.u32 @p0 s6, s5  }
0xab: {  	[sflag:s5] =	ssyncadd.remote.s32 @p0 $0x1;
	_ =	sdelay $0x1  }
0xac: {  	s5 =	simm.s32 @p0 $0x1B8D  }
0xad: {  	_ =	swait.eq @p0 [sflag:s5], $0x1  }
0xae: {  	[sflag:s5] =	ssyncadd.s32 @p0 $0xFFFFFFFF  }
0xaf: {  	s6 =	sshll.u32 @!p0 s1, $0xE  }
0xb0: {  	s6 =	sor.u32 @!p0 $0x4000, s6;
	s5 =	simm.s32 @!p0 $0x1B8D  }
0xb1: {  	s4 =	sshll.u32 @!p0 s4, $0x11;
	s6 =	sadd.s32 @!p0 $0x11B8D, s6;
	_ =	swait.eq @!p0 [sflag:s5], $0x1  }
0xb2: {  	s4 =	sor.u32 @!p0 s4, s6;
	[sflag:s5] =	ssyncadd.s32 @!p0 $0xFFFFFFFF  }
0xb3: {  	s25 =	simm.s32 $0x1B8E;
	s24 =	sld [smem:$0x3FFE];
	[sflag:s4] =	ssyncadd.remote.s32 @!p0 $0x1  }
0xb4: {  	s26 =	simm.s32 $execute0_lowered;
	[smem:$0x3FD2] =	sst s25  }
0xb5: {  	s5 =	sshll.u32 s26, $0x1;
	_ =	strace $0x80000049;
	[dreg:$0x1] =	wrdreg $0xFFFFFFFF  }
0xb6: {  	s28 =	simm.s32 $_size_execute0_lowered;
	s3 =	sadd.s32 s3, s5;
	[dreg:$0x0] =	wrdreg $0x0  }
0xb7: {  	s5 =	sshll.u32 s28, $0x1;
	[dreg:$0x2] =	wrdreg s3  }
0xb8: {  	[dreg:$0x3] =	wrdreg s5  }
0xb9: {  	[dreg:$0x4] =	wrdreg $0xC0  }
0xba: {  	_ =	task [dreg:s22], $0x5FFFF  }
0xbb: {  	[dreg:$0x1] =	wrdreg $0xFFFFFFFF  }
0xbc: {  	[dreg:$0x0] =	wrdreg $0x60  }
0xbd: {  	[dreg:$0x2] =	wrdreg s24  }
0xbe: {  	[dreg:$0x3] =	wrdreg $0xA  }
0xbf: {  	_ =	task.clear_ibuf [dreg:s22], $0x4FFFF;
	_ =	strace $0x90000049  }
0xc0: {  	s29 =	simm.s32 $0xA;
	_ =	strace $0x8000004B  }
0xc1: {  	_ =	swait.ge [sflag:s29], $0x1  }
0xc2: {  	[sflag:s29] =	ssyncadd.s32 $0xFFFFFFFF  }
0xc3: {  	_ =	strace $0x9000004B  }
0xc4: {  	_ =	sfence  }
0xc5: {  	s30 =	sld [smem:$0x0];
	_ =	sdelay $0x2  }
0xc6: {  	s31 =	sshll.u32 s1, $0xD;
	s1 =	sshrl.u32 s1, $0x2  }
0xc7: {  	s4 =	sand.u32 $0x4000, s31;
	s1 =	sadd.s32 s1, s30  }
0xc8: {  	s0 =	sor.u32 s4, s0;
	s1 =	sshll.u32 s1, $0x11  }
0xc9: {  	s0 =	sor.u32 s1, s0  }
0xca: {  	s0 =	sadd.s32 $0x8F2B, s0  }
0xcb: {  	[sflag:s0] =	ssyncadd.remote.s32 $0x1  }
0xcc: {  	_ =	sfence.sel $0xFFFF  }
0xcd: {  	[dreg:$0x0] =	wrdreg $0xFFFFFFFF;
	(pc) =	sbr.abs _section_cstart, $3  }
0xce: {  	[dreg:$0x1] =	wrdreg $0xFFFFFFFF  }
0xcf: {  	_ =	task.clear_ibuf [dreg:s22], $0x2FFFF;
	_ =	strace $0x9FFFFFFF  }
0xd0: {  	(tm) =	ssettm $0x7FFFFFFF  }
0xd1: {  	_ =	shalt  }
tec
execute0_lowered:
.L_overlay_start_1:
0x0: {  	(tag) =	ssettag $0x1  }
0x1: {  	s7 =	rddreg [dreg:$0x0];
	s2 =	simm.s32 $0x0;
	s3 =	srdreg.scid  }
0x2: {  	s1 =	stileid.u32;
	s14 =	simm.s32 $0x3;
	s15 =	simm.s32 $0x80  }
0x3: {  	s16 =	simm.s32 $0x100;
	s17 =	simm.s32 $0x4100;
	s18 =	simm.s32 $0x8100  }
0x4: {  	s19 =	simm.s32 $0x4;
	s20 =	simm.s32 $0x8180;
	s21 =	simm.s32 $0x8200  }
0x5: {  	s22 =	simm.s32 $0xC200;
	s23 =	simm.s32 $0x1;
	s24 =	simm.s32 $0x10200  }
0x6: {  	s25 =	simm.s32 $0x2;
	s6 =	sand.u32 $0x1, s3;
	s31 =	sshll.u32 s1, $0x1  }
0x7: {  	s26 =	simm.s32 $0x0;
	s3 =	sadd.s32 $0x196A800, s7;
	s11 =	sor.u32 s6, s31  }
0x8: {  	[smem:$0x7FF] =	sst s2;
	s5 =	sadd.s32 $0x188EA00, s7;
	s10 =	smul.u32 $0x6200, s11  }
.Ltmp0:
0x9: {  	s4 =	sadd.s32 $0x1876000, s7;
	_ =	strace $0x8000004A;
	(pc) =	sbr.rel .LBB2_1-.Ltmp0, $4  }
0xa: {  	s8 =	ssub.s32 $0x2, s6;
	s6 =	sadd.s32 $0x1876200, s7;
	s7 =	sadd.s32 $0x1A2DE00, s7  }
0xb: {  	s9 =	sshrl.u32 s8, $0x1;
	s11 =	smul.u32 $0x310000, s11;
	s12 =	sshrl.u32 s10, $0x3  }
0xc: {  	s13 =	ssub.s32 s8, s9;
	s10 =	sor.u32 $0x80, s10;
	s8 =	sadd.s32 s5, s12  }
0xd: {  	s9 =	sadd.s32 s6, s12;
	s12 =	smax.u32 s13, $0x1;
	s13 =	simm.s32 $0x14200  }
.LBB2_12:
0xe: {  	s26 =	sadd.s32 $0x1, s26  }
0xf: {  	p0 =	sne.s32 s26, s12  }
.Ltmp1:
0x10: {  	_ = 	snop;
	(pc) =	sbr.rel @!p0 .LBB2_13-.Ltmp1, $1  }
0x11: {  	_ =	sdelay $0x3  }
.LBB2_1:
0x12: {  	[tilespmem:s13], [sflag:$0x3] =	stream.linear.gather [hbm4b:s4+s2], $0x80, $0x38;
	[tilespmem:$0x14280] =	vst v63  }
0x13: {  	_ =	swait.ge [sflag:s14], $0x80  }
0x14: {  	[sflag:s14] =	ssyncset.done $0x0  }
0x15: {  	[sflag:s14] =	ssyncadd.s32 $0xFFFFFF80  }
0x16: {  	[tilespmem:s2], [sflag:$0x3] =	stream.linear.gather [hbm4b:s8+s2], $0x80, $0x38;
	[tilespmem:$0x14280] =	vst v63  }
0x17: {  	_ =	swait.ge [sflag:s14], $0x80  }
0x18: {  	[sflag:s14] =	ssyncset.done $0x0  }
0x19: {  	[sflag:s14] =	ssyncadd.s32 $0xFFFFFF80  }
0x1a: {  	[tilespmem:s15], [sflag:$0x3] =	stream.linear.gather [hbm4b:s9+s2], $0x80, $0x38;
	[tilespmem:$0x14280] =	vst v63  }
0x1b: {  	_ =	swait.ge [sflag:s14], $0x80  }
.Ltmp2:
0x1c: {  	[sflag:s14] =	ssyncset.done $0x0;
	(pc) =	sbr.rel .LBB2_2-.Ltmp2, $4  }
0x1d: {  	[sflag:s14] =	ssyncadd.s32 $0xFFFFFF80  }
0x1e: {  	[tilespmem:s16], [sflag:$0x1] =	stream.indirect.gather [hbm4b:s3+s15], $0x80, s2, s15, $0xb8;
	[tilespmem:$0x14280] =	vst v63  }
0x1f: {  	s28 =	simm.s32 $0x0  }
0x20: {  	[tilespmem:s17], [sflag:$0x1] =	stream.indirect.gather [hbm4b:s3+s15], $0x80, s15, s15, $0xb8;
	[tilespmem:$0x14280] =	vst v63  }
.LBB2_4:
0x21: {  	s31 =	simm.s32 $0x0  }
.LBB2_7:
0x22: {  	v4 =	vld [tilespmem:s31+$0x140]  }
0x23: {  	[tilespmem:s29+$0x10230] =	vst @p0 v3  }
0x24: {  	v3 =	vld [tilespmem:$0x14200];
	_ =	sdelay $0x2  }
0x25: {  	v0 =	vadd.f32 v1, v0;
	v50 =	vadd.f32 v4, v2;
	_ =	sdelay $0x1  }
0x26: {  	v0 =	vadd.f32 v0, v3;
	v1 =	vadd.f32 v50, v3  }
0x27: {  	v51 =	vld [tilespmem:s31+$0x110]  }
0x28: {  	v52 =	vld [tilespmem:s31+$0x4150];
	v0 =	vmax.f32 v0, $0.0e+00;
	v1 =	vmax.f32 v1, $0.0e+00  }
0x29: {  	v53 =	vld [tilespmem:s31+$0x4110];
	v0 =	vadd.f32 v1, v0  }
0x2a: {  	v54 =	vld [tilespmem:s31+$0x150]  }
0x2b: {  	[tilespmem:s31+$0x10200] =	vst v0  }
0x2c: {  	v0 =	vld [tilespmem:$0x14210];
	_ =	sdelay $0x2  }
0x2d: {  	v2 =	vadd.f32 v52, v51;
	v1 =	vadd.f32 v54, v53;
	_ =	sdelay $0x1  }
0x2e: {  	v2 =	vadd.f32 v2, v0;
	v0 =	vadd.f32 v1, v0  }
0x2f: {  	v55 =	vld [tilespmem:s31+$0x120]  }
0x30: {  	v56 =	vld [tilespmem:s31+$0x4160];
	v2 =	vmax.f32 v2, $0.0e+00;
	v0 =	vmax.f32 v0, $0.0e+00  }
0x31: {  	v57 =	vld [tilespmem:s31+$0x4120];
	v0 =	vadd.f32 v0, v2  }
0x32: {  	v58 =	vld [tilespmem:s31+$0x160]  }
0x33: {  	[tilespmem:s31+$0x10210] =	vst v0  }
0x34: {  	v0 =	vld [tilespmem:$0x14220];
	_ =	sdelay $0x2  }
0x35: {  	v1 =	vadd.f32 v56, v55;
	v2 =	vadd.f32 v58, v57;
	_ =	sdelay $0x1  }
0x36: {  	v1 =	vadd.f32 v1, v0;
	v0 =	vadd.f32 v2, v0  }
0x37: {  	v59 =	vld [tilespmem:s31+$0x130]  }
0x38: {  	v60 =	vld [tilespmem:s31+$0x4170];
	v1 =	vmax.f32 v1, $0.0e+00;
	v0 =	vmax.f32 v0, $0.0e+00  }
0x39: {  	v61 =	vld [tilespmem:s31+$0x4130];
	v0 =	vadd.f32 v0, v1  }
0x3a: {  	v62 =	vld [tilespmem:s31+$0x170]  }
0x3b: {  	[tilespmem:s31+$0x10220] =	vst v0  }
0x3c: {  	v0 =	vld [tilespmem:$0x14230];
	_ =	sdelay $0x2  }
0x3d: {  	v2 =	vadd.f32 v60, v59;
	v1 =	vadd.f32 v62, v61;
	_ =	sdelay $0x1  }
0x3e: {  	v2 =	vadd.f32 v2, v0;
	v0 =	vadd.f32 v1, v0;
	_ =	sdelay $0x1  }
0x3f: {  	v63 =	vmax.f32 v2, $0.0e+00;
	v0 =	vmax.f32 v0, $0.0e+00  }
0x40: {  	v0 =	vadd.f32 v0, v63;
	_ =	sdelay $0x1  }
0x41: {  	s29 =	simm.s32 $0x4;
	[tilespmem:s31+$0x10230] =	vst v0  }
.LBB2_11:
0x42: {  	s0 =	sshll.u32 s28, $0xE  }
0x43: {  	s28 =	sadd.s32 $0x1, s28;
	s0 =	sadd.s32 s11, s0  }
0x44: {  	p0 =	sne.s32 s28, $0xC4;
	s0 =	sshrl.u32 s0, $0x3  }
.Ltmp3:
0x45: {  	s0 =	sadd.s32 s7, s0;
	(pc) =	sbr.rel @!p0 .LBB2_12-.Ltmp3, $4  }
0x46: {  	[hbm4b:s0+s2] =	stream.linear.scatter [tilespmem:s24], [sflag:s29], $0x4000, $0x38;
	[tilespmem:$0x14280] =	vst v63  }
0x47: {  	_ =	swait.ge [sflag:s29], $0x4000  }
0x48: {  	[sflag:s29] =	ssyncset.done $0x0  }
0x49: {  	[sflag:s29] =	ssyncadd.s32 $0xFFFFC000  }
.LBB2_2:
0x4a: {  	s29 =	sand.u32 $0x1, s28  }
0x4b: {  	p0 =	seq.s32 s29, $0x1  }
.Ltmp4:
0x4c: {  	_ = 	snop;
	(pc) =	sbr.rel @p0 .LBB2_8-.Ltmp4, $1  }
0x4d: {  	_ =	sdelay $0x3  }
0x4e: {  	s29 =	sshll.u32 s28, $0x7  }
0x4f: {  	s29 =	sadd.s32 s29, s10  }
0x50: {  	s29 =	sshrl.u32 s29, $0x3  }
0x51: {  	s31 =	simm.s32 $0x0;
	s30 =	sadd.s32 s5, s29  }
0x52: {  	[tilespmem:s18], [sflag:$0x4] =	stream.linear.gather [hbm4b:s30+s31], $0x80, $0x38;
	[tilespmem:$0x14280] =	vst v63  }
0x53: {  	_ =	swait.ge [sflag:s19], $0x80  }
0x54: {  	[sflag:s19] =	ssyncset.done $0x0  }
0x55: {  	s29 =	sadd.s32 s6, s29;
	[sflag:s19] =	ssyncadd.s32 $0xFFFFFF80  }
0x56: {  	[tilespmem:s20], [sflag:$0x4] =	stream.linear.gather [hbm4b:s29+s31], $0x80, $0x38;
	[tilespmem:$0x14280] =	vst v63  }
0x57: {  	_ =	swait.ge [sflag:s19], $0x80  }
0x58: {  	[sflag:s19] =	ssyncset.done $0x0  }
0x59: {  	[sflag:s19] =	ssyncadd.s32 $0xFFFFFF80  }
0x5a: {  	[tilespmem:s21], [sflag:$0x2] =	stream.indirect.gather [hbm4b:s3+s15], $0x80, s18, s15, $0xb8;
	[tilespmem:$0x14280] =	vst v63  }
0x5b: {  	_ = 	snop  }
0x5c: {  	[tilespmem:s22], [sflag:$0x2] =	stream.indirect.gather [hbm4b:s3+s15], $0x80, s20, s15, $0xb8;
	[tilespmem:$0x14280] =	vst v63  }
0x5d: {  	_ =	swait.ge [sflag:s23], $0x4000  }
0x5e: {  	[sflag:s23] =	ssyncset.done $0x0  }
0x5f: {  	[sflag:s23] =	ssyncadd.s32 $0xFFFFC000  }
0x60: {  	p1 =	por $0x0, $0x0;
	_ =	swait.ge [sflag:s23], $0x4000  }
.Ltmp5:
0x61: {  	[sflag:s23] =	ssyncset.done $0x0;
	(pc) =	sbr.rel @p1 .LBB2_4-.Ltmp5, $4  }
0x62: {  	s29 =	simm.s32 $0x0;
	[sflag:s23] =	ssyncadd.s32 $0xFFFFC000  }
0x63: {  	v0 =	vld [tilespmem:s29+$0x100]  }
0x64: {  	v1 =	vld [tilespmem:s29+$0x4140]  }
0x65: {  	p0 =	por $0x0, $0x0;
	v2 =	vld [tilespmem:s29+$0x4100]  }
0x66: {  	v3 =	vld [tilespmem:s29+$0x140];
	_ =	sdelay $0x1  }
0x67: {  	v4 =	vld [tilespmem:$0x14200];
	_ =	sdelay $0x2  }
0x68: {  	v0 =	vadd.f32 v1, v0;
	v1 =	vadd.f32 v3, v2;
	_ =	sdelay $0x1  }
0x69: {  	v0 =	vadd.f32 v0, v4;
	v1 =	vadd.f32 v1, v4  }
0x6a: {  	v2 =	vld [tilespmem:s29+$0x110]  }
0x6b: {  	v3 =	vld [tilespmem:s29+$0x4150];
	v0 =	vmax.f32 v0, $0.0e+00;
	v1 =	vmax.f32 v1, $0.0e+00  }
0x6c: {  	v4 =	vld [tilespmem:s29+$0x150];
	v0 =	vadd.f32 v1, v0  }
0x6d: {  	v1 =	vld [tilespmem:s29+$0x4110]  }
0x6e: {  	[tilespmem:s29+$0x10200] =	vst v0  }
0x6f: {  	v0 =	vld [tilespmem:$0x14210];
	_ =	sdelay $0x2  }
0x70: {  	v2 =	vadd.f32 v3, v2;
	v1 =	vadd.f32 v4, v1;
	_ =	sdelay $0x1  }
0x71: {  	v2 =	vadd.f32 v2, v0;
	v0 =	vadd.f32 v1, v0  }
0x72: {  	v3 =	vld [tilespmem:s29+$0x4160]  }
0x73: {  	v4 =	vld [tilespmem:s29+$0x160];
	v2 =	vmax.f32 v2, $0.0e+00;
	v0 =	vmax.f32 v0, $0.0e+00  }
0x74: {  	v1 =	vld [tilespmem:s29+$0x120];
	v0 =	vadd.f32 v0, v2  }
0x75: {  	v2 =	vld [tilespmem:s29+$0x4120]  }
0x76: {  	[tilespmem:s29+$0x10210] =	vst v0  }
0x77: {  	v0 =	vld [tilespmem:$0x14220];
	_ =	sdelay $0x2  }
0x78: {  	v1 =	vadd.f32 v3, v1;
	v2 =	vadd.f32 v4, v2;
	_ =	sdelay $0x1  }
0x79: {  	v1 =	vadd.f32 v1, v0;
	v0 =	vadd.f32 v2, v0  }
0x7a: {  	v3 =	vld [tilespmem:s29+$0x4170]  }
0x7b: {  	v4 =	vld [tilespmem:s29+$0x170];
	v1 =	vmax.f32 v1, $0.0e+00;
	v0 =	vmax.f32 v0, $0.0e+00  }
0x7c: {  	v2 =	vld [tilespmem:s29+$0x130];
	v0 =	vadd.f32 v0, v1  }
0x7d: {  	v1 =	vld [tilespmem:s29+$0x4130]  }
0x7e: {  	[tilespmem:s29+$0x10220] =	vst v0  }
0x7f: {  	v0 =	vld [tilespmem:$0x14230];
	_ =	sdelay $0x2  }
0x80: {  	p1 =	por $0x0, $0x0;
	v2 =	vadd.f32 v3, v2;
	v1 =	vadd.f32 v4, v1  }
.Ltmp6:
0x81: {  	_ = 	snop;
	(pc) =	sbr.rel @p1 .LBB2_7-.Ltmp6, $4  }
0x82: {  	s31 =	simm.s32 $0x80;
	v2 =	vadd.f32 v2, v0;
	v3 =	vadd.f32 v1, v0  }
0x83: {  	v0 =	vld [tilespmem:s31+$0x100]  }
0x84: {  	v1 =	vld [tilespmem:s31+$0x4140];
	v4 =	vmax.f32 v2, $0.0e+00;
	v3 =	vmax.f32 v3, $0.0e+00  }
0x85: {  	s30 =	simm.s32 $0x400;
	p0 =	por $0x1, $0x1;
	v2 =	vld [tilespmem:s31+$0x4100];
	v3 =	vadd.f32 v3, v4  }
.LBB2_6:
0x86: {  	p1 =	seq.s32 s30, $0xFE00;
	v4 =	vld [tilespmem:s31+$0x140]  }
0x87: {  	[tilespmem:s29+$0x10230] =	vst v3;
	s29 =	smov.u32 s31  }
0x88: {  	v3 =	vld [tilespmem:$0x14200];
	_ =	sdelay $0x2  }
0x89: {  	v0 =	vadd.f32 v1, v0;
	v1 =	vadd.f32 v4, v2;
	_ =	sdelay $0x1  }
0x8a: {  	v0 =	vadd.f32 v0, v3;
	v1 =	vadd.f32 v1, v3  }
0x8b: {  	v2 =	vld [tilespmem:s29+$0x110]  }
0x8c: {  	v0 =	vmax.f32 v0, $0.0e+00;
	v1 =	vmax.f32 v1, $0.0e+00;
	v3 =	vld [tilespmem:s29+$0x4150]  }
0x8d: {  	v0 =	vadd.f32 v1, v0;
	v1 =	vld [tilespmem:s29+$0x4110]  }
0x8e: {  	v4 =	vld [tilespmem:s29+$0x150]  }
0x8f: {  	[tilespmem:s29+$0x10200] =	vst v0  }
0x90: {  	v0 =	vld [tilespmem:$0x14210];
	_ =	sdelay $0x2  }
0x91: {  	v2 =	vadd.f32 v3, v2;
	v1 =	vadd.f32 v4, v1;
	_ =	sdelay $0x1  }
0x92: {  	v2 =	vadd.f32 v2, v0;
	v0 =	vadd.f32 v1, v0  }
0x93: {  	v1 =	vld [tilespmem:s29+$0x120]  }
0x94: {  	v2 =	vmax.f32 v2, $0.0e+00;
	v0 =	vmax.f32 v0, $0.0e+00;
	v3 =	vld [tilespmem:s29+$0x4160]  }
0x95: {  	v0 =	vadd.f32 v0, v2;
	v2 =	vld [tilespmem:s29+$0x4120]  }
0x96: {  	v4 =	vld [tilespmem:s29+$0x160]  }
0x97: {  	[tilespmem:s29+$0x10210] =	vst v0  }
0x98: {  	v0 =	vld [tilespmem:$0x14220];
	_ =	sdelay $0x2  }
0x99: {  	v1 =	vadd.f32 v3, v1;
	v2 =	vadd.f32 v4, v2;
	_ =	sdelay $0x1  }
0x9a: {  	v1 =	vadd.f32 v1, v0;
	v0 =	vadd.f32 v2, v0  }
0x9b: {  	v2 =	vld [tilespmem:s29+$0x130]  }
0x9c: {  	v1 =	vmax.f32 v1, $0.0e+00;
	v0 =	vmax.f32 v0, $0.0e+00;
	v3 =	vld [tilespmem:s29+$0x4170]  }
0x9d: {  	v0 =	vadd.f32 v0, v1;
	v1 =	vld [tilespmem:s29+$0x4130]  }
0x9e: {  	v4 =	vld [tilespmem:s29+$0x170]  }
0x9f: {  	[tilespmem:s29+$0x10220] =	vst v0  }
0xa0: {  	v0 =	vld [tilespmem:$0x14230];
	_ =	sdelay $0x2  }
0xa1: {  	v2 =	vadd.f32 v3, v2;
	v1 =	vadd.f32 v4, v1  }
.Ltmp7:
0xa2: {  	(pc) =	sbr.rel @!p1 .LBB2_6-.Ltmp7, $4  }
0xa3: {  	s31 =	sshra.s32 s30, $0x2;
	v2 =	vadd.f32 v2, v0;
	v3 =	vadd.f32 v1, v0  }
0xa4: {  	v0 =	vld [tilespmem:s31+$0x100]  }
0xa5: {  	v1 =	vld [tilespmem:s31+$0x4140];
	v4 =	vmax.f32 v2, $0.0e+00;
	v3 =	vmax.f32 v3, $0.0e+00  }
0xa6: {  	s30 =	sadd.s32 $0x200, s30;
	v2 =	vld [tilespmem:s31+$0x4100];
	v3 =	vadd.f32 v3, v4  }
.Ltmp8:
0xa7: {  	_ = 	snop;
	(pc) =	sbr.rel .LBB2_7-.Ltmp8, $1  }
0xa8: {  	_ =	sdelay $0x3  }
.LBB2_8:
0xa9: {  	p0 =	seq.s32 s28, $0xC3  }
0xaa: {  	s29 =	sshll.u32 @!p0 s28, $0x7  }
0xab: {  	s29 =	sadd.s32 @!p0 s29, s10  }
0xac: {  	s29 =	sshrl.u32 @!p0 s29, $0x3  }
0xad: {  	s31 =	simm.s32 @!p0 $0x0;
	s30 =	sadd.s32 @!p0 s5, s29  }
0xae: {  	[tilespmem:s31], [sflag:$0x4] =	stream.linear.gather @!p0 [hbm4b:s30+s31], $0x80, $0x38;
	[tilespmem:$0x14280] =	vst v63  }
0xaf: {  	s30 =	simm.s32 @!p0 $0x4  }
0xb0: {  	_ =	swait.ge @!p0 [sflag:s30], $0x80  }
0xb1: {  	[sflag:s30] =	ssyncset.done @!p0 $0x0  }
0xb2: {  	s0 =	simm.s32 @!p0 $0x80;
	s29 =	sadd.s32 @!p0 s6, s29;
	[sflag:s30] =	ssyncadd.s32 @!p0 $0xFFFFFF80  }
0xb3: {  	[tilespmem:s0], [sflag:$0x4] =	stream.linear.gather @!p0 [hbm4b:s29+s31], $0x80, $0x38;
	[tilespmem:$0x14280] =	vst v63  }
0xb4: {  	_ =	swait.ge @!p0 [sflag:s30], $0x80  }
0xb5: {  	[sflag:s30] =	ssyncset.done @!p0 $0x0  }
0xb6: {  	s29 =	simm.s32 @!p0 $0x100;
	[sflag:s30] =	ssyncadd.s32 @!p0 $0xFFFFFF80  }
0xb7: {  	[tilespmem:s29], [sflag:$0x1] =	stream.indirect.gather @!p0 [hbm4b:s3+s0], $0x80, s31, s0, $0xb8;
	[tilespmem:$0x14280] =	vst v63  }
0xb8: {  	s29 =	simm.s32 @!p0 $0x4100  }
0xb9: {  	[tilespmem:s29], [sflag:$0x1] =	stream.indirect.gather @!p0 [hbm4b:s3+s0], $0x80, s0, s0, $0xb8;
	[tilespmem:$0x14280] =	vst v63  }
0xba: {  	_ =	swait.ge [sflag:s25], $0x4000  }
0xbb: {  	[sflag:s25] =	ssyncset.done $0x0  }
0xbc: {  	[sflag:s25] =	ssyncadd.s32 $0xFFFFC000  }
0xbd: {  	_ =	swait.ge [sflag:s25], $0x4000  }
0xbe: {  	[sflag:s25] =	ssyncset.done $0x0  }
0xbf: {  	s29 =	simm.s32 $0x0;
	[sflag:s25] =	ssyncadd.s32 $0xFFFFC000  }
0xc0: {  	v0 =	vld [tilespmem:s29+$0x8200]  }
0xc1: {  	v1 =	vld [tilespmem:s29+$0xC240]  }
0xc2: {  	v2 =	vld [tilespmem:s29+$0xC200]  }
0xc3: {  	v3 =	vld [tilespmem:s29+$0x8240];
	_ =	sdelay $0x1  }
0xc4: {  	v4 =	vld [tilespmem:$0x14200];
	_ =	sdelay $0x2  }
0xc5: {  	v0 =	vadd.f32 v1, v0;
	v1 =	vadd.f32 v3, v2;
	_ =	sdelay $0x1  }
0xc6: {  	v0 =	vadd.f32 v0, v4;
	v1 =	vadd.f32 v1, v4  }
0xc7: {  	v2 =	vld [tilespmem:s29+$0x8210]  }
0xc8: {  	v3 =	vld [tilespmem:s29+$0xC250];
	v0 =	vmax.f32 v0, $0.0e+00;
	v1 =	vmax.f32 v1, $0.0e+00  }
0xc9: {  	v4 =	vld [tilespmem:s29+$0x8250];
	v0 =	vadd.f32 v1, v0  }
0xca: {  	v1 =	vld [tilespmem:s29+$0xC210]  }
0xcb: {  	[tilespmem:s29+$0x10200] =	vst v0  }
0xcc: {  	v0 =	vld [tilespmem:$0x14210];
	_ =	sdelay $0x2  }
0xcd: {  	v2 =	vadd.f32 v3, v2;
	v1 =	vadd.f32 v4, v1;
	_ =	sdelay $0x1  }
0xce: {  	v2 =	vadd.f32 v2, v0;
	v0 =	vadd.f32 v1, v0  }
0xcf: {  	v3 =	vld [tilespmem:s29+$0xC260]  }
0xd0: {  	v4 =	vld [tilespmem:s29+$0x8260];
	v2 =	vmax.f32 v2, $0.0e+00;
	v0 =	vmax.f32 v0, $0.0e+00  }
0xd1: {  	v1 =	vld [tilespmem:s29+$0x8220];
	v0 =	vadd.f32 v0, v2  }
0xd2: {  	v2 =	vld [tilespmem:s29+$0xC220]  }
0xd3: {  	[tilespmem:s29+$0x10210] =	vst v0  }
0xd4: {  	v0 =	vld [tilespmem:$0x14220];
	_ =	sdelay $0x2  }
0xd5: {  	v1 =	vadd.f32 v3, v1;
	v2 =	vadd.f32 v4, v2;
	_ =	sdelay $0x1  }
0xd6: {  	v1 =	vadd.f32 v1, v0;
	v0 =	vadd.f32 v2, v0  }
0xd7: {  	v3 =	vld [tilespmem:s29+$0xC270]  }
0xd8: {  	v4 =	vld [tilespmem:s29+$0x8270];
	v1 =	vmax.f32 v1, $0.0e+00;
	v0 =	vmax.f32 v0, $0.0e+00  }
0xd9: {  	v2 =	vld [tilespmem:s29+$0x8230];
	v0 =	vadd.f32 v0, v1  }
0xda: {  	v1 =	vld [tilespmem:s29+$0xC230]  }
0xdb: {  	[tilespmem:s29+$0x10220] =	vst v0  }
0xdc: {  	v0 =	vld [tilespmem:$0x14230];
	_ =	sdelay $0x2  }
0xdd: {  	v2 =	vadd.f32 v3, v2;
	v1 =	vadd.f32 v4, v1;
	_ =	sdelay $0x1  }
0xde: {  	s31 =	simm.s32 $0x80;
	v2 =	vadd.f32 v2, v0;
	v3 =	vadd.f32 v1, v0  }
0xdf: {  	v0 =	vld [tilespmem:s31+$0x8200]  }
0xe0: {  	v1 =	vld [tilespmem:s31+$0xC240];
	v4 =	vmax.f32 v2, $0.0e+00;
	v3 =	vmax.f32 v3, $0.0e+00  }
0xe1: {  	s30 =	simm.s32 $0x400;
	v2 =	vld [tilespmem:s31+$0xC200];
	v3 =	vadd.f32 v3, v4  }
.LBB2_9:
0xe2: {  	p0 =	sne.s32 s30, $0xFE00;
	v4 =	vld [tilespmem:s31+$0x8240]  }
0xe3: {  	[tilespmem:s29+$0x10230] =	vst v3;
	s29 =	smov.u32 s31  }
0xe4: {  	v3 =	vld [tilespmem:$0x14200];
	_ =	sdelay $0x2  }
0xe5: {  	v0 =	vadd.f32 v1, v0;
	v1 =	vadd.f32 v4, v2;
	_ =	sdelay $0x1  }
0xe6: {  	v0 =	vadd.f32 v0, v3;
	v1 =	vadd.f32 v1, v3  }
0xe7: {  	v2 =	vld [tilespmem:s29+$0x8210]  }
0xe8: {  	v0 =	vmax.f32 v0, $0.0e+00;
	v1 =	vmax.f32 v1, $0.0e+00;
	v3 =	vld [tilespmem:s29+$0xC250]  }
0xe9: {  	v0 =	vadd.f32 v1, v0;
	v1 =	vld [tilespmem:s29+$0xC210]  }
0xea: {  	v4 =	vld [tilespmem:s29+$0x8250]  }
0xeb: {  	[tilespmem:s29+$0x10200] =	vst v0  }
0xec: {  	v0 =	vld [tilespmem:$0x14210];
	_ =	sdelay $0x2  }
0xed: {  	v2 =	vadd.f32 v3, v2;
	v1 =	vadd.f32 v4, v1;
	_ =	sdelay $0x1  }
0xee: {  	v2 =	vadd.f32 v2, v0;
	v0 =	vadd.f32 v1, v0  }
0xef: {  	v1 =	vld [tilespmem:s29+$0x8220]  }
0xf0: {  	v2 =	vmax.f32 v2, $0.0e+00;
	v0 =	vmax.f32 v0, $0.0e+00;
	v3 =	vld [tilespmem:s29+$0xC260]  }
0xf1: {  	v0 =	vadd.f32 v0, v2;
	v2 =	vld [tilespmem:s29+$0xC220]  }
0xf2: {  	v4 =	vld [tilespmem:s29+$0x8260]  }
0xf3: {  	[tilespmem:s29+$0x10210] =	vst v0  }
0xf4: {  	v0 =	vld [tilespmem:$0x14220];
	_ =	sdelay $0x2  }
0xf5: {  	v1 =	vadd.f32 v3, v1;
	v2 =	vadd.f32 v4, v2;
	_ =	sdelay $0x1  }
0xf6: {  	v1 =	vadd.f32 v1, v0;
	v0 =	vadd.f32 v2, v0  }
0xf7: {  	v2 =	vld [tilespmem:s29+$0x8230]  }
0xf8: {  	v1 =	vmax.f32 v1, $0.0e+00;
	v0 =	vmax.f32 v0, $0.0e+00;
	v3 =	vld [tilespmem:s29+$0xC270]  }
0xf9: {  	v0 =	vadd.f32 v0, v1;
	v1 =	vld [tilespmem:s29+$0xC230]  }
0xfa: {  	v4 =	vld [tilespmem:s29+$0x8270]  }
0xfb: {  	[tilespmem:s29+$0x10220] =	vst v0  }
0xfc: {  	v0 =	vld [tilespmem:$0x14230];
	_ =	sdelay $0x2  }
0xfd: {  	v2 =	vadd.f32 v3, v2;
	v1 =	vadd.f32 v4, v1  }
.Ltmp9:
0xfe: {  	(pc) =	sbr.rel @p0 .LBB2_9-.Ltmp9, $4  }
0xff: {  	s31 =	sshra.s32 s30, $0x2;
	v2 =	vadd.f32 v2, v0;
	v3 =	vadd.f32 v1, v0  }
0x100: {  	v0 =	vld [tilespmem:s31+$0x8200]  }
0x101: {  	v1 =	vld [tilespmem:s31+$0xC240];
	v4 =	vmax.f32 v2, $0.0e+00;
	v3 =	vmax.f32 v3, $0.0e+00  }
0x102: {  	s30 =	sadd.s32 $0x200, s30;
	v2 =	vld [tilespmem:s31+$0xC200];
	v3 =	vadd.f32 v3, v4  }
0x103: {  	v4 =	vld [tilespmem:s31+$0x8240]  }
0x104: {  	[tilespmem:s29+$0x10230] =	vst v3  }
0x105: {  	v3 =	vld [tilespmem:$0x14200];
	_ =	sdelay $0x2  }
0x106: {  	v0 =	vadd.f32 v1, v0;
	v50 =	vadd.f32 v4, v2;
	_ =	sdelay $0x1  }
0x107: {  	v0 =	vadd.f32 v0, v3;
	v1 =	vadd.f32 v50, v3  }
0x108: {  	v51 =	vld [tilespmem:s31+$0x8210]  }
0x109: {  	v52 =	vld [tilespmem:s31+$0xC250];
	v0 =	vmax.f32 v0, $0.0e+00;
	v1 =	vmax.f32 v1, $0.0e+00  }
0x10a: {  	v53 =	vld [tilespmem:s31+$0xC210];
	v0 =	vadd.f32 v1, v0  }
0x10b: {  	v54 =	vld [tilespmem:s31+$0x8250]  }
0x10c: {  	[tilespmem:s31+$0x10200] =	vst v0  }
0x10d: {  	v0 =	vld [tilespmem:$0x14210];
	_ =	sdelay $0x2  }
0x10e: {  	v2 =	vadd.f32 v52, v51;
	v1 =	vadd.f32 v54, v53;
	_ =	sdelay $0x1  }
0x10f: {  	v2 =	vadd.f32 v2, v0;
	v0 =	vadd.f32 v1, v0  }
0x110: {  	v55 =	vld [tilespmem:s31+$0x8220]  }
0x111: {  	v56 =	vld [tilespmem:s31+$0xC260];
	v2 =	vmax.f32 v2, $0.0e+00;
	v0 =	vmax.f32 v0, $0.0e+00  }
0x112: {  	v57 =	vld [tilespmem:s31+$0xC220];
	v0 =	vadd.f32 v0, v2  }
0x113: {  	v58 =	vld [tilespmem:s31+$0x8260]  }
0x114: {  	[tilespmem:s31+$0x10210] =	vst v0  }
0x115: {  	v0 =	vld [tilespmem:$0x14220];
	_ =	sdelay $0x2  }
0x116: {  	v1 =	vadd.f32 v56, v55;
	v2 =	vadd.f32 v58, v57;
	_ =	sdelay $0x1  }
0x117: {  	v1 =	vadd.f32 v1, v0;
	v0 =	vadd.f32 v2, v0  }
0x118: {  	v59 =	vld [tilespmem:s31+$0x8230]  }
0x119: {  	v60 =	vld [tilespmem:s31+$0xC270];
	v1 =	vmax.f32 v1, $0.0e+00;
	v0 =	vmax.f32 v0, $0.0e+00  }
0x11a: {  	v61 =	vld [tilespmem:s31+$0xC230];
	v0 =	vadd.f32 v0, v1  }
0x11b: {  	v62 =	vld [tilespmem:s31+$0x8270]  }
0x11c: {  	[tilespmem:s31+$0x10220] =	vst v0  }
0x11d: {  	v0 =	vld [tilespmem:$0x14230];
	_ =	sdelay $0x2  }
0x11e: {  	v2 =	vadd.f32 v60, v59;
	v1 =	vadd.f32 v62, v61;
	_ =	sdelay $0x1  }
0x11f: {  	v2 =	vadd.f32 v2, v0;
	v0 =	vadd.f32 v1, v0  }
.Ltmp10:
0x120: {  	_ = 	snop;
	(pc) =	sbr.rel .LBB2_11-.Ltmp10, $3  }
0x121: {  	v63 =	vmax.f32 v2, $0.0e+00;
	v0 =	vmax.f32 v0, $0.0e+00  }
0x122: {  	v0 =	vadd.f32 v0, v63;
	_ =	sdelay $0x1  }
0x123: {  	s29 =	simm.s32 $0x3;
	[tilespmem:s31+$0x10230] =	vst v0  }
.LBB2_13:
0x124: {  	_ =	sfence.sel $0x180000  }
0x125: {  	[bflag:$0x0] =	sbarrier.arrive $0xFFFF  }
0x126: {  	_ =	strace $0x9000004A  }
0x127: {  	[bflag:$0x2] =	sbarrier.arrive $0xFFFF  }
0x128: {  	p0 =	sne.s32 s1, $0x0;
	s0 =	rddreg [dreg:$0x1]  }
0x129: {  	s0 =	sadd.s32 @!p0 $0x100000, s0  }
0x12a: {  	[sflag:s0] =	ssyncadd.tile.s32 @!p0 $0x1;
	_ =	shalt  }
.Lfunc_end2:
_tile_overlayer_lowered:
.L_overlay_start_2:
0x12b: {  	(tag) =	ssettag $0x2  }
0x12c: {  	s0 =	rddreg [dreg:$0x0];
	s2 =	stileid.u32  }
0x12d: {  	s1 =	rddreg [dreg:$0x1];
	p0 =	sne.s32 s2, $0x0  }
0x12e: {  	s3 =	rddreg [dreg:$0x2];
	[bflag:$0x3] =	sbarrier.arrive $0xFFFF;
	s2 =	simm.s32 @!p0 $0x1C03  }
0x12f: {  	[timem:s3], [sflag:s2] =	dma.local @!p0 [hbm:s0], s1  }
0x130: {  	s0 =	simm.s32 @!p0 $0x3  }
0x131: {  	_ =	swait.ge @!p0 [sflag:s0], s1  }
0x132: {  	s1 =	ssub.s32 @!p0 $0x0, s1;
	[sflag:s0] =	ssyncset.done @!p0 $0x0  }
0x133: {  	[sflag:s0] =	ssyncadd.s32 @!p0 s1  }
0x134: {  	[bflag:$0x3] =	sbarrier.arrive $0xFFFF  }
0x135: {  	_ =	shalt  }

// kernel: _run.8.cloned.1.call-start
scs
__scs_entry_jumppad:
0x0: {  	(pc) =	sbr.rel $0x88, $3  }
0x1: {  	(tag) =	ssettag $0x0;
	lr =	simm.s32 $0x1  }
0x2: {  	[smem:$0x3F91] =	sst lr;
	_ =	strace $0xD0000000  }
0x3: {  	_ = 	snop  }
0x4: {  	_ = 	snop  }
0x5: {  	_ = 	snop  }
0x6: {  	_ = 	snop  }
0x7: {  	_ = 	snop  }
__scs_overlays_trampoline_lowered:
0x8: {  	[smem:$0x3FA0] =	sst s0  }
0x9: {  	[smem:$0x3FA1] =	sst s1  }
0xa: {  	[smem:$0x3FA2] =	sst s2  }
0xb: {  	[smem:$0x3FA3] =	sst s3  }
0xc: {  	[smem:$0x3FA4] =	sst s4  }
0xd: {  	[smem:$0x3FA5] =	sst s5  }
0xe: {  	[smem:$0x3FA6] =	sst s6  }
0xf: {  	[smem:$0x3FA7] =	sst s7  }
0x10: {  	[smem:$0x3FA8] =	sst s8  }
0x11: {  	[smem:$0x3FA9] =	sst s9;
	s0 =	simm.s32 @!p0 $0x0  }
0x12: {  	s1 =	sld [smem:$0x3F8F];
	s0 =	simm.s32 @p0 $0x1  }
0x13: {  	[smem:$0x3FAA] =	sst s0;
	s0 =	simm.s32 @!p1 $0x0  }
0x14: {  	s2 =	sld [smem:$0x3F8E];
	s0 =	simm.s32 @p1 $0x1  }
0x15: {  	[smem:$0x3FAB] =	sst s0;
	s0 =	simm.s32 @!p2 $0x0  }
0x16: {  	s3 =	sld [smem:$0x3FDB];
	s0 =	simm.s32 @p2 $0x1  }
0x17: {  	s4 =	simm.s32 $0x1BF5;
	[smem:$0x3FAD] =	sst s0  }
0x18: {  	s0 =	sld [smem:$0x3F90];
	_ =	swait.ge [sflag:s4], $0x0  }
0x19: {  	s7 =	sld [smem:$0x3F91]  }
0x1a: {  	s8 =	sadd.s32 $0xFFFFE003, lr  }
0x1b: {  	s9 =	sadd.s32 $0xFFFFFEF7, lr;
	s5 =	simm.s32 $0xFFFFFFFF;
	p2 =	slt.u32 s8, $0xFFFFF086  }
0x1c: {  	p1 =	slt.u32 s9, $0xF7A;
	s5 =	simm.s32 @!p2 $0x0  }
0x1d: {  	s5 =	simm.s32 @p1 $0x1;
	p0 =	seq.s32 s7, s2  }
0x1e: {  	s7 =	smul.u32 @!p0 $0xF7A, s2;
	p2 =	seq.s32 @!p0 s5, $0x0  }
0x1f: {  	s9 =	smul.u32 $0xF7A, s1;
	s8 =	simm.s32 @!p0 $0x1BF5;
	p2 =	por !p2, p0  }
0x20: {  	[sflag:s8] =	ssyncset.s32 @!p0 $0xFFFFF086;
	s6 =	sadd.s32 @!p0 s3, s7;
	s7 =	simm.s32 @!p0 $0x108  }
0x21: {  	s3 =	sadd.s32 s3, s9;
	s6 =	sadd.s32 @!p0 $0x88, s6;
	s7 =	simm.s32 @p2 $0x1082  }
0x22: {  	[simem:s7], [sflag:s8] =	dma.local @!p0 [hbm:s6], $0xF7A  }
0x23: {  	s9 =	sor.u32 $0xD0000000, s2;
	s6 =	simm.s32 $0x108;
	_ =	swait.ge @!p0 [sflag:s8], $0x0  }
0x24: {  	s3 =	sadd.s32 $0x88, s3;
	s6 =	simm.s32 @!p1 $0x1082;
	[sflag:s4] =	ssyncset.s32 $0xFFFFF086  }
0x25: {  	[simem:s6], [sflag:s4] =	dma.local [hbm:s3], $0xF7A  }
0x26: {  	[smem:$0x3F91] =	sst s1;
	(tag) =	ssettag s2;
	_ =	strace s9  }
0x27: {  	s1 =	sld [smem:$0x3FA1]  }
0x28: {  	s2 =	sld [smem:$0x3FA2]  }
0x29: {  	s4 =	sld [smem:$0x3FA4]  }
0x2a: {  	p0 =	seq.s32 s5, $0x0;
	s5 =	sld [smem:$0x3FA5]  }
0x2b: {  	s6 =	sld [smem:$0x3FA6]  }
0x2c: {  	s7 =	sld [smem:$0x3FA7]  }
0x2d: {  	s3 =	simm.s32 $0x108;
	s8 =	sld [smem:$0x3FA8]  }
0x2e: {  	s3 =	simm.s32 @!p0 $0x1082;
	s9 =	sld [smem:$0x3FA9]  }
0x2f: {  	lr =	sadd.s32 s0, s3;
	s0 =	sld [smem:$0x3FA0]  }
0x30: {  	s3 =	sld [smem:$0x3FA3]  }
0x31: {  	[smem:$0x3FAC] =	sst s10  }
0x32: {  	s10 =	sld [smem:$0x3FAA];
	_ =	sdelay $0x3  }
0x33: {  	p0 =	seq.s32 s10, $0x1;
	s10 =	sld [smem:$0x3FAC];
	_ =	sdelay $0x3  }
0x34: {  	[smem:$0x3FAC] =	sst s10  }
0x35: {  	s10 =	sld [smem:$0x3FAB];
	_ =	sdelay $0x3  }
0x36: {  	p1 =	seq.s32 s10, $0x1;
	s10 =	sld [smem:$0x3FAC];
	_ =	sdelay $0x3  }
0x37: {  	[smem:$0x3FAC] =	sst s10  }
0x38: {  	s10 =	sld [smem:$0x3FAD]  }
0x39: {  	_ = 	snop;
	(pc) =	sbr.ind lr, $3  }
0x3a: {  	_ = 	snop  }
0x3b: {  	_ = 	snop  }
0x3c: {  	p2 =	seq.s32 s10, $0x1;
	s10 =	sld [smem:$0x3FAC]  }
0x3d: {  	_ =	shalt  }
0x3e: {  	_ =	shalt  }
0x3f: {  	_ =	shalt  }
0x40: {  	_ =	shalt  }
0x41: {  	_ =	shalt  }
0x42: {  	_ =	shalt  }
0x43: {  	_ =	shalt  }
0x44: {  	_ =	shalt  }
0x45: {  	_ =	shalt  }
0x46: {  	_ =	shalt  }
0x47: {  	_ =	shalt  }
0x48: {  	_ =	shalt  }
0x49: {  	_ =	shalt  }
0x4a: {  	_ =	shalt  }
0x4b: {  	_ =	shalt  }
0x4c: {  	_ =	shalt  }
0x4d: {  	_ =	shalt  }
0x4e: {  	_ =	shalt  }
0x4f: {  	_ =	shalt  }
0x50: {  	_ =	shalt  }
0x51: {  	_ =	shalt  }
0x52: {  	_ =	shalt  }
0x53: {  	_ =	shalt  }
0x54: {  	_ =	shalt  }
0x55: {  	_ =	shalt  }
0x56: {  	_ =	shalt  }
0x57: {  	_ =	shalt  }
0x58: {  	_ =	shalt  }
0x59: {  	_ =	shalt  }
0x5a: {  	_ =	shalt  }
0x5b: {  	_ =	shalt  }
0x5c: {  	_ =	shalt  }
0x5d: {  	_ =	shalt  }
0x5e: {  	_ =	shalt  }
0x5f: {  	_ =	shalt  }
0x60: {  	_ =	shalt  }
0x61: {  	_ =	shalt  }
0x62: {  	_ =	shalt  }
0x63: {  	_ =	shalt  }
0x64: {  	_ =	shalt  }
0x65: {  	_ =	shalt  }
0x66: {  	_ =	shalt  }
0x67: {  	_ =	shalt  }
0x68: {  	_ =	shalt  }
0x69: {  	_ =	shalt  }
0x6a: {  	_ =	shalt  }
0x6b: {  	_ =	shalt  }
0x6c: {  	_ =	shalt  }
0x6d: {  	_ =	shalt  }
0x6e: {  	_ =	shalt  }
0x6f: {  	_ =	shalt  }
0x70: {  	_ =	shalt  }
0x71: {  	_ =	shalt  }
0x72: {  	_ =	shalt  }
0x73: {  	_ =	shalt  }
0x74: {  	_ =	shalt  }
0x75: {  	_ =	shalt  }
0x76: {  	_ =	shalt  }
0x77: {  	_ =	shalt  }
0x78: {  	_ =	shalt  }
0x79: {  	_ =	shalt  }
0x7a: {  	_ =	shalt  }
0x7b: {  	_ =	shalt  }
0x7c: {  	_ =	shalt  }
0x7d: {  	_ =	shalt  }
0x7e: {  	_ =	shalt  }
0x7f: {  	_ =	shalt  }
0x80: {  	_ =	shalt  }
0x81: {  	_ =	shalt  }
0x82: {  	_ =	shalt  }
0x83: {  	_ =	shalt  }
0x84: {  	_ =	shalt  }
0x85: {  	_ =	shalt  }
0x86: {  	_ =	shalt  }
0x87: {  	_ =	shalt  }
.Lfunc_end0:
.L_simem_size_0:
called_computation_lowered:
.L_overlay_start_0:
0x88: {  	s2 =	sld [smem:$0x3FD9]  }
0x89: {  	s3 =	sld [smem:$0x3FFE];
	_ =	sdelay $0x1  }
0x8a: {  	s1 =	srdreg.scid  }
0x8b: {  	s0 =	sand.u32 $0x1, s1  }
0x8c: {  	s14 =	sshll.u32 s0, $0xA;
	s2 =	sadd.s32 s3, s2  }
0x8d: {  	s2 =	sadd.s32 s2, s14  }
0x8e: {  	[smem:$0x3FB8] =	sst s2  }
0x8f: {  	_ = 	snop  }
0x90: {  	s2 =	sld [smem:$0x3FD0];
	_ =	sdelay $0x2  }
0x91: {  	s15 =	simm.s32 $0xB;
	s4 =	simm.s32 $0x10  }
0x92: {  	[smem:s4], [sflag:s15] =	dma.local [hbm:s2], $0x1  }
0x93: {  	_ =	swait.eq [sflag:s15], $0x1  }
0x94: {  	[sflag:s15] =	ssyncset.done $0x0  }
0x95: {  	s16 =	sld [smem:$0x10];
	[sflag:s15] =	ssyncadd.s32 $0xFFFFFFFF  }
0x96: {  	s17 =	sld [smem:$0x11];
	(tm) =	ssettm $0x1  }
0x97: {  	s18 =	sld [smem:$0x3FFB];
	_ =	sdelay $0x3  }
0x98: {  	_ =	strace s18  }
0x99: {  	s4 =	sld [smem:$0x3FFC];
	_ =	sdelay $0x3  }
0x9a: {  	_ =	strace s4  }
0x9b: {  	s4 =	sld [smem:$0x3FFD];
	_ =	sdelay $0x3  }
0x9c: {  	_ =	strace s4  }
0x9d: {  	_ =	strace $0x8FFFFFFF  }
0x9e: {  	s19 =	sld [smem:$0x3FDB];
	_ =	sdelay $0x1  }
0x9f: {  	s5 =	simm.s32 $_scs_section_size  }
0xa0: {  	s6 =	simm.s32 $_size__tile_overlayer_lowered;
	s7 =	simm.s32 $_tile_overlayer_lowered  }
0xa1: {  	s22 =	simm.s32 $0x1BFF;
	s21 =	sshll.u32 s7, $0x1;
	s4 =	sadd.s32 s5, s19  }
0xa2: {  	s8 =	simm.s32 $0x0;
	s20 =	sshll.u32 s6, $0x1;
	s6 =	sadd.s32 s21, s4  }
0xa3: {  	[timem:s8], [sflag:s22] =	dma.local [hbm:s6], s20  }
0xa4: {  	_ =	swait.ge [sflag:s22], s20  }
0xa5: {  	s5 =	ssub.s32 $0x0, s20;
	[sflag:s22] =	ssyncset.done $0x0  }
0xa6: {  	[sflag:s22] =	ssyncadd.s32 s5;
	_ =	sdelay $0x1  }
0xa7: {  	s23 =	simm.s32 $0x1B8B  }
0xa8: {  	_ =	swait.ge [sflag:s23], $0x1  }
0xa9: {  	[sflag:s23] =	ssyncset.done $0x0  }
0xaa: {  	s25 =	simm.s32 $0x1B8E;
	s24 =	sld [smem:$0x3FFE];
	[sflag:s23] =	ssyncadd.s32 $0xFFFFFFFF  }
0xab: {  	s26 =	simm.s32 $execute0_lowered;
	[smem:$0x3FD2] =	sst s25  }
0xac: {  	s6 =	sshll.u32 s26, $0x1;
	_ =	strace $0x80000046;
	[dreg:$0x1] =	wrdreg $0xFFFFFFFF  }
0xad: {  	s28 =	simm.s32 $_size_execute0_lowered;
	s4 =	sadd.s32 s4, s6;
	[dreg:$0x0] =	wrdreg $0x0  }
0xae: {  	s6 =	sshll.u32 s28, $0x1;
	[dreg:$0x2] =	wrdreg s4  }
0xaf: {  	[dreg:$0x3] =	wrdreg s6  }
0xb0: {  	[dreg:$0x4] =	wrdreg $0xC0  }
0xb1: {  	_ =	task [dreg:s8], $0x5FFFF  }
0xb2: {  	[dreg:$0x1] =	wrdreg $0xFFFFFFFF  }
0xb3: {  	[dreg:$0x0] =	wrdreg $0x60  }
0xb4: {  	[dreg:$0x2] =	wrdreg s24  }
0xb5: {  	[dreg:$0x3] =	wrdreg s16  }
0xb6: {  	[dreg:$0x4] =	wrdreg s17  }
0xb7: {  	[dreg:$0x5] =	wrdreg $0x40800  }
0xb8: {  	[dreg:$0x6] =	wrdreg $0x9  }
0xb9: {  	_ =	task.clear_ibuf [dreg:s8], $0x7FFFF;
	_ =	strace $0x90000046  }
0xba: {  	s29 =	simm.s32 $0x9;
	_ =	strace $0x80000048  }
0xbb: {  	_ =	swait.ge [sflag:s29], $0x1  }
0xbc: {  	[sflag:s29] =	ssyncadd.s32 $0xFFFFFFFF  }
0xbd: {  	_ =	strace $0x90000048  }
0xbe: {  	_ =	sfence  }
0xbf: {  	s30 =	sld [smem:$0x0];
	_ =	sdelay $0x2  }
0xc0: {  	s31 =	sshll.u32 s1, $0xD;
	s1 =	sshrl.u32 s1, $0x2  }
0xc1: {  	s3 =	sand.u32 $0x4000, s31;
	s1 =	sadd.s32 s1, s30  }
0xc2: {  	s0 =	sor.u32 s3, s0;
	s1 =	sshll.u32 s1, $0x11  }
0xc3: {  	s0 =	sor.u32 s1, s0  }
0xc4: {  	s0 =	sadd.s32 $0x8F2B, s0  }
0xc5: {  	[sflag:s0] =	ssyncadd.remote.s32 $0x1  }
0xc6: {  	_ =	sfence.sel $0xFFFF  }
0xc7: {  	[dreg:$0x0] =	wrdreg $0xFFFFFFFF;
	(pc) =	sbr.abs _section_cstart, $3  }
0xc8: {  	[dreg:$0x1] =	wrdreg $0xFFFFFFFF  }
0xc9: {  	_ =	task.clear_ibuf [dreg:s8], $0x2FFFF;
	_ =	strace $0x9FFFFFFF  }
0xca: {  	(tm) =	ssettm $0x7FFFFFFF  }
0xcb: {  	_ =	shalt  }
tec
execute0_lowered:
.L_overlay_start_1:
0x0: {  	(tag) =	ssettag $0x1  }
0x1: {  	s19 =	stileid.u32;
	s0 =	srdreg.scid  }
0x2: {  	s23 =	rddreg [dreg:$0x0];
	s1 =	smul.u32 $0xC4000, s19  }
0x3: {  	s7 =	rddreg [dreg:$0x2];
	s3 =	sand.u32 $0x1, s0;
	s6 =	smul.u32 $0x310, s19  }
0x4: {  	s4 =	smul.u32 $0x3100, s3;
	s2 =	ssub.s32 $0x2, s3;
	s8 =	sadd.s32 s1, s23  }
0x5: {  	s24 =	sshrl.u32 s2, $0x1;
	s1 =	sadd.s32 $0x80, s6;
	s16 =	sadd.s32 $0x180, s6  }
0x6: {  	s0 =	ssub.s32 s2, s24;
	s25 =	sadd.s32 s6, s4;
	s9 =	sadd.s32 s4, s1  }
0x7: {  	s2 =	sadd.s32 $0x100, s6;
	s11 =	sadd.s32 s4, s16;
	s24 =	sadd.s32 $0x200, s6  }
0x8: {  	s5 =	sshll.u32 s25, $0x4;
	s26 =	sshll.u32 s9, $0x4;
	s29 =	sadd.s32 s4, s2  }
0x9: {  	s12 =	sadd.s32 s4, s24;
	s25 =	sadd.s32 $0x280, s6;
	s28 =	smax.u32 s0, $0x1  }
0xa: {  	s5 =	sadd.s32 s7, s5;
	s10 =	sshll.u32 s29, $0x4;
	s13 =	sshll.u32 s12, $0x4  }
0xb: {  	s14 =	sadd.s32 s4, s25;
	[dreg:$0x5] =	wrdreg s5;
	s5 =	sadd.s32 s7, s26  }
0xc: {  	s26 =	sadd.s32 $0x300, s6;
	[dreg:$0x6] =	wrdreg s5;
	s5 =	sadd.s32 s7, s10  }
0xd: {  	s17 =	sadd.s32 s4, s26;
	[dreg:$0x7] =	wrdreg s5;
	s5 =	sshll.u32 s11, $0x4  }
0xe: {  	s15 =	sshll.u32 s14, $0x4;
	s9 =	sshll.u32 s17, $0x4;
	s5 =	sadd.s32 s7, s5  }
0xf: {  	s17 =	smul.u32 $0xC400, s19;
	s9 =	sadd.s32 s7, s9;
	[dreg:$0x8] =	wrdreg s5  }
0x10: {  	s5 =	sadd.s32 s7, s13;
	[dreg:$0xb] =	wrdreg s9;
	s9 =	smul.u32 $0x64000, s19  }
0x11: {  	s19 =	smul.u32 $0x62000, s19;
	[dreg:$0x9] =	wrdreg s5;
	s5 =	sadd.s32 s7, s15  }
0x12: {  	s15 =	simm.s32 $0x0;
	[dreg:$0xa] =	wrdreg s5;
	s5 =	sadd.s32 $0x6200, s4  }
0x13: {  	v0 =	vmov s4;
	[smem:$0x7FF] =	sst s15;
	s4 =	simm.s32 $0x4000;
	s6 =	sadd.s32 s6, s5  }
0x14: {  	s10 =	sadd.s32 s1, s5;
	s21 =	sadd.s32 s2, s5;
	s11 =	sadd.s32 s16, s5  }
0x15: {  	s12 =	sadd.s32 s24, s5;
	s23 =	sadd.s32 s25, s5;
	s14 =	sadd.s32 s26, s5  }
0x16: {  	s1 =	sshll.u32 s1, $0x7;
	s2 =	sshll.u32 s2, $0x7;
	s24 =	sshll.u32 s24, $0x7  }
0x17: {  	s25 =	sshll.u32 s25, $0x7;
	v1 =	vmov s5;
	s5 =	simm.s32 $0x80;
	s6 =	sshll.u32 s6, $0x4  }
0x18: {  	s18 =	sshll.u32 s10, $0x4;
	s22 =	sshll.u32 s11, $0x4;
	s12 =	sshll.u32 s12, $0x4  }
0x19: {  	s29 =	sshll.u32 s14, $0x4;
	s6 =	sadd.s32 s7, s6;
	s20 =	sadd.s32 s7, s18  }
0x1a: {  	s11 =	sadd.s32 s7, s22;
	s12 =	sadd.s32 s7, s12;
	s18 =	smul.u32 $0x6200, s3  }
0x1b: {  	s14 =	sadd.s32 s7, s29;
	s3 =	smul.u32 $0x62000, s3;
	[dreg:$0xc] =	wrdreg s6  }
0x1c: {  	s22 =	sshrl.u32 s19, $0x2;
	s29 =	sshll.u32 s26, $0x7;
	[dreg:$0xd] =	wrdreg s20  }
0x1d: {  	s6 =	sshll.u32 s21, $0x4;
	s20 =	rddreg [dreg:$0x1];
	s21 =	sshrl.u32 s9, $0x2  }
0x1e: {  	s10 =	sadd.s32 s7, s6;
	s6 =	sshll.u32 s23, $0x4;
	s3 =	sadd.s32 s3, s8  }
0x1f: {  	s23 =	sshll.u32 s16, $0x7;
	s13 =	sadd.s32 s7, s6;
	s7 =	sadd.s32 s18, s17  }
0x20: {  	s18 =	rddreg [dreg:$0x3];
	_ =	strace $0x80000047;
	s8 =	sadd.s32 $0xC36000, s3  }
0x21: {  	s3 =	simm.s32 $0x1;
	s6 =	sshrl.u32 s7, $0x3;
	s19 =	sadd.s32 s21, s18  }
0x22: {  	s21 =	sadd.s32 s1, s18;
	s23 =	sadd.s32 s23, s18;
	s24 =	sadd.s32 s24, s18  }
0x23: {  	s25 =	sadd.s32 s25, s18;
	s26 =	sadd.s32 s29, s18;
	s17 =	sadd.s32 s6, s20  }
0x24: {  	s20 =	sadd.s32 s22, s18;
	s22 =	sadd.s32 s2, s18;
	s30 =	sadd.s32 $0x4000, s19  }
0x25: {  	s31 =	sadd.s32 $0x8000, s19;
	s16 =	sadd.s32 $0xC000, s19;
	s0 =	sadd.s32 $0x10000, s19  }
0x26: {  	v2 =	vimm.f32 $0.0e+00;
	s1 =	sadd.s32 $0x14000, s19;
	s2 =	sadd.s32 $0x18000, s19;
	s6 =	simm.s32 $0x0  }
.LBB2_1:
0x27: {  	s29 =	simm.s32 $0x200;
	s7 =	simm.s32 $0x0  }
.LBB2_2:
0x28: {  	p0 =	sne.s32 s29, $0xFE00;
	[tilespmem:s7+$0x30] =	vst v2;
	s9 =	smov.u32 s29;
	s29 =	sadd.s32 $0x200, s29  }
.Ltmp0:
0x29: {  	[tilespmem:s7+$0x20] =	vst v2;
	(pc) =	sbr.rel @p0 .LBB2_2-.Ltmp0, $3  }
0x2a: {  	[tilespmem:s7+$0x0] =	vst v2  }
0x2b: {  	[tilespmem:s7+$0x10] =	vst v2;
	_ =	sdelay $0x1  }
0x2c: {  	s7 =	sshra.s32 s9, $0x2  }
0x2d: {  	[tilespmem:s7+$0x30] =	vst v2  }
0x2e: {  	[tilespmem:s7+$0x20] =	vst v2  }
0x2f: {  	[tilespmem:s7+$0x0] =	vst v2  }
0x30: {  	[tilespmem:s7+$0x10] =	vst v2;
	s9 =	simm.s32 $0x0  }
0x31: {  	[spmem:s19] =	stream.linear.scatter [tilespmem:s9], [sflag:$0x1], $0x4000, $0x38;
	[tilespmem:$0x10880] =	vst v63  }
0x32: {  	_ =	swait.ge [sflag:s3], $0x4000  }
0x33: {  	[sflag:s3] =	ssyncset.done $0x0  }
0x34: {  	[sflag:s3] =	ssyncadd.s32 $0xFFFFC000  }
0x35: {  	[spmem:s30] =	stream.linear.scatter [tilespmem:s9], [sflag:$0x1], $0x4000, $0x38;
	[tilespmem:$0x10880] =	vst v63  }
0x36: {  	_ =	swait.ge [sflag:s3], $0x4000  }
0x37: {  	[sflag:s3] =	ssyncset.done $0x0  }
0x38: {  	[sflag:s3] =	ssyncadd.s32 $0xFFFFC000  }
0x39: {  	[spmem:s31] =	stream.linear.scatter [tilespmem:s9], [sflag:$0x1], $0x4000, $0x38;
	[tilespmem:$0x10880] =	vst v63  }
0x3a: {  	_ =	swait.ge [sflag:s3], $0x4000  }
0x3b: {  	[sflag:s3] =	ssyncset.done $0x0  }
0x3c: {  	[sflag:s3] =	ssyncadd.s32 $0xFFFFC000  }
0x3d: {  	[spmem:s16] =	stream.linear.scatter [tilespmem:s9], [sflag:$0x1], $0x4000, $0x38;
	[tilespmem:$0x10880] =	vst v63  }
0x3e: {  	_ =	swait.ge [sflag:s3], $0x4000  }
0x3f: {  	[sflag:s3] =	ssyncset.done $0x0  }
0x40: {  	[sflag:s3] =	ssyncadd.s32 $0xFFFFC000  }
0x41: {  	[spmem:s0] =	stream.linear.scatter [tilespmem:s9], [sflag:$0x1], $0x4000, $0x38;
	[tilespmem:$0x10880] =	vst v63  }
0x42: {  	_ =	swait.ge [sflag:s3], $0x4000  }
0x43: {  	[sflag:s3] =	ssyncset.done $0x0  }
0x44: {  	[sflag:s3] =	ssyncadd.s32 $0xFFFFC000  }
0x45: {  	[spmem:s1] =	stream.linear.scatter [tilespmem:s9], [sflag:$0x1], $0x4000, $0x38;
	[tilespmem:$0x10880] =	vst v63  }
0x46: {  	_ =	swait.ge [sflag:s3], $0x4000  }
0x47: {  	[sflag:s3] =	ssyncset.done $0x0  }
0x48: {  	[sflag:s3] =	ssyncadd.s32 $0xFFFFC000  }
0x49: {  	[spmem:s2] =	stream.linear.scatter [tilespmem:s9], [sflag:$0x1], $0x1000, $0x38;
	[tilespmem:$0x10880] =	vst v63  }
0x4a: {  	_ =	swait.ge [sflag:s3], $0x1000  }
0x4b: {  	[sflag:s3] =	ssyncset.done $0x0  }
0x4c: {  	[sflag:s3] =	ssyncadd.s32 $0xFFFFF000  }
0x4d: {  	s9 =	sadd.s32 $0x0, s17;
	[bflag:$0x0] =	sbarrier.arrive $0xFFFF  }
0x4e: {  	[tilespmem:s4], [sflag:$0x1] =	stream.linear.gather [hbm4b:s9+s15], $0x80, $0x38;
	[tilespmem:$0x10880] =	vst v63  }
0x4f: {  	_ =	swait.ge [sflag:s3], $0x80  }
0x50: {  	[sflag:s3] =	ssyncset.done $0x0  }
0x51: {  	[sflag:s3] =	ssyncadd.s32 $0xFFFFFF80  }
0x52: {  	[tilespmem:s15], [sflag:$0x1] =	stream.linear.gather [hbm4b:s8+s15], $0x4000, $0x38;
	[tilespmem:$0x10880] =	vst v63  }
0x53: {  	_ =	swait.ge [sflag:s3], $0x4000  }
0x54: {  	[sflag:s3] =	ssyncset.done $0x0  }
0x55: {  	[sflag:s3] =	ssyncadd.s32 $0xFFFFC000  }
0x56: {  	v3 =	vld [tilespmem:$0x4050]  }
0x57: {  	v5 =	vld [tilespmem:$0x4060]  }
0x58: {  	s7 =	simm.s32 $0x10;
	s29 =	smov.u32 s8;
	v4 =	vld [tilespmem:$0x4070]  }
.LBB2_4:
0x59: {  	p0 =	sne.s32 s7, $0xC30  }
0x5a: {  	v6 =	vld [tilespmem:$0x4030];
	s29 =	sadd.s32 $0x800, s29;
	s9 =	smov.u32 s7;
	s7 =	sadd.s32 $0x10, s7  }
0x5b: {  	v7 =	vld [tilespmem:$0x4010]  }
0x5c: {  	v8 =	vld [tilespmem:$0x4020]  }
0x5d: {  	v9 =	vld [tilespmem:$0x4000];
	v5 =	vsub.s32 v5, v0  }
0x5e: {  	v3 =	vsub.s32 v3, v0;
	v10 =	vld [tilespmem:$0x4040];
	v5 =	vmin.u32 v5, $0x3100;
	v4 =	vsub.s32 v4, v0  }
0x5f: {  	v3 =	vmin.u32 v3, $0x3100;
	v6 =	vsub.s32 v6, v0;
	[tilespmem:$0x4060] =	vst v5;
	v4 =	vmin.u32 v4, $0x3100  }
0x60: {  	v5 =	vsub.s32 v7, v0;
	v6 =	vmin.u32 v6, $0x3100;
	[tilespmem:$0x4070] =	vst v4  }
0x61: {  	v4 =	vmin.u32 v5, $0x3100;
	v5 =	vsub.s32 v8, v0;
	[tilespmem:$0x4050] =	vst v3  }
0x62: {  	v3 =	vsub.s32 v9, v0;
	v5 =	vmin.u32 v5, $0x3100;
	[tilespmem:$0x4030] =	vst v6  }
0x63: {  	v3 =	vmin.u32 v3, $0x3100;
	[tilespmem:$0x4010] =	vst v4;
	v4 =	vsub.s32 v10, v0  }
0x64: {  	[tilespmem:$0x4020] =	vst v5;
	v4 =	vmin.u32 v4, $0x3100  }
0x65: {  	[tilespmem:$0x4040] =	vst v4  }
0x66: {  	[tilespmem:$0x4000] =	vst v3  }
0x67: {  	[spmem:s18] =	stream.indirect.scatter.add.f32 [tilespmem:s15], [sflag:$0x1], $0x40, s4, s5, $0xb8;
	[tilespmem:$0x10880] =	vst v63  }
0x68: {  	_ =	swait.ge [sflag:s3], $0x2000  }
0x69: {  	[sflag:s3] =	ssyncset.done $0x0  }
0x6a: {  	s9 =	sadd.s32 s9, s17;
	[sflag:s3] =	ssyncadd.s32 $0xFFFFE000  }
0x6b: {  	[tilespmem:s4], [sflag:$0x1] =	stream.linear.gather [hbm4b:s9+s15], $0x80, $0x38;
	[tilespmem:$0x10880] =	vst v63  }
0x6c: {  	_ =	swait.ge [sflag:s3], $0x80  }
0x6d: {  	[sflag:s3] =	ssyncset.done $0x0  }
0x6e: {  	[sflag:s3] =	ssyncadd.s32 $0xFFFFFF80  }
0x6f: {  	[tilespmem:s15], [sflag:$0x1] =	stream.linear.gather [hbm4b:s29+s15], $0x4000, $0x38;
	[tilespmem:$0x10880] =	vst v63  }
0x70: {  	_ =	swait.ge [sflag:s3], $0x4000  }
.Ltmp1:
0x71: {  	[sflag:s3] =	ssyncset.done $0x0;
	(pc) =	sbr.rel @p0 .LBB2_4-.Ltmp1, $4  }
0x72: {  	[sflag:s3] =	ssyncadd.s32 $0xFFFFC000  }
0x73: {  	v3 =	vld [tilespmem:$0x4050]  }
0x74: {  	v5 =	vld [tilespmem:$0x4060]  }
0x75: {  	v4 =	vld [tilespmem:$0x4070]  }
0x76: {  	v6 =	vld [tilespmem:$0x4030]  }
0x77: {  	v7 =	vld [tilespmem:$0x4010]  }
0x78: {  	v8 =	vld [tilespmem:$0x4020];
	v3 =	vsub.s32 v3, v0  }
0x79: {  	v10 =	vld [tilespmem:$0x4000];
	v5 =	vsub.s32 v5, v0;
	v3 =	vmin.u32 v3, $0x3100  }
0x7a: {  	v9 =	vld [tilespmem:$0x4040];
	v5 =	vmin.u32 v5, $0x3100;
	v4 =	vsub.s32 v4, v0;
	[tilespmem:$0x4050] =	vst v3  }
0x7b: {  	[tilespmem:$0x4060] =	vst v5;
	v4 =	vmin.u32 v4, $0x3100;
	v59 =	vsub.s32 v6, v0  }
0x7c: {  	v60 =	vsub.s32 v7, v0;
	[tilespmem:$0x4070] =	vst v4;
	v5 =	vmin.u32 v59, $0x3100  }
0x7d: {  	v61 =	vsub.s32 v8, v0;
	v3 =	vmin.u32 v60, $0x3100;
	[tilespmem:$0x4030] =	vst v5  }
0x7e: {  	v62 =	vsub.s32 v10, v0;
	v4 =	vmin.u32 v61, $0x3100;
	[tilespmem:$0x4010] =	vst v3  }
0x7f: {  	v63 =	vmin.u32 v62, $0x3100;
	v3 =	vsub.s32 v9, v0;
	[tilespmem:$0x4020] =	vst v4  }
0x80: {  	[tilespmem:$0x4000] =	vst v63;
	v3 =	vmin.u32 v3, $0x3100  }
0x81: {  	[tilespmem:$0x4040] =	vst v3  }
0x82: {  	[spmem:s18] =	stream.indirect.scatter.add.f32 [tilespmem:s15], [sflag:$0x1], $0x40, s4, s5, $0xb8;
	[tilespmem:$0x10880] =	vst v63  }
0x83: {  	_ =	swait.ge [sflag:s3], $0x2000  }
0x84: {  	[sflag:s3] =	ssyncset.done $0x0  }
0x85: {  	[sflag:s3] =	ssyncadd.s32 $0xFFFFE000  }
0x86: {  	s7 =	simm.s32 $0x0;
	[bflag:$0x0] =	sbarrier.arrive $0xFFFF  }
0x87: {  	[tilespmem:s7], [sflag:$0x1] =	stream.linear.gather [spmem:s20], $0x4000, $0x38;
	[tilespmem:$0x10880] =	vst v63  }
0x88: {  	_ =	swait.ge [sflag:s3], $0x4000  }
0x89: {  	[sflag:s3] =	ssyncset.done $0x0  }
0x8a: {  	s9 =	rddreg [dreg:$0x5];
	[sflag:s3] =	ssyncadd.s32 $0xFFFFC000  }
0x8b: {  	[hbm4b:s9+s7] =	stream.linear.scatter [tilespmem:s7], [sflag:$0x1], $0x4000, $0x38;
	[tilespmem:$0x10880] =	vst v63  }
0x8c: {  	_ =	swait.ge [sflag:s3], $0x4000  }
0x8d: {  	[sflag:s3] =	ssyncset.done $0x0  }
0x8e: {  	[sflag:s3] =	ssyncadd.s32 $0xFFFFC000  }
0x8f: {  	[tilespmem:s7], [sflag:$0x1] =	stream.linear.gather [spmem:s21], $0x4000, $0x38;
	[tilespmem:$0x10880] =	vst v63  }
0x90: {  	_ =	swait.ge [sflag:s3], $0x4000  }
0x91: {  	[sflag:s3] =	ssyncset.done $0x0  }
0x92: {  	s9 =	rddreg [dreg:$0x6];
	[sflag:s3] =	ssyncadd.s32 $0xFFFFC000  }
0x93: {  	[hbm4b:s9+s7] =	stream.linear.scatter [tilespmem:s7], [sflag:$0x1], $0x4000, $0x38;
	[tilespmem:$0x10880] =	vst v63  }
0x94: {  	_ =	swait.ge [sflag:s3], $0x4000  }
0x95: {  	[sflag:s3] =	ssyncset.done $0x0  }
0x96: {  	[sflag:s3] =	ssyncadd.s32 $0xFFFFC000  }
0x97: {  	[tilespmem:s7], [sflag:$0x1] =	stream.linear.gather [spmem:s22], $0x4000, $0x38;
	[tilespmem:$0x10880] =	vst v63  }
0x98: {  	_ =	swait.ge [sflag:s3], $0x4000  }
0x99: {  	[sflag:s3] =	ssyncset.done $0x0  }
0x9a: {  	s9 =	rddreg [dreg:$0x7];
	[sflag:s3] =	ssyncadd.s32 $0xFFFFC000  }
0x9b: {  	[hbm4b:s9+s7] =	stream.linear.scatter [tilespmem:s7], [sflag:$0x1], $0x4000, $0x38;
	[tilespmem:$0x10880] =	vst v63  }
0x9c: {  	_ =	swait.ge [sflag:s3], $0x4000  }
0x9d: {  	[sflag:s3] =	ssyncset.done $0x0  }
0x9e: {  	[sflag:s3] =	ssyncadd.s32 $0xFFFFC000  }
0x9f: {  	[tilespmem:s7], [sflag:$0x1] =	stream.linear.gather [spmem:s23], $0x4000, $0x38;
	[tilespmem:$0x10880] =	vst v63  }
0xa0: {  	_ =	swait.ge [sflag:s3], $0x4000  }
0xa1: {  	[sflag:s3] =	ssyncset.done $0x0  }
0xa2: {  	s9 =	rddreg [dreg:$0x8];
	[sflag:s3] =	ssyncadd.s32 $0xFFFFC000  }
0xa3: {  	[hbm4b:s9+s7] =	stream.linear.scatter [tilespmem:s7], [sflag:$0x1], $0x4000, $0x38;
	[tilespmem:$0x10880] =	vst v63  }
0xa4: {  	_ =	swait.ge [sflag:s3], $0x4000  }
0xa5: {  	[sflag:s3] =	ssyncset.done $0x0  }
0xa6: {  	[sflag:s3] =	ssyncadd.s32 $0xFFFFC000  }
0xa7: {  	[tilespmem:s7], [sflag:$0x1] =	stream.linear.gather [spmem:s24], $0x4000, $0x38;
	[tilespmem:$0x10880] =	vst v63  }
0xa8: {  	_ =	swait.ge [sflag:s3], $0x4000  }
0xa9: {  	[sflag:s3] =	ssyncset.done $0x0  }
0xaa: {  	s9 =	rddreg [dreg:$0x9];
	[sflag:s3] =	ssyncadd.s32 $0xFFFFC000  }
0xab: {  	[hbm4b:s9+s7] =	stream.linear.scatter [tilespmem:s7], [sflag:$0x1], $0x4000, $0x38;
	[tilespmem:$0x10880] =	vst v63  }
0xac: {  	_ =	swait.ge [sflag:s3], $0x4000  }
0xad: {  	[sflag:s3] =	ssyncset.done $0x0  }
0xae: {  	[sflag:s3] =	ssyncadd.s32 $0xFFFFC000  }
0xaf: {  	[tilespmem:s7], [sflag:$0x1] =	stream.linear.gather [spmem:s25], $0x4000, $0x38;
	[tilespmem:$0x10880] =	vst v63  }
0xb0: {  	_ =	swait.ge [sflag:s3], $0x4000  }
0xb1: {  	[sflag:s3] =	ssyncset.done $0x0  }
0xb2: {  	s9 =	rddreg [dreg:$0xa];
	[sflag:s3] =	ssyncadd.s32 $0xFFFFC000  }
0xb3: {  	[hbm4b:s9+s7] =	stream.linear.scatter [tilespmem:s7], [sflag:$0x1], $0x4000, $0x38;
	[tilespmem:$0x10880] =	vst v63  }
0xb4: {  	_ =	swait.ge [sflag:s3], $0x4000  }
0xb5: {  	[sflag:s3] =	ssyncset.done $0x0  }
0xb6: {  	[sflag:s3] =	ssyncadd.s32 $0xFFFFC000  }
0xb7: {  	[tilespmem:s7], [sflag:$0x1] =	stream.linear.gather [spmem:s26], $0x800, $0x38;
	[tilespmem:$0x10880] =	vst v63  }
0xb8: {  	_ =	swait.ge [sflag:s3], $0x800  }
0xb9: {  	[sflag:s3] =	ssyncset.done $0x0  }
0xba: {  	s9 =	rddreg [dreg:$0xb];
	[sflag:s3] =	ssyncadd.s32 $0xFFFFF800  }
0xbb: {  	[hbm4b:s9+s7] =	stream.linear.scatter [tilespmem:s7], [sflag:$0x1], $0x800, $0x38;
	[tilespmem:$0x10880] =	vst v63  }
0xbc: {  	_ =	swait.ge [sflag:s3], $0x800  }
0xbd: {  	[sflag:s3] =	ssyncset.done $0x0  }
0xbe: {  	[sflag:s3] =	ssyncadd.s32 $0xFFFFF800  }
0xbf: {  	s29 =	simm.s32 $0x200;
	s7 =	simm.s32 $0x0;
	[bflag:$0x0] =	sbarrier.arrive $0xFFFF  }
.LBB2_6:
0xc0: {  	p0 =	sne.s32 s29, $0xFE00;
	[tilespmem:s7+$0x30] =	vst v2;
	s9 =	smov.u32 s29;
	s29 =	sadd.s32 $0x200, s29  }
.Ltmp2:
0xc1: {  	[tilespmem:s7+$0x20] =	vst v2;
	(pc) =	sbr.rel @p0 .LBB2_6-.Ltmp2, $3  }
0xc2: {  	[tilespmem:s7+$0x0] =	vst v2  }
0xc3: {  	[tilespmem:s7+$0x10] =	vst v2;
	_ =	sdelay $0x1  }
0xc4: {  	s7 =	sshra.s32 s9, $0x2  }
0xc5: {  	[tilespmem:s7+$0x30] =	vst v2  }
0xc6: {  	[tilespmem:s7+$0x20] =	vst v2  }
0xc7: {  	[tilespmem:s7+$0x0] =	vst v2  }
0xc8: {  	[tilespmem:s7+$0x10] =	vst v2;
	s9 =	simm.s32 $0x0  }
0xc9: {  	[spmem:s19] =	stream.linear.scatter [tilespmem:s9], [sflag:$0x1], $0x4000, $0x38;
	[tilespmem:$0x10880] =	vst v63  }
0xca: {  	_ =	swait.ge [sflag:s3], $0x4000  }
0xcb: {  	[sflag:s3] =	ssyncset.done $0x0  }
0xcc: {  	[sflag:s3] =	ssyncadd.s32 $0xFFFFC000  }
0xcd: {  	[spmem:s30] =	stream.linear.scatter [tilespmem:s9], [sflag:$0x1], $0x4000, $0x38;
	[tilespmem:$0x10880] =	vst v63  }
0xce: {  	_ =	swait.ge [sflag:s3], $0x4000  }
0xcf: {  	[sflag:s3] =	ssyncset.done $0x0  }
0xd0: {  	[sflag:s3] =	ssyncadd.s32 $0xFFFFC000  }
0xd1: {  	[spmem:s31] =	stream.linear.scatter [tilespmem:s9], [sflag:$0x1], $0x4000, $0x38;
	[tilespmem:$0x10880] =	vst v63  }
0xd2: {  	_ =	swait.ge [sflag:s3], $0x4000  }
0xd3: {  	[sflag:s3] =	ssyncset.done $0x0  }
0xd4: {  	[sflag:s3] =	ssyncadd.s32 $0xFFFFC000  }
0xd5: {  	[spmem:s16] =	stream.linear.scatter [tilespmem:s9], [sflag:$0x1], $0x4000, $0x38;
	[tilespmem:$0x10880] =	vst v63  }
0xd6: {  	_ =	swait.ge [sflag:s3], $0x4000  }
0xd7: {  	[sflag:s3] =	ssyncset.done $0x0  }
0xd8: {  	[sflag:s3] =	ssyncadd.s32 $0xFFFFC000  }
0xd9: {  	[spmem:s0] =	stream.linear.scatter [tilespmem:s9], [sflag:$0x1], $0x4000, $0x38;
	[tilespmem:$0x10880] =	vst v63  }
0xda: {  	_ =	swait.ge [sflag:s3], $0x4000  }
0xdb: {  	[sflag:s3] =	ssyncset.done $0x0  }
0xdc: {  	[sflag:s3] =	ssyncadd.s32 $0xFFFFC000  }
0xdd: {  	[spmem:s1] =	stream.linear.scatter [tilespmem:s9], [sflag:$0x1], $0x4000, $0x38;
	[tilespmem:$0x10880] =	vst v63  }
0xde: {  	_ =	swait.ge [sflag:s3], $0x4000  }
0xdf: {  	[sflag:s3] =	ssyncset.done $0x0  }
0xe0: {  	[sflag:s3] =	ssyncadd.s32 $0xFFFFC000  }
0xe1: {  	[spmem:s2] =	stream.linear.scatter [tilespmem:s9], [sflag:$0x1], $0x1000, $0x38;
	[tilespmem:$0x10880] =	vst v63  }
0xe2: {  	_ =	swait.ge [sflag:s3], $0x1000  }
0xe3: {  	[sflag:s3] =	ssyncset.done $0x0  }
0xe4: {  	[sflag:s3] =	ssyncadd.s32 $0xFFFFF000  }
0xe5: {  	s9 =	sadd.s32 $0x0, s17;
	[bflag:$0x0] =	sbarrier.arrive $0xFFFF  }
0xe6: {  	[tilespmem:s4], [sflag:$0x1] =	stream.linear.gather [hbm4b:s9+s15], $0x80, $0x38;
	[tilespmem:$0x10880] =	vst v63  }
0xe7: {  	_ =	swait.ge [sflag:s3], $0x80  }
0xe8: {  	[sflag:s3] =	ssyncset.done $0x0  }
0xe9: {  	[sflag:s3] =	ssyncadd.s32 $0xFFFFFF80  }
0xea: {  	[tilespmem:s15], [sflag:$0x1] =	stream.linear.gather [hbm4b:s8+s15], $0x4000, $0x38;
	[tilespmem:$0x10880] =	vst v63  }
0xeb: {  	_ =	swait.ge [sflag:s3], $0x4000  }
0xec: {  	[sflag:s3] =	ssyncset.done $0x0  }
0xed: {  	[sflag:s3] =	ssyncadd.s32 $0xFFFFC000  }
0xee: {  	v3 =	vld [tilespmem:$0x4050]  }
0xef: {  	v5 =	vld [tilespmem:$0x4060]  }
0xf0: {  	s7 =	simm.s32 $0x10;
	s29 =	smov.u32 s8;
	v4 =	vld [tilespmem:$0x4070]  }
.LBB2_8:
0xf1: {  	p0 =	sne.s32 s7, $0xC30  }
0xf2: {  	v6 =	vld [tilespmem:$0x4030];
	s29 =	sadd.s32 $0x800, s29;
	s9 =	smov.u32 s7;
	s7 =	sadd.s32 $0x10, s7  }
0xf3: {  	v7 =	vld [tilespmem:$0x4010]  }
0xf4: {  	v8 =	vld [tilespmem:$0x4020]  }
0xf5: {  	v9 =	vld [tilespmem:$0x4000];
	v5 =	vsub.s32 v5, v1  }
0xf6: {  	v3 =	vsub.s32 v3, v1;
	v10 =	vld [tilespmem:$0x4040];
	v5 =	vmin.u32 v5, $0x3100;
	v4 =	vsub.s32 v4, v1  }
0xf7: {  	v3 =	vmin.u32 v3, $0x3100;
	v6 =	vsub.s32 v6, v1;
	[tilespmem:$0x4060] =	vst v5;
	v4 =	vmin.u32 v4, $0x3100  }
0xf8: {  	v5 =	vsub.s32 v7, v1;
	v6 =	vmin.u32 v6, $0x3100;
	[tilespmem:$0x4070] =	vst v4  }
0xf9: {  	v4 =	vmin.u32 v5, $0x3100;
	v5 =	vsub.s32 v8, v1;
	[tilespmem:$0x4050] =	vst v3  }
0xfa: {  	v3 =	vsub.s32 v9, v1;
	v5 =	vmin.u32 v5, $0x3100;
	[tilespmem:$0x4030] =	vst v6  }
0xfb: {  	v3 =	vmin.u32 v3, $0x3100;
	[tilespmem:$0x4010] =	vst v4;
	v4 =	vsub.s32 v10, v1  }
0xfc: {  	[tilespmem:$0x4020] =	vst v5;
	v4 =	vmin.u32 v4, $0x3100  }
0xfd: {  	[tilespmem:$0x4040] =	vst v4  }
0xfe: {  	[tilespmem:$0x4000] =	vst v3  }
0xff: {  	[spmem:s18] =	stream.indirect.scatter.add.f32 [tilespmem:s15], [sflag:$0x1], $0x40, s4, s5, $0xb8;
	[tilespmem:$0x10880] =	vst v63  }
0x100: {  	_ =	swait.ge [sflag:s3], $0x2000  }
0x101: {  	[sflag:s3] =	ssyncset.done $0x0  }
0x102: {  	s9 =	sadd.s32 s9, s17;
	[sflag:s3] =	ssyncadd.s32 $0xFFFFE000  }
0x103: {  	[tilespmem:s4], [sflag:$0x1] =	stream.linear.gather [hbm4b:s9+s15], $0x80, $0x38;
	[tilespmem:$0x10880] =	vst v63  }
0x104: {  	_ =	swait.ge [sflag:s3], $0x80  }
0x105: {  	[sflag:s3] =	ssyncset.done $0x0  }
0x106: {  	[sflag:s3] =	ssyncadd.s32 $0xFFFFFF80  }
0x107: {  	[tilespmem:s15], [sflag:$0x1] =	stream.linear.gather [hbm4b:s29+s15], $0x4000, $0x38;
	[tilespmem:$0x10880] =	vst v63  }
0x108: {  	_ =	swait.ge [sflag:s3], $0x4000  }
.Ltmp3:
0x109: {  	[sflag:s3] =	ssyncset.done $0x0;
	(pc) =	sbr.rel @p0 .LBB2_8-.Ltmp3, $4  }
0x10a: {  	[sflag:s3] =	ssyncadd.s32 $0xFFFFC000  }
0x10b: {  	v3 =	vld [tilespmem:$0x4050]  }
0x10c: {  	v5 =	vld [tilespmem:$0x4060]  }
0x10d: {  	v4 =	vld [tilespmem:$0x4070]  }
0x10e: {  	v6 =	vld [tilespmem:$0x4030]  }
0x10f: {  	v7 =	vld [tilespmem:$0x4010]  }
0x110: {  	v8 =	vld [tilespmem:$0x4020];
	v3 =	vsub.s32 v3, v1  }
0x111: {  	v10 =	vld [tilespmem:$0x4000];
	v5 =	vsub.s32 v5, v1;
	v3 =	vmin.u32 v3, $0x3100  }
0x112: {  	v9 =	vld [tilespmem:$0x4040];
	v5 =	vmin.u32 v5, $0x3100;
	v4 =	vsub.s32 v4, v1;
	[tilespmem:$0x4050] =	vst v3  }
0x113: {  	[tilespmem:$0x4060] =	vst v5;
	v4 =	vmin.u32 v4, $0x3100;
	v59 =	vsub.s32 v6, v1  }
0x114: {  	v60 =	vsub.s32 v7, v1;
	[tilespmem:$0x4070] =	vst v4;
	v5 =	vmin.u32 v59, $0x3100  }
0x115: {  	v61 =	vsub.s32 v8, v1;
	v3 =	vmin.u32 v60, $0x3100;
	[tilespmem:$0x4030] =	vst v5  }
0x116: {  	v62 =	vsub.s32 v10, v1;
	v4 =	vmin.u32 v61, $0x3100;
	[tilespmem:$0x4010] =	vst v3  }
0x117: {  	v63 =	vmin.u32 v62, $0x3100;
	v3 =	vsub.s32 v9, v1;
	[tilespmem:$0x4020] =	vst v4  }
0x118: {  	[tilespmem:$0x4000] =	vst v63;
	v3 =	vmin.u32 v3, $0x3100  }
0x119: {  	[tilespmem:$0x4040] =	vst v3  }
0x11a: {  	[spmem:s18] =	stream.indirect.scatter.add.f32 [tilespmem:s15], [sflag:$0x1], $0x40, s4, s5, $0xb8;
	[tilespmem:$0x10880] =	vst v63  }
0x11b: {  	_ =	swait.ge [sflag:s3], $0x2000  }
0x11c: {  	[sflag:s3] =	ssyncset.done $0x0  }
0x11d: {  	[sflag:s3] =	ssyncadd.s32 $0xFFFFE000  }
0x11e: {  	[bflag:$0x0] =	sbarrier.arrive $0xFFFF  }
0x11f: {  	[tilespmem:s15], [sflag:$0x1] =	stream.linear.gather [spmem:s20], $0x4000, $0x38;
	[tilespmem:$0x10880] =	vst v63  }
0x120: {  	_ =	swait.ge [sflag:s3], $0x4000  }
0x121: {  	[sflag:s3] =	ssyncset.done $0x0  }
0x122: {  	s7 =	rddreg [dreg:$0xc];
	[sflag:s3] =	ssyncadd.s32 $0xFFFFC000  }
0x123: {  	[hbm4b:s7+s15] =	stream.linear.scatter [tilespmem:s15], [sflag:$0x1], $0x4000, $0x38;
	[tilespmem:$0x10880] =	vst v63  }
0x124: {  	_ =	swait.ge [sflag:s3], $0x4000  }
0x125: {  	[sflag:s3] =	ssyncset.done $0x0  }
0x126: {  	[sflag:s3] =	ssyncadd.s32 $0xFFFFC000  }
0x127: {  	[tilespmem:s15], [sflag:$0x1] =	stream.linear.gather [spmem:s21], $0x4000, $0x38;
	[tilespmem:$0x10880] =	vst v63  }
0x128: {  	_ =	swait.ge [sflag:s3], $0x4000  }
0x129: {  	[sflag:s3] =	ssyncset.done $0x0  }
0x12a: {  	s29 =	rddreg [dreg:$0xd];
	[sflag:s3] =	ssyncadd.s32 $0xFFFFC000  }
0x12b: {  	[hbm4b:s29+s15] =	stream.linear.scatter [tilespmem:s15], [sflag:$0x1], $0x4000, $0x38;
	[tilespmem:$0x10880] =	vst v63  }
0x12c: {  	_ =	swait.ge [sflag:s3], $0x4000  }
0x12d: {  	[sflag:s3] =	ssyncset.done $0x0  }
0x12e: {  	[sflag:s3] =	ssyncadd.s32 $0xFFFFC000  }
0x12f: {  	[tilespmem:s15], [sflag:$0x1] =	stream.linear.gather [spmem:s22], $0x4000, $0x38;
	[tilespmem:$0x10880] =	vst v63  }
0x130: {  	_ =	swait.ge [sflag:s3], $0x4000  }
0x131: {  	[sflag:s3] =	ssyncset.done $0x0  }
0x132: {  	[sflag:s3] =	ssyncadd.s32 $0xFFFFC000  }
0x133: {  	[hbm4b:s10+s15] =	stream.linear.scatter [tilespmem:s15], [sflag:$0x1], $0x4000, $0x38;
	[tilespmem:$0x10880] =	vst v63  }
0x134: {  	_ =	swait.ge [sflag:s3], $0x4000  }
0x135: {  	[sflag:s3] =	ssyncset.done $0x0  }
0x136: {  	[sflag:s3] =	ssyncadd.s32 $0xFFFFC000  }
0x137: {  	[tilespmem:s15], [sflag:$0x1] =	stream.linear.gather [spmem:s23], $0x4000, $0x38;
	[tilespmem:$0x10880] =	vst v63  }
0x138: {  	_ =	swait.ge [sflag:s3], $0x4000  }
0x139: {  	[sflag:s3] =	ssyncset.done $0x0  }
0x13a: {  	[sflag:s3] =	ssyncadd.s32 $0xFFFFC000  }
0x13b: {  	[hbm4b:s11+s15] =	stream.linear.scatter [tilespmem:s15], [sflag:$0x1], $0x4000, $0x38;
	[tilespmem:$0x10880] =	vst v63  }
0x13c: {  	_ =	swait.ge [sflag:s3], $0x4000  }
0x13d: {  	[sflag:s3] =	ssyncset.done $0x0  }
0x13e: {  	[sflag:s3] =	ssyncadd.s32 $0xFFFFC000  }
0x13f: {  	[tilespmem:s15], [sflag:$0x1] =	stream.linear.gather [spmem:s24], $0x4000, $0x38;
	[tilespmem:$0x10880] =	vst v63  }
0x140: {  	_ =	swait.ge [sflag:s3], $0x4000  }
0x141: {  	[sflag:s3] =	ssyncset.done $0x0  }
0x142: {  	[sflag:s3] =	ssyncadd.s32 $0xFFFFC000  }
0x143: {  	[hbm4b:s12+s15] =	stream.linear.scatter [tilespmem:s15], [sflag:$0x1], $0x4000, $0x38;
	[tilespmem:$0x10880] =	vst v63  }
0x144: {  	_ =	swait.ge [sflag:s3], $0x4000  }
0x145: {  	[sflag:s3] =	ssyncset.done $0x0  }
0x146: {  	[sflag:s3] =	ssyncadd.s32 $0xFFFFC000  }
0x147: {  	[tilespmem:s15], [sflag:$0x1] =	stream.linear.gather [spmem:s25], $0x4000, $0x38;
	[tilespmem:$0x10880] =	vst v63  }
0x148: {  	_ =	swait.ge [sflag:s3], $0x4000  }
0x149: {  	[sflag:s3] =	ssyncset.done $0x0  }
0x14a: {  	[sflag:s3] =	ssyncadd.s32 $0xFFFFC000  }
0x14b: {  	[hbm4b:s13+s15] =	stream.linear.scatter [tilespmem:s15], [sflag:$0x1], $0x4000, $0x38;
	[tilespmem:$0x10880] =	vst v63  }
0x14c: {  	_ =	swait.ge [sflag:s3], $0x4000  }
0x14d: {  	[sflag:s3] =	ssyncset.done $0x0  }
0x14e: {  	[sflag:s3] =	ssyncadd.s32 $0xFFFFC000  }
0x14f: {  	[tilespmem:s15], [sflag:$0x1] =	stream.linear.gather [spmem:s26], $0x800, $0x38;
	[tilespmem:$0x10880] =	vst v63  }
0x150: {  	s6 =	sadd.s32 $0x1, s6;
	_ =	swait.ge [sflag:s3], $0x800  }
0x151: {  	p0 =	sne.s32 s6, s28;
	[sflag:s3] =	ssyncset.done $0x0  }
.Ltmp4:
0x152: {  	[sflag:s3] =	ssyncadd.s32 $0xFFFFF800;
	(pc) =	sbr.rel @p0 .LBB2_1-.Ltmp4, $4  }
0x153: {  	[hbm4b:s14+s15] =	stream.linear.scatter [tilespmem:s15], [sflag:$0x1], $0x800, $0x38;
	[tilespmem:$0x10880] =	vst v63  }
0x154: {  	_ =	swait.ge [sflag:s3], $0x800  }
0x155: {  	[sflag:s3] =	ssyncset.done $0x0  }
0x156: {  	[sflag:s3] =	ssyncadd.s32 $0xFFFFF800  }
0x157: {  	_ =	sfence.sel $0x180000  }
0x158: {  	[bflag:$0x0] =	sbarrier.arrive $0xFFFF  }
0x159: {  	_ =	strace $0x90000047  }
0x15a: {  	s0 =	stileid.u32;
	[bflag:$0x2] =	sbarrier.arrive $0xFFFF  }
0x15b: {  	p0 =	sne.s32 s0, $0x0;
	s0 =	rddreg [dreg:$0x4]  }
0x15c: {  	s0 =	sadd.s32 @!p0 $0x100000, s0  }
0x15d: {  	[sflag:s0] =	ssyncadd.tile.s32 @!p0 $0x1;
	_ =	shalt  }
.Lfunc_end2:
_tile_overlayer_lowered:
.L_overlay_start_2:
0x15e: {  	(tag) =	ssettag $0x2  }
0x15f: {  	s0 =	rddreg [dreg:$0x0];
	s2 =	stileid.u32  }
0x160: {  	s1 =	rddreg [dreg:$0x1];
	p0 =	sne.s32 s2, $0x0  }
0x161: {  	s3 =	rddreg [dreg:$0x2];
	[bflag:$0x3] =	sbarrier.arrive $0xFFFF;
	s2 =	simm.s32 @!p0 $0x1C01  }
0x162: {  	[timem:s3], [sflag:s2] =	dma.local @!p0 [hbm:s0], s1  }
0x163: {  	s0 =	simm.s32 @!p0 $0x1  }
0x164: {  	_ =	swait.ge @!p0 [sflag:s0], s1  }
0x165: {  	s1 =	ssub.s32 @!p0 $0x0, s1;
	[sflag:s0] =	ssyncset.done @!p0 $0x0  }
0x166: {  	[sflag:s0] =	ssyncadd.s32 @!p0 s1  }
0x167: {  	[bflag:$0x3] =	sbarrier.arrive $0xFFFF  }
0x168: {  	_ =	shalt  }

</sc_bundles>
